<compile_context>
chip_gen: v7x
topology: tpu7x:2x2x1
jax: 0.10.2.dev20260603
libtpu: 0.0.44.dev20260713+nightly
codegen_flags: <defaults>
</compile_context>

<pallas_src>
import functools

import jax
import jax.numpy as jnp
from jax import lax
from jax.experimental import pallas as pl
from jax.experimental.pallas import tpu as pltpu
from jax.experimental.pallas import tpu_sc as plsc

_USER = 10000
_ITEM = 40000
_N = _USER + _ITEM
_E = 800000
_D = 64
_HID = 128

_NC = 2
_NS = 16
_HALF = _N // _NC
_DUMP_MASK = 1023
_ACC_ROWS = 26112
_RPT = _ACC_ROWS // _NS
_EB = 128
_NBLK = _E // _EB
_BQ, _BR = _NBLK // _NS, _NBLK % _NS


@functools.lru_cache(maxsize=None)
def _make_segsum(with_deg: bool):
  mesh = plsc.VectorSubcoreMesh(core_axis_name="c", subcore_axis_name="s",
                                num_cores=_NC, num_subcores=_NS)
  out_type = [jax.ShapeDtypeStruct((_NC * _ACC_ROWS, _D), jnp.float32)]
  scratch = [
      pltpu.VMEM((2, _EB), jnp.int32),
      pltpu.VMEM((2, _EB), jnp.int32),
      pltpu.VMEM((2, _EB, _D), jnp.float32),
      pltpu.VMEM((64, _D), jnp.float32),
      pltpu.VMEM_SHARED((_ACC_ROWS, _D), jnp.float32),
      pltpu.SemaphoreType.DMA((2,)),
      pltpu.SemaphoreType.DMA((2,)),
      pltpu.SemaphoreType.DMA((2,)),
  ]
  if with_deg:
    out_type.append(jax.ShapeDtypeStruct((_NC * _ACC_ROWS,), jnp.float32))
    scratch += [
        pltpu.VMEM((_EB,), jnp.float32),
        pltpu.VMEM((_RPT,), jnp.float32),
        pltpu.VMEM_SHARED((_ACC_ROWS,), jnp.float32),
        pltpu.SemaphoreType.DMA((2,)),
    ]

  @functools.partial(
      pl.kernel, mesh=mesh, out_type=tuple(out_type), scratch_types=scratch,
      compiler_params=pltpu.CompilerParams(use_tc_tiling_on_sc=False))
  def segsum(x_hbm, src_hbm, dst_hbm, *refs):
    if with_deg:
      (agg_out, deg_out, src_st, dst_st, rows_v, zrow_v, acc_sh,
       sem_st, sem_ga, sem_sc, ones_v, zdeg_v, deg_sh, sem_dg) = refs
    else:
      (agg_out, src_st, dst_st, rows_v, zrow_v, acc_sh,
       sem_st, sem_ga, sem_sc) = refs
    c = lax.axis_index("c")
    s = lax.axis_index("s")
    lo = c * _HALF
    hi = lo + _HALF
    row0 = s * _RPT
    z16 = jnp.zeros((16,), jnp.float32)
    lane = lax.iota(jnp.int32, 16)

    def zrow_body(r, _):
      for j in range(_D // 16):
        zrow_v[r, pl.ds(j * 16, 16)] = z16
      return 0
    lax.fori_loop(0, 64, zrow_body, 0)
    for k in range(_RPT // 64):
      pltpu.sync_copy(zrow_v, acc_sh.at[pl.ds(row0 + k * 64, 64)])
    rem = _RPT % 64
    if rem:
      pltpu.sync_copy(zrow_v.at[pl.ds(0, rem)],
                      acc_sh.at[pl.ds(row0 + _RPT - rem, rem)])
    if with_deg:
      def zdeg_body(r, _):
        zdeg_v[pl.ds(r * 16, 16)] = z16
        return 0
      lax.fori_loop(0, _RPT // 16, zdeg_body, 0)

      def ones_body(r, _):
        ones_v[pl.ds(r * 16, 16)] = z16 + 1.0
        return 0
      lax.fori_loop(0, _EB // 16, ones_body, 0)
      pltpu.sync_copy(zdeg_v, deg_sh.at[pl.ds(row0, _RPT)])
    plsc.subcore_barrier()

    blk0 = s * _BQ + jnp.minimum(s, _BR)
    nblk = _BQ + jnp.where(s < _BR, 1, 0)

    def start_stage(i, slot):
      e0 = (blk0 + i) * _EB
      pltpu.async_copy(src_hbm.at[pl.ds(e0, _EB)], src_st.at[slot],
                       sem_st.at[slot])
      pltpu.async_copy(dst_hbm.at[pl.ds(e0, _EB)], dst_st.at[slot],
                       sem_st.at[slot])

    start_stage(0, 0)

    def body(i, _):
      slot = lax.rem(i, 2)
      nslot = 1 - slot
      e0 = (blk0 + i) * _EB
      pltpu.make_async_copy(src_hbm.at[pl.ds(e0, _EB)], src_st.at[slot],
                            sem_st.at[slot]).wait()
      pltpu.make_async_copy(dst_hbm.at[pl.ds(e0, _EB)], dst_st.at[slot],
                            sem_st.at[slot]).wait()
      pltpu.async_copy(x_hbm.at[src_st.at[slot]], rows_v.at[slot],
                       sem_ga.at[slot])

      @pl.when(i >= 1)
      def _():
        pltpu.make_async_copy(rows_v.at[nslot], acc_sh.at[dst_st.at[nslot]],
                              sem_sc.at[nslot]).wait()
        if with_deg:
          pltpu.make_async_copy(ones_v, deg_sh.at[dst_st.at[nslot]],
                                sem_dg.at[nslot]).wait()

      @pl.when(i + 1 < nblk)
      def _():
        start_stage(i + 1, nslot)

      def remap(j, _):
        d = dst_st[slot, pl.ds(j * 16, 16)]
        mine = (d >= lo) & (d < hi)
        dump = _HALF + ((j * 16 + lane) & _DUMP_MASK)
        dst_st[slot, pl.ds(j * 16, 16)] = jnp.where(mine, d - lo, dump)
        return 0
      lax.fori_loop(0, _EB // 16, remap, 0)

      pltpu.make_async_copy(x_hbm.at[src_st.at[slot]], rows_v.at[slot],
                            sem_ga.at[slot]).wait()
      pltpu.async_copy(rows_v.at[slot], acc_sh.at[dst_st.at[slot]],
                       sem_sc.at[slot], add=True)
      if with_deg:
        pltpu.async_copy(ones_v, deg_sh.at[dst_st.at[slot]],
                         sem_dg.at[slot], add=True)
      return 0
    lax.fori_loop(0, nblk, body, 0)

    lslot = lax.rem(nblk - 1, 2)
    pltpu.make_async_copy(rows_v.at[lslot], acc_sh.at[dst_st.at[lslot]],
                          sem_sc.at[lslot]).wait()
    if with_deg:
      pltpu.make_async_copy(ones_v, deg_sh.at[dst_st.at[lslot]],
                            sem_dg.at[lslot]).wait()
    plsc.subcore_barrier()

    o0 = c * _ACC_ROWS + row0
    pltpu.sync_copy(acc_sh.at[pl.ds(row0, _RPT)], agg_out.at[pl.ds(o0, _RPT)])
    if with_deg:
      pltpu.sync_copy(deg_sh.at[pl.ds(row0, _RPT)], deg_out.at[pl.ds(o0, _RPT)])

  return segsum


def _unpad(a):
  return jnp.concatenate([a[:_HALF], a[_ACC_ROWS:_ACC_ROWS + _HALF]], axis=0)



_BM = 2000


def _full(shape):
  return pl.BlockSpec(shape, lambda i: (0, 0))


def _rows(shape):
  return pl.BlockSpec(shape, lambda i: (i, 0))


def _fusion_body(v, a, t, wv, wa, wt, b, o):
  o[...] = (jnp.dot(v[...], wv[...], preferred_element_type=jnp.float32)
            + jnp.dot(a[...], wa[...], preferred_element_type=jnp.float32)
            + jnp.dot(t[...], wt[...], preferred_element_type=jnp.float32)
            + b[...])


def _tc_fusion(video, audio, title, wv, wa, wt, bf):
  return pl.pallas_call(
      _fusion_body,
      grid=(_ITEM // _BM,),
      in_specs=[_rows((_BM, 64)), _rows((_BM, 64)), _rows((_BM, 32)),
                _full((64, 64)), _full((64, 64)), _full((32, 64)),
                _full((1, 64))],
      out_specs=_rows((_BM, 64)),
      out_shape=jax.ShapeDtypeStruct((_ITEM, 64), jnp.float32),
  )(video, audio, title, wv, wa, wt, bf)


def _sage_body(agg, deg, x, wl, wr, b, h_ref, s_ref, q_ref):
  mean = agg[...] / jnp.maximum(deg[...], 1.0)
  h = (jnp.dot(mean, wl[...], preferred_element_type=jnp.float32)
       + jnp.dot(x[...], wr[...], preferred_element_type=jnp.float32)
       + b[...])
  h_ref[...] = h

  @pl.when(pl.program_id(0) == 0)
  def _():
    s_ref[...] = jnp.zeros_like(s_ref)
    q_ref[...] = jnp.zeros_like(q_ref)
  s_ref[...] += jnp.sum(h, axis=0, keepdims=True)
  q_ref[...] += jnp.sum(h * h, axis=0, keepdims=True)


def _tc_sage(agg, deg, x, wl, wr, b, width):
  return pl.pallas_call(
      _sage_body,
      grid=(_N // _BM,),
      in_specs=[_rows((_BM, _D)), _rows((_BM, 1)), _rows((_BM, _D)),
                _full((_D, width)), _full((_D, width)), _full((1, width))],
      out_specs=[_rows((_BM, width)), _full((1, width)), _full((1, width))],
      out_shape=[jax.ShapeDtypeStruct((_N, width), jnp.float32),
                 jax.ShapeDtypeStruct((1, width), jnp.float32),
                 jax.ShapeDtypeStruct((1, width), jnp.float32)],
  )(agg, deg, x, wl, wr, b)


def _mid_body(h, sc, sh, wl, wr, b, yw_ref, yr_ref):
  y = h[...] * sc[...] + sh[...]
  y = jnp.where(y > 0, y, 0.2 * y)
  yw_ref[...] = jnp.dot(y, wl[...], preferred_element_type=jnp.float32)
  yr_ref[...] = jnp.dot(y, wr[...], preferred_element_type=jnp.float32) + b[...]


def _tc_mid(h, scale, shift, w1l, w1r, b1):
  return pl.pallas_call(
      _mid_body,
      grid=(_N // _BM,),
      in_specs=[_rows((_BM, _HID)), _full((1, _HID)), _full((1, _HID)),
                _full((_HID, _D)), _full((_HID, _D)), _full((1, _D))],
      out_specs=[_rows((_BM, _D)), _rows((_BM, _D))],
      out_shape=[jax.ShapeDtypeStruct((_N, _D), jnp.float32),
                 jax.ShapeDtypeStruct((_N, _D), jnp.float32)],
  )(h, scale, shift, w1l, w1r, b1)


def _l1_body(agg, deg, yr, h_ref, s_ref, q_ref):
  h = agg[...] / jnp.maximum(deg[...], 1.0) + yr[...]
  h_ref[...] = h

  @pl.when(pl.program_id(0) == 0)
  def _():
    s_ref[...] = jnp.zeros_like(s_ref)
    q_ref[...] = jnp.zeros_like(q_ref)
  s_ref[...] += jnp.sum(h, axis=0, keepdims=True)
  q_ref[...] += jnp.sum(h * h, axis=0, keepdims=True)


def _tc_l1(agg, deg, yr):
  return pl.pallas_call(
      _l1_body,
      grid=(_N // _BM,),
      in_specs=[_rows((_BM, _D)), _rows((_BM, 1)), _rows((_BM, _D))],
      out_specs=[_rows((_BM, _D)), _full((1, _D)), _full((1, _D))],
      out_shape=[jax.ShapeDtypeStruct((_N, _D), jnp.float32),
                 jax.ShapeDtypeStruct((1, _D), jnp.float32),
                 jax.ShapeDtypeStruct((1, _D), jnp.float32)],
  )(agg, deg, yr)


def _final_body(x, h, sc, sh, o_ref):
  o_ref[...] = x[...] + h[...] * sc[...] + sh[...]


def _tc_final(x, h1, scale, shift):
  return pl.pallas_call(
      _final_body,
      grid=(_N // _BM,),
      in_specs=[_rows((_BM, _D)), _rows((_BM, _D)), _full((1, _D)),
                _full((1, _D))],
      out_specs=_rows((_BM, _D)),
      out_shape=jax.ShapeDtypeStruct((_N, _D), jnp.float32),
  )(x, h1, scale, shift)


def _bn_coeffs(ssum, ssq, g, be):
  m = ssum[0] / _N
  var = ssq[0] / _N - m * m
  scale = g / jnp.sqrt(var + 1e-5)
  shift = be - m * scale
  return scale[None, :], shift[None, :]


def kernel(video, audio, title, edge_index, user_emb, Wf, bf,
           W0l, W0r, b0, g0, be0, W1l, W1r, b1, g1, be1):
  src = edge_index[0]
  dst = edge_index[1]

  item_repr = _tc_fusion(video, audio, title,
                         Wf[:64], Wf[64:128], Wf[128:160], bf[None, :])
  all_emb = jnp.concatenate([user_emb, item_repr], axis=0)

  agg0_p, deg_p = _make_segsum(True)(all_emb, src, dst)
  agg0 = _unpad(agg0_p)
  deg = _unpad(deg_p)[:, None]

  h, ssum0, ssq0 = _tc_sage(agg0, deg, all_emb, W0l, W0r, b0[None, :], _HID)
  scale0, shift0 = _bn_coeffs(ssum0, ssq0, g0, be0)

  yw, yr = _tc_mid(h, scale0, shift0, W1l, W1r, b1[None, :])

  (agg1_p,) = _make_segsum(False)(yw, src, dst)
  agg1 = _unpad(agg1_p)

  h1, ssum1, ssq1 = _tc_l1(agg1, deg, yr)
  scale1, shift1 = _bn_coeffs(ssum1, ssq1, g1, be1)

  return _tc_final(all_emb, h1, scale1, shift1)

# --- scband reference (transcript-rebuilt; emitter-appended) ---
"""Pipeline reference for scband-gcn-1125281431770 (READ-ONLY COPY).

The authoritative reference and input builder live on the scoring server;
editing this copy changes nothing except your own understanding.
"""

import jax, jax.numpy as jnp
import numpy as np

USER_NUM = 10000
ITEM_NUM = 40000
N_NODES = USER_NUM + ITEM_NUM
N_EDGES = 800000
EMB = 64
HID = 128
VID_D = 64
AUD_D = 64
TIT_D = 32


def setup_inputs(seed: int = 0) -> dict:
    key = jax.random.key(seed)
    ks = jax.random.split(key, 20)
    inp = {}
    inp["video"] = jax.random.normal(ks[0], (ITEM_NUM, VID_D), jnp.float32)
    inp["audio"] = jax.random.normal(ks[1], (ITEM_NUM, AUD_D), jnp.float32)
    inp["title"] = jax.random.normal(ks[2], (ITEM_NUM, TIT_D), jnp.float32)
    inp["edge_index"] = jax.random.randint(ks[3], (2, N_EDGES), 0, N_NODES, dtype=jnp.int32)
    # learned parameters
    inp["user_emb"] = jax.random.normal(ks[4], (USER_NUM, EMB), jnp.float32) * 0.1
    fin = VID_D + AUD_D + TIT_D
    inp["Wf"] = jax.random.normal(ks[5], (fin, EMB), jnp.float32) / np.sqrt(fin)
    inp["bf"] = jnp.zeros((EMB,), jnp.float32)
    inp["W0l"] = jax.random.normal(ks[6], (EMB, HID), jnp.float32) / np.sqrt(EMB)
    inp["W0r"] = jax.random.normal(ks[7], (EMB, HID), jnp.float32) / np.sqrt(EMB)
    inp["b0"] = jnp.zeros((HID,), jnp.float32)
    inp["g0"] = jnp.ones((HID,), jnp.float32)
    inp["be0"] = jnp.zeros((HID,), jnp.float32)
    inp["W1l"] = jax.random.normal(ks[8], (HID, EMB), jnp.float32) / np.sqrt(HID)
    inp["W1r"] = jax.random.normal(ks[9], (HID, EMB), jnp.float32) / np.sqrt(HID)
    inp["b1"] = jnp.zeros((EMB,), jnp.float32)
    inp["g1"] = jnp.ones((EMB,), jnp.float32)
    inp["be1"] = jnp.zeros((EMB,), jnp.float32)
    return inp


def _sage_conv(x, src, dst, Wl, Wr, b):
    # GraphSAGE mean aggregation: messages flow src -> dst
    msgs = jnp.take(x, src, axis=0)
    agg = jax.ops.segment_sum(msgs, dst, num_segments=N_NODES)
    deg = jax.ops.segment_sum(jnp.ones((src.shape[0], 1), x.dtype), dst, num_segments=N_NODES)
    mean = agg / jnp.maximum(deg, 1.0)
    return mean @ Wl + x @ Wr + b


def _batch_norm(x, g, b, eps=1e-5):
    m = jnp.mean(x, axis=0)
    v = jnp.var(x, axis=0)
    return (x - m) / jnp.sqrt(v + eps) * g + b


def reference(video, audio, title, edge_index, user_emb, Wf, bf,
              W0l, W0r, b0, g0, be0, W1l, W1r, b1, g1, be1):
    # fusion net: project multimodal item features to embedding_dim
    item_repr = jnp.concatenate([video, audio, title], axis=1) @ Wf + bf
    all_emb = jnp.concatenate([user_emb, item_repr], axis=0)
    src = edge_index[0]
    dst = edge_index[1]
    x = _sage_conv(all_emb, src, dst, W0l, W0r, b0)
    x = _batch_norm(x, g0, be0)
    x = jnp.where(x > 0, x, 0.2 * x)  # leaky_relu(0.2); dropout is identity in eval
    x = _sage_conv(x, src, dst, W1l, W1r, b1)
    x = _batch_norm(x, g1, be1)
    final_embeddings = all_emb + x  # residual since dims match
    return final_embeddings

if __name__ == "__main__":
    import jax
    _d = setup_inputs()
    print(jax.jit(kernel)(*tuple(_d.values())))

</pallas_src>

<mosaic_0001>
#map = affine_map<(d0, d1) -> (0, 0)>
#map1 = affine_map<(d0, d1) -> (0)>
module attributes {stable_mosaic.version = 14 : i64} {
  func.func @segsum(%arg0: i32, %arg1: i32, %arg2: memref<50000x64xf32, #tpu.memory_space<hbm>>, %arg3: memref<800000xi32, #tpu.memory_space<hbm>>, %arg4: memref<800000xi32, #tpu.memory_space<hbm>>, %arg5: memref<52224x64xf32, #tpu.memory_space<hbm>>, %arg6: memref<52224xf32, #tpu.memory_space<hbm>>, %arg7: memref<2x128xi32, #tpu.memory_space<vmem>>, %arg8: memref<2x128xi32, #tpu.memory_space<vmem>>, %arg9: memref<2x128x64xf32, #tpu.memory_space<vmem>>, %arg10: memref<64x64xf32, #tpu.memory_space<vmem>>, %arg11: memref<26112x64xf32, #tpu.memory_space<vmem_shared>>, %arg12: memref<2x!tpu.dma_semaphore, #tpu.memory_space<semaphore_mem>>, %arg13: memref<2x!tpu.dma_semaphore, #tpu.memory_space<semaphore_mem>>, %arg14: memref<2x!tpu.dma_semaphore, #tpu.memory_space<semaphore_mem>>, %arg15: memref<128xf32, #tpu.memory_space<vmem>>, %arg16: memref<1632xf32, #tpu.memory_space<vmem>>, %arg17: memref<26112xf32, #tpu.memory_space<vmem_shared>>, %arg18: memref<2x!tpu.dma_semaphore, #tpu.memory_space<semaphore_mem>>) attributes {dimension_semantics = [#tpu.dimension_semantics<core_parallel>, #tpu.dimension_semantics<subcore_parallel>], iteration_bounds = array<i64: 2, 16>, scalar_prefetch = 0 : i64, scratch_operands = 12 : i64, tpu.core_type = #tpu.core_type<sc_vector_subcore>, window_params = [{transform_indices = #map}, {transform_indices = #map1}, {transform_indices = #map1}, {transform_indices = #map}, {transform_indices = #map1}]} {
    %mul3A = arith.constant 25000 : i32
    %mul3A_0 = arith.muli %arg0, %mul3A : i32
    %add3A = arith.constant 25000 : i32
    %add3A_1 = arith.addi %mul3A_0, %add3A : i32
    %mul3A_2 = arith.constant 1632 : i32
    %mul3A_3 = arith.muli %arg1, %mul3A_2 : i32
    %broadcast_in_dim3A = arith.constant 0.000000e+00 : f32
    %broadcast_in_dim3A_4 = vector.broadcast %broadcast_in_dim3A : f32 to vector<16xf32>
    %iota3A = tpu.iota {dimensions = array<i32: 0>} : vector<16xi32>
    %scan3A = arith.constant 0 : i32
    %scan3A_5 = arith.constant 0 : i32
    %scan3A_6 = arith.constant 64 : i32
    %scan3A_7 = arith.addi %scan3A_5, %scan3A_6 : i32
    %scan3A_8 = arith.constant 1 : i32
    %scan3A_9 = scf.for %scan3A_149 = %scan3A_5 to %scan3A_7 step %scan3A_8 iter_args(%scan3A_150 = %scan3A) -> (i32)  : i32 {
      %swap3A = arith.index_cast %scan3A_149 : i32 to index
      %swap3A_151 = arith.constant 0 : index
      %swap3A_152 = tpu.vector_load %arg10[%swap3A, %swap3A_151] {strides = array<i32>} : memref<64x64xf32, #tpu.memory_space<vmem>>, vector<1x16xf32>,
      %swap3A_153 = vector.shape_cast %swap3A_152 : vector<1x16xf32> to vector<16xf32>
      %swap3A_154 = vector.shape_cast %broadcast_in_dim3A_4 : vector<16xf32> to vector<1x16xf32>
      tpu.vector_store %arg10[%swap3A, %swap3A_151], %swap3A_154 {strides = array<i32>} : memref<64x64xf32, #tpu.memory_space<vmem>>, vector<1x16xf32>,
      %swap3A_155 = arith.index_cast %scan3A_149 : i32 to index
      %swap3A_156 = arith.constant 16 : index
      %swap3A_157 = tpu.vector_load %arg10[%swap3A_155, %swap3A_156] {strides = array<i32>} : memref<64x64xf32, #tpu.memory_space<vmem>>, vector<1x16xf32>,
      %swap3A_158 = vector.shape_cast %swap3A_157 : vector<1x16xf32> to vector<16xf32>
      %swap3A_159 = vector.shape_cast %broadcast_in_dim3A_4 : vector<16xf32> to vector<1x16xf32>
      tpu.vector_store %arg10[%swap3A_155, %swap3A_156], %swap3A_159 {strides = array<i32>} : memref<64x64xf32, #tpu.memory_space<vmem>>, vector<1x16xf32>,
      %swap3A_160 = arith.index_cast %scan3A_149 : i32 to index
      %swap3A_161 = arith.constant 32 : index
      %swap3A_162 = tpu.vector_load %arg10[%swap3A_160, %swap3A_161] {strides = array<i32>} : memref<64x64xf32, #tpu.memory_space<vmem>>, vector<1x16xf32>,
      %swap3A_163 = vector.shape_cast %swap3A_162 : vector<1x16xf32> to vector<16xf32>
      %swap3A_164 = vector.shape_cast %broadcast_in_dim3A_4 : vector<16xf32> to vector<1x16xf32>
      tpu.vector_store %arg10[%swap3A_160, %swap3A_161], %swap3A_164 {strides = array<i32>} : memref<64x64xf32, #tpu.memory_space<vmem>>, vector<1x16xf32>,
      %swap3A_165 = arith.index_cast %scan3A_149 : i32 to index
      %swap3A_166 = arith.constant 48 : index
      %swap3A_167 = tpu.vector_load %arg10[%swap3A_165, %swap3A_166] {strides = array<i32>} : memref<64x64xf32, #tpu.memory_space<vmem>>, vector<1x16xf32>,
      %swap3A_168 = vector.shape_cast %swap3A_167 : vector<1x16xf32> to vector<16xf32>
      %swap3A_169 = vector.shape_cast %broadcast_in_dim3A_4 : vector<16xf32> to vector<1x16xf32>
      tpu.vector_store %arg10[%swap3A_165, %swap3A_166], %swap3A_169 {strides = array<i32>} : memref<64x64xf32, #tpu.memory_space<vmem>>, vector<1x16xf32>,
      %scan3A_170 = arith.constant 0 : i32
      scf.yield %scan3A_170 : i32
    }
    %scan3A_10 = arith.constant 64 : i32
    %add3A_11 = arith.constant 0 : i32
    %add3A_12 = arith.addi %mul3A_3, %add3A_11 : i32
    "tpu.region"() ({
      %run_scoped3A = tpu.sem_alloc : memref<!tpu.dma_semaphore, #tpu.memory_space<semaphore_mem>>
      %dma_start3A_149 = arith.constant 0 : i32
      %dma_start3A_150 = tpu.memref_slice %arg11[%add3A_12, %dma_start3A_149] : memref<26112x64xf32, #tpu.memory_space<vmem_shared>> -> memref<64x64xf32, #tpu.memory_space<vmem_shared>>
      %dma_start3A_151 = arith.constant 0 : i32
      %dma_start3A_152 = tpu.memref_slice %arg11[%add3A_12, %dma_start3A_151] : memref<26112x64xf32, #tpu.memory_space<vmem_shared>> -> memref<64x64xf32, #tpu.memory_space<vmem_shared>>
      tpu.enqueue_dma source(%arg10 : memref<64x64xf32, #tpu.memory_space<vmem>>) target(%dma_start3A_152 : memref<64x64xf32, #tpu.memory_space<vmem_shared>>) target_semaphore(%run_scoped3A : memref<!tpu.dma_semaphore, #tpu.memory_space<semaphore_mem>>)
      %dma_wait3A_153 = arith.constant 0 : i32
      %dma_wait3A_154 = tpu.memref_slice %arg11[%add3A_12, %dma_wait3A_153] : memref<26112x64xf32, #tpu.memory_space<vmem_shared>> -> memref<64x64xf32, #tpu.memory_space<vmem_shared>>
      %dma_wait3A_155 = arith.constant 0 : i32
      %dma_wait3A_156 = tpu.memref_slice %arg11[%add3A_12, %dma_wait3A_155] : memref<26112x64xf32, #tpu.memory_space<vmem_shared>> -> memref<64x64xf32, #tpu.memory_space<vmem_shared>>
      tpu.wait_dma2 semaphore(%run_scoped3A : memref<!tpu.dma_semaphore, #tpu.memory_space<semaphore_mem>>) src(%arg10 : memref<64x64xf32, #tpu.memory_space<vmem>>) dst(%dma_wait3A_156 : memref<64x64xf32, #tpu.memory_space<vmem_shared>>)
      tpu.yield
    }) : () -> ()
    %add3A_13 = arith.constant 64 : i32
    %add3A_14 = arith.addi %mul3A_3, %add3A_13 : i32
    "tpu.region"() ({
      %run_scoped3A = tpu.sem_alloc : memref<!tpu.dma_semaphore, #tpu.memory_space<semaphore_mem>>
      %dma_start3A_149 = arith.constant 0 : i32
      %dma_start3A_150 = tpu.memref_slice %arg11[%add3A_14, %dma_start3A_149] : memref<26112x64xf32, #tpu.memory_space<vmem_shared>> -> memref<64x64xf32, #tpu.memory_space<vmem_shared>>
      %dma_start3A_151 = arith.constant 0 : i32
      %dma_start3A_152 = tpu.memref_slice %arg11[%add3A_14, %dma_start3A_151] : memref<26112x64xf32, #tpu.memory_space<vmem_shared>> -> memref<64x64xf32, #tpu.memory_space<vmem_shared>>
      tpu.enqueue_dma source(%arg10 : memref<64x64xf32, #tpu.memory_space<vmem>>) target(%dma_start3A_152 : memref<64x64xf32, #tpu.memory_space<vmem_shared>>) target_semaphore(%run_scoped3A : memref<!tpu.dma_semaphore, #tpu.memory_space<semaphore_mem>>)
      %dma_wait3A_153 = arith.constant 0 : i32
      %dma_wait3A_154 = tpu.memref_slice %arg11[%add3A_14, %dma_wait3A_153] : memref<26112x64xf32, #tpu.memory_space<vmem_shared>> -> memref<64x64xf32, #tpu.memory_space<vmem_shared>>
      %dma_wait3A_155 = arith.constant 0 : i32
      %dma_wait3A_156 = tpu.memref_slice %arg11[%add3A_14, %dma_wait3A_155] : memref<26112x64xf32, #tpu.memory_space<vmem_shared>> -> memref<64x64xf32, #tpu.memory_space<vmem_shared>>
      tpu.wait_dma2 semaphore(%run_scoped3A : memref<!tpu.dma_semaphore, #tpu.memory_space<semaphore_mem>>) src(%arg10 : memref<64x64xf32, #tpu.memory_space<vmem>>) dst(%dma_wait3A_156 : memref<64x64xf32, #tpu.memory_space<vmem_shared>>)
      tpu.yield
    }) : () -> ()
    %add3A_15 = arith.constant 128 : i32
    %add3A_16 = arith.addi %mul3A_3, %add3A_15 : i32
    "tpu.region"() ({
      %run_scoped3A = tpu.sem_alloc : memref<!tpu.dma_semaphore, #tpu.memory_space<semaphore_mem>>
      %dma_start3A_149 = arith.constant 0 : i32
      %dma_start3A_150 = tpu.memref_slice %arg11[%add3A_16, %dma_start3A_149] : memref<26112x64xf32, #tpu.memory_space<vmem_shared>> -> memref<64x64xf32, #tpu.memory_space<vmem_shared>>
      %dma_start3A_151 = arith.constant 0 : i32
      %dma_start3A_152 = tpu.memref_slice %arg11[%add3A_16, %dma_start3A_151] : memref<26112x64xf32, #tpu.memory_space<vmem_shared>> -> memref<64x64xf32, #tpu.memory_space<vmem_shared>>
      tpu.enqueue_dma source(%arg10 : memref<64x64xf32, #tpu.memory_space<vmem>>) target(%dma_start3A_152 : memref<64x64xf32, #tpu.memory_space<vmem_shared>>) target_semaphore(%run_scoped3A : memref<!tpu.dma_semaphore, #tpu.memory_space<semaphore_mem>>)
      %dma_wait3A_153 = arith.constant 0 : i32
      %dma_wait3A_154 = tpu.memref_slice %arg11[%add3A_16, %dma_wait3A_153] : memref<26112x64xf32, #tpu.memory_space<vmem_shared>> -> memref<64x64xf32, #tpu.memory_space<vmem_shared>>
      %dma_wait3A_155 = arith.constant 0 : i32
      %dma_wait3A_156 = tpu.memref_slice %arg11[%add3A_16, %dma_wait3A_155] : memref<26112x64xf32, #tpu.memory_space<vmem_shared>> -> memref<64x64xf32, #tpu.memory_space<vmem_shared>>
      tpu.wait_dma2 semaphore(%run_scoped3A : memref<!tpu.dma_semaphore, #tpu.memory_space<semaphore_mem>>) src(%arg10 : memref<64x64xf32, #tpu.memory_space<vmem>>) dst(%dma_wait3A_156 : memref<64x64xf32, #tpu.memory_space<vmem_shared>>)
      tpu.yield
    }) : () -> ()
    %add3A_17 = arith.constant 192 : i32
    %add3A_18 = arith.addi %mul3A_3, %add3A_17 : i32
    "tpu.region"() ({
      %run_scoped3A = tpu.sem_alloc : memref<!tpu.dma_semaphore, #tpu.memory_space<semaphore_mem>>
      %dma_start3A_149 = arith.constant 0 : i32
      %dma_start3A_150 = tpu.memref_slice %arg11[%add3A_18, %dma_start3A_149] : memref<26112x64xf32, #tpu.memory_space<vmem_shared>> -> memref<64x64xf32, #tpu.memory_space<vmem_shared>>
      %dma_start3A_151 = arith.constant 0 : i32
      %dma_start3A_152 = tpu.memref_slice %arg11[%add3A_18, %dma_start3A_151] : memref<26112x64xf32, #tpu.memory_space<vmem_shared>> -> memref<64x64xf32, #tpu.memory_space<vmem_shared>>
      tpu.enqueue_dma source(%arg10 : memref<64x64xf32, #tpu.memory_space<vmem>>) target(%dma_start3A_152 : memref<64x64xf32, #tpu.memory_space<vmem_shared>>) target_semaphore(%run_scoped3A : memref<!tpu.dma_semaphore, #tpu.memory_space<semaphore_mem>>)
      %dma_wait3A_153 = arith.constant 0 : i32
      %dma_wait3A_154 = tpu.memref_slice %arg11[%add3A_18, %dma_wait3A_153] : memref<26112x64xf32, #tpu.memory_space<vmem_shared>> -> memref<64x64xf32, #tpu.memory_space<vmem_shared>>
      %dma_wait3A_155 = arith.constant 0 : i32
      %dma_wait3A_156 = tpu.memref_slice %arg11[%add3A_18, %dma_wait3A_155] : memref<26112x64xf32, #tpu.memory_space<vmem_shared>> -> memref<64x64xf32, #tpu.memory_space<vmem_shared>>
      tpu.wait_dma2 semaphore(%run_scoped3A : memref<!tpu.dma_semaphore, #tpu.memory_space<semaphore_mem>>) src(%arg10 : memref<64x64xf32, #tpu.memory_space<vmem>>) dst(%dma_wait3A_156 : memref<64x64xf32, #tpu.memory_space<vmem_shared>>)
      tpu.yield
    }) : () -> ()
    %add3A_19 = arith.constant 256 : i32
    %add3A_20 = arith.addi %mul3A_3, %add3A_19 : i32
    "tpu.region"() ({
      %run_scoped3A = tpu.sem_alloc : memref<!tpu.dma_semaphore, #tpu.memory_space<semaphore_mem>>
      %dma_start3A_149 = arith.constant 0 : i32
      %dma_start3A_150 = tpu.memref_slice %arg11[%add3A_20, %dma_start3A_149] : memref<26112x64xf32, #tpu.memory_space<vmem_shared>> -> memref<64x64xf32, #tpu.memory_space<vmem_shared>>
      %dma_start3A_151 = arith.constant 0 : i32
      %dma_start3A_152 = tpu.memref_slice %arg11[%add3A_20, %dma_start3A_151] : memref<26112x64xf32, #tpu.memory_space<vmem_shared>> -> memref<64x64xf32, #tpu.memory_space<vmem_shared>>
      tpu.enqueue_dma source(%arg10 : memref<64x64xf32, #tpu.memory_space<vmem>>) target(%dma_start3A_152 : memref<64x64xf32, #tpu.memory_space<vmem_shared>>) target_semaphore(%run_scoped3A : memref<!tpu.dma_semaphore, #tpu.memory_space<semaphore_mem>>)
      %dma_wait3A_153 = arith.constant 0 : i32
      %dma_wait3A_154 = tpu.memref_slice %arg11[%add3A_20, %dma_wait3A_153] : memref<26112x64xf32, #tpu.memory_space<vmem_shared>> -> memref<64x64xf32, #tpu.memory_space<vmem_shared>>
      %dma_wait3A_155 = arith.constant 0 : i32
      %dma_wait3A_156 = tpu.memref_slice %arg11[%add3A_20, %dma_wait3A_155] : memref<26112x64xf32, #tpu.memory_space<vmem_shared>> -> memref<64x64xf32, #tpu.memory_space<vmem_shared>>
      tpu.wait_dma2 semaphore(%run_scoped3A : memref<!tpu.dma_semaphore, #tpu.memory_space<semaphore_mem>>) src(%arg10 : memref<64x64xf32, #tpu.memory_space<vmem>>) dst(%dma_wait3A_156 : memref<64x64xf32, #tpu.memory_space<vmem_shared>>)
      tpu.yield
    }) : () -> ()
    %add3A_21 = arith.constant 320 : i32
    %add3A_22 = arith.addi %mul3A_3, %add3A_21 : i32
    "tpu.region"() ({
      %run_scoped3A = tpu.sem_alloc : memref<!tpu.dma_semaphore, #tpu.memory_space<semaphore_mem>>
      %dma_start3A_149 = arith.constant 0 : i32
      %dma_start3A_150 = tpu.memref_slice %arg11[%add3A_22, %dma_start3A_149] : memref<26112x64xf32, #tpu.memory_space<vmem_shared>> -> memref<64x64xf32, #tpu.memory_space<vmem_shared>>
      %dma_start3A_151 = arith.constant 0 : i32
      %dma_start3A_152 = tpu.memref_slice %arg11[%add3A_22, %dma_start3A_151] : memref<26112x64xf32, #tpu.memory_space<vmem_shared>> -> memref<64x64xf32, #tpu.memory_space<vmem_shared>>
      tpu.enqueue_dma source(%arg10 : memref<64x64xf32, #tpu.memory_space<vmem>>) target(%dma_start3A_152 : memref<64x64xf32, #tpu.memory_space<vmem_shared>>) target_semaphore(%run_scoped3A : memref<!tpu.dma_semaphore, #tpu.memory_space<semaphore_mem>>)
      %dma_wait3A_153 = arith.constant 0 : i32
      %dma_wait3A_154 = tpu.memref_slice %arg11[%add3A_22, %dma_wait3A_153] : memref<26112x64xf32, #tpu.memory_space<vmem_shared>> -> memref<64x64xf32, #tpu.memory_space<vmem_shared>>
      %dma_wait3A_155 = arith.constant 0 : i32
      %dma_wait3A_156 = tpu.memref_slice %arg11[%add3A_22, %dma_wait3A_155] : memref<26112x64xf32, #tpu.memory_space<vmem_shared>> -> memref<64x64xf32, #tpu.memory_space<vmem_shared>>
      tpu.wait_dma2 semaphore(%run_scoped3A : memref<!tpu.dma_semaphore, #tpu.memory_space<semaphore_mem>>) src(%arg10 : memref<64x64xf32, #tpu.memory_space<vmem>>) dst(%dma_wait3A_156 : memref<64x64xf32, #tpu.memory_space<vmem_shared>>)
      tpu.yield
    }) : () -> ()
    %add3A_23 = arith.constant 384 : i32
    %add3A_24 = arith.addi %mul3A_3, %add3A_23 : i32
    "tpu.region"() ({
      %run_scoped3A = tpu.sem_alloc : memref<!tpu.dma_semaphore, #tpu.memory_space<semaphore_mem>>
      %dma_start3A_149 = arith.constant 0 : i32
      %dma_start3A_150 = tpu.memref_slice %arg11[%add3A_24, %dma_start3A_149] : memref<26112x64xf32, #tpu.memory_space<vmem_shared>> -> memref<64x64xf32, #tpu.memory_space<vmem_shared>>
      %dma_start3A_151 = arith.constant 0 : i32
      %dma_start3A_152 = tpu.memref_slice %arg11[%add3A_24, %dma_start3A_151] : memref<26112x64xf32, #tpu.memory_space<vmem_shared>> -> memref<64x64xf32, #tpu.memory_space<vmem_shared>>
      tpu.enqueue_dma source(%arg10 : memref<64x64xf32, #tpu.memory_space<vmem>>) target(%dma_start3A_152 : memref<64x64xf32, #tpu.memory_space<vmem_shared>>) target_semaphore(%run_scoped3A : memref<!tpu.dma_semaphore, #tpu.memory_space<semaphore_mem>>)
      %dma_wait3A_153 = arith.constant 0 : i32
      %dma_wait3A_154 = tpu.memref_slice %arg11[%add3A_24, %dma_wait3A_153] : memref<26112x64xf32, #tpu.memory_space<vmem_shared>> -> memref<64x64xf32, #tpu.memory_space<vmem_shared>>
      %dma_wait3A_155 = arith.constant 0 : i32
      %dma_wait3A_156 = tpu.memref_slice %arg11[%add3A_24, %dma_wait3A_155] : memref<26112x64xf32, #tpu.memory_space<vmem_shared>> -> memref<64x64xf32, #tpu.memory_space<vmem_shared>>
      tpu.wait_dma2 semaphore(%run_scoped3A : memref<!tpu.dma_semaphore, #tpu.memory_space<semaphore_mem>>) src(%arg10 : memref<64x64xf32, #tpu.memory_space<vmem>>) dst(%dma_wait3A_156 : memref<64x64xf32, #tpu.memory_space<vmem_shared>>)
      tpu.yield
    }) : () -> ()
    %add3A_25 = arith.constant 448 : i32
    %add3A_26 = arith.addi %mul3A_3, %add3A_25 : i32
    "tpu.region"() ({
      %run_scoped3A = tpu.sem_alloc : memref<!tpu.dma_semaphore, #tpu.memory_space<semaphore_mem>>
      %dma_start3A_149 = arith.constant 0 : i32
      %dma_start3A_150 = tpu.memref_slice %arg11[%add3A_26, %dma_start3A_149] : memref<26112x64xf32, #tpu.memory_space<vmem_shared>> -> memref<64x64xf32, #tpu.memory_space<vmem_shared>>
      %dma_start3A_151 = arith.constant 0 : i32
      %dma_start3A_152 = tpu.memref_slice %arg11[%add3A_26, %dma_start3A_151] : memref<26112x64xf32, #tpu.memory_space<vmem_shared>> -> memref<64x64xf32, #tpu.memory_space<vmem_shared>>
      tpu.enqueue_dma source(%arg10 : memref<64x64xf32, #tpu.memory_space<vmem>>) target(%dma_start3A_152 : memref<64x64xf32, #tpu.memory_space<vmem_shared>>) target_semaphore(%run_scoped3A : memref<!tpu.dma_semaphore, #tpu.memory_space<semaphore_mem>>)
      %dma_wait3A_153 = arith.constant 0 : i32
      %dma_wait3A_154 = tpu.memref_slice %arg11[%add3A_26, %dma_wait3A_153] : memref<26112x64xf32, #tpu.memory_space<vmem_shared>> -> memref<64x64xf32, #tpu.memory_space<vmem_shared>>
      %dma_wait3A_155 = arith.constant 0 : i32
      %dma_wait3A_156 = tpu.memref_slice %arg11[%add3A_26, %dma_wait3A_155] : memref<26112x64xf32, #tpu.memory_space<vmem_shared>> -> memref<64x64xf32, #tpu.memory_space<vmem_shared>>
      tpu.wait_dma2 semaphore(%run_scoped3A : memref<!tpu.dma_semaphore, #tpu.memory_space<semaphore_mem>>) src(%arg10 : memref<64x64xf32, #tpu.memory_space<vmem>>) dst(%dma_wait3A_156 : memref<64x64xf32, #tpu.memory_space<vmem_shared>>)
      tpu.yield
    }) : () -> ()
    %add3A_27 = arith.constant 512 : i32
    %add3A_28 = arith.addi %mul3A_3, %add3A_27 : i32
    "tpu.region"() ({
      %run_scoped3A = tpu.sem_alloc : memref<!tpu.dma_semaphore, #tpu.memory_space<semaphore_mem>>
      %dma_start3A_149 = arith.constant 0 : i32
      %dma_start3A_150 = tpu.memref_slice %arg11[%add3A_28, %dma_start3A_149] : memref<26112x64xf32, #tpu.memory_space<vmem_shared>> -> memref<64x64xf32, #tpu.memory_space<vmem_shared>>
      %dma_start3A_151 = arith.constant 0 : i32
      %dma_start3A_152 = tpu.memref_slice %arg11[%add3A_28, %dma_start3A_151] : memref<26112x64xf32, #tpu.memory_space<vmem_shared>> -> memref<64x64xf32, #tpu.memory_space<vmem_shared>>
      tpu.enqueue_dma source(%arg10 : memref<64x64xf32, #tpu.memory_space<vmem>>) target(%dma_start3A_152 : memref<64x64xf32, #tpu.memory_space<vmem_shared>>) target_semaphore(%run_scoped3A : memref<!tpu.dma_semaphore, #tpu.memory_space<semaphore_mem>>)
      %dma_wait3A_153 = arith.constant 0 : i32
      %dma_wait3A_154 = tpu.memref_slice %arg11[%add3A_28, %dma_wait3A_153] : memref<26112x64xf32, #tpu.memory_space<vmem_shared>> -> memref<64x64xf32, #tpu.memory_space<vmem_shared>>
      %dma_wait3A_155 = arith.constant 0 : i32
      %dma_wait3A_156 = tpu.memref_slice %arg11[%add3A_28, %dma_wait3A_155] : memref<26112x64xf32, #tpu.memory_space<vmem_shared>> -> memref<64x64xf32, #tpu.memory_space<vmem_shared>>
      tpu.wait_dma2 semaphore(%run_scoped3A : memref<!tpu.dma_semaphore, #tpu.memory_space<semaphore_mem>>) src(%arg10 : memref<64x64xf32, #tpu.memory_space<vmem>>) dst(%dma_wait3A_156 : memref<64x64xf32, #tpu.memory_space<vmem_shared>>)
      tpu.yield
    }) : () -> ()
    %add3A_29 = arith.constant 576 : i32
    %add3A_30 = arith.addi %mul3A_3, %add3A_29 : i32
    "tpu.region"() ({
      %run_scoped3A = tpu.sem_alloc : memref<!tpu.dma_semaphore, #tpu.memory_space<semaphore_mem>>
      %dma_start3A_149 = arith.constant 0 : i32
      %dma_start3A_150 = tpu.memref_slice %arg11[%add3A_30, %dma_start3A_149] : memref<26112x64xf32, #tpu.memory_space<vmem_shared>> -> memref<64x64xf32, #tpu.memory_space<vmem_shared>>
      %dma_start3A_151 = arith.constant 0 : i32
      %dma_start3A_152 = tpu.memref_slice %arg11[%add3A_30, %dma_start3A_151] : memref<26112x64xf32, #tpu.memory_space<vmem_shared>> -> memref<64x64xf32, #tpu.memory_space<vmem_shared>>
      tpu.enqueue_dma source(%arg10 : memref<64x64xf32, #tpu.memory_space<vmem>>) target(%dma_start3A_152 : memref<64x64xf32, #tpu.memory_space<vmem_shared>>) target_semaphore(%run_scoped3A : memref<!tpu.dma_semaphore, #tpu.memory_space<semaphore_mem>>)
      %dma_wait3A_153 = arith.constant 0 : i32
      %dma_wait3A_154 = tpu.memref_slice %arg11[%add3A_30, %dma_wait3A_153] : memref<26112x64xf32, #tpu.memory_space<vmem_shared>> -> memref<64x64xf32, #tpu.memory_space<vmem_shared>>
      %dma_wait3A_155 = arith.constant 0 : i32
      %dma_wait3A_156 = tpu.memref_slice %arg11[%add3A_30, %dma_wait3A_155] : memref<26112x64xf32, #tpu.memory_space<vmem_shared>> -> memref<64x64xf32, #tpu.memory_space<vmem_shared>>
      tpu.wait_dma2 semaphore(%run_scoped3A : memref<!tpu.dma_semaphore, #tpu.memory_space<semaphore_mem>>) src(%arg10 : memref<64x64xf32, #tpu.memory_space<vmem>>) dst(%dma_wait3A_156 : memref<64x64xf32, #tpu.memory_space<vmem_shared>>)
      tpu.yield
    }) : () -> ()
    %add3A_31 = arith.constant 640 : i32
    %add3A_32 = arith.addi %mul3A_3, %add3A_31 : i32
    "tpu.region"() ({
      %run_scoped3A = tpu.sem_alloc : memref<!tpu.dma_semaphore, #tpu.memory_space<semaphore_mem>>
      %dma_start3A_149 = arith.constant 0 : i32
      %dma_start3A_150 = tpu.memref_slice %arg11[%add3A_32, %dma_start3A_149] : memref<26112x64xf32, #tpu.memory_space<vmem_shared>> -> memref<64x64xf32, #tpu.memory_space<vmem_shared>>
      %dma_start3A_151 = arith.constant 0 : i32
      %dma_start3A_152 = tpu.memref_slice %arg11[%add3A_32, %dma_start3A_151] : memref<26112x64xf32, #tpu.memory_space<vmem_shared>> -> memref<64x64xf32, #tpu.memory_space<vmem_shared>>
      tpu.enqueue_dma source(%arg10 : memref<64x64xf32, #tpu.memory_space<vmem>>) target(%dma_start3A_152 : memref<64x64xf32, #tpu.memory_space<vmem_shared>>) target_semaphore(%run_scoped3A : memref<!tpu.dma_semaphore, #tpu.memory_space<semaphore_mem>>)
      %dma_wait3A_153 = arith.constant 0 : i32
      %dma_wait3A_154 = tpu.memref_slice %arg11[%add3A_32, %dma_wait3A_153] : memref<26112x64xf32, #tpu.memory_space<vmem_shared>> -> memref<64x64xf32, #tpu.memory_space<vmem_shared>>
      %dma_wait3A_155 = arith.constant 0 : i32
      %dma_wait3A_156 = tpu.memref_slice %arg11[%add3A_32, %dma_wait3A_155] : memref<26112x64xf32, #tpu.memory_space<vmem_shared>> -> memref<64x64xf32, #tpu.memory_space<vmem_shared>>
      tpu.wait_dma2 semaphore(%run_scoped3A : memref<!tpu.dma_semaphore, #tpu.memory_space<semaphore_mem>>) src(%arg10 : memref<64x64xf32, #tpu.memory_space<vmem>>) dst(%dma_wait3A_156 : memref<64x64xf32, #tpu.memory_space<vmem_shared>>)
      tpu.yield
    }) : () -> ()
    %add3A_33 = arith.constant 704 : i32
    %add3A_34 = arith.addi %mul3A_3, %add3A_33 : i32
    "tpu.region"() ({
      %run_scoped3A = tpu.sem_alloc : memref<!tpu.dma_semaphore, #tpu.memory_space<semaphore_mem>>
      %dma_start3A_149 = arith.constant 0 : i32
      %dma_start3A_150 = tpu.memref_slice %arg11[%add3A_34, %dma_start3A_149] : memref<26112x64xf32, #tpu.memory_space<vmem_shared>> -> memref<64x64xf32, #tpu.memory_space<vmem_shared>>
      %dma_start3A_151 = arith.constant 0 : i32
      %dma_start3A_152 = tpu.memref_slice %arg11[%add3A_34, %dma_start3A_151] : memref<26112x64xf32, #tpu.memory_space<vmem_shared>> -> memref<64x64xf32, #tpu.memory_space<vmem_shared>>
      tpu.enqueue_dma source(%arg10 : memref<64x64xf32, #tpu.memory_space<vmem>>) target(%dma_start3A_152 : memref<64x64xf32, #tpu.memory_space<vmem_shared>>) target_semaphore(%run_scoped3A : memref<!tpu.dma_semaphore, #tpu.memory_space<semaphore_mem>>)
      %dma_wait3A_153 = arith.constant 0 : i32
      %dma_wait3A_154 = tpu.memref_slice %arg11[%add3A_34, %dma_wait3A_153] : memref<26112x64xf32, #tpu.memory_space<vmem_shared>> -> memref<64x64xf32, #tpu.memory_space<vmem_shared>>
      %dma_wait3A_155 = arith.constant 0 : i32
      %dma_wait3A_156 = tpu.memref_slice %arg11[%add3A_34, %dma_wait3A_155] : memref<26112x64xf32, #tpu.memory_space<vmem_shared>> -> memref<64x64xf32, #tpu.memory_space<vmem_shared>>
      tpu.wait_dma2 semaphore(%run_scoped3A : memref<!tpu.dma_semaphore, #tpu.memory_space<semaphore_mem>>) src(%arg10 : memref<64x64xf32, #tpu.memory_space<vmem>>) dst(%dma_wait3A_156 : memref<64x64xf32, #tpu.memory_space<vmem_shared>>)
      tpu.yield
    }) : () -> ()
    %add3A_35 = arith.constant 768 : i32
    %add3A_36 = arith.addi %mul3A_3, %add3A_35 : i32
    "tpu.region"() ({
      %run_scoped3A = tpu.sem_alloc : memref<!tpu.dma_semaphore, #tpu.memory_space<semaphore_mem>>
      %dma_start3A_149 = arith.constant 0 : i32
      %dma_start3A_150 = tpu.memref_slice %arg11[%add3A_36, %dma_start3A_149] : memref<26112x64xf32, #tpu.memory_space<vmem_shared>> -> memref<64x64xf32, #tpu.memory_space<vmem_shared>>
      %dma_start3A_151 = arith.constant 0 : i32
      %dma_start3A_152 = tpu.memref_slice %arg11[%add3A_36, %dma_start3A_151] : memref<26112x64xf32, #tpu.memory_space<vmem_shared>> -> memref<64x64xf32, #tpu.memory_space<vmem_shared>>
      tpu.enqueue_dma source(%arg10 : memref<64x64xf32, #tpu.memory_space<vmem>>) target(%dma_start3A_152 : memref<64x64xf32, #tpu.memory_space<vmem_shared>>) target_semaphore(%run_scoped3A : memref<!tpu.dma_semaphore, #tpu.memory_space<semaphore_mem>>)
      %dma_wait3A_153 = arith.constant 0 : i32
      %dma_wait3A_154 = tpu.memref_slice %arg11[%add3A_36, %dma_wait3A_153] : memref<26112x64xf32, #tpu.memory_space<vmem_shared>> -> memref<64x64xf32, #tpu.memory_space<vmem_shared>>
      %dma_wait3A_155 = arith.constant 0 : i32
      %dma_wait3A_156 = tpu.memref_slice %arg11[%add3A_36, %dma_wait3A_155] : memref<26112x64xf32, #tpu.memory_space<vmem_shared>> -> memref<64x64xf32, #tpu.memory_space<vmem_shared>>
      tpu.wait_dma2 semaphore(%run_scoped3A : memref<!tpu.dma_semaphore, #tpu.memory_space<semaphore_mem>>) src(%arg10 : memref<64x64xf32, #tpu.memory_space<vmem>>) dst(%dma_wait3A_156 : memref<64x64xf32, #tpu.memory_space<vmem_shared>>)
      tpu.yield
    }) : () -> ()
    %add3A_37 = arith.constant 832 : i32
    %add3A_38 = arith.addi %mul3A_3, %add3A_37 : i32
    "tpu.region"() ({
      %run_scoped3A = tpu.sem_alloc : memref<!tpu.dma_semaphore, #tpu.memory_space<semaphore_mem>>
      %dma_start3A_149 = arith.constant 0 : i32
      %dma_start3A_150 = tpu.memref_slice %arg11[%add3A_38, %dma_start3A_149] : memref<26112x64xf32, #tpu.memory_space<vmem_shared>> -> memref<64x64xf32, #tpu.memory_space<vmem_shared>>
      %dma_start3A_151 = arith.constant 0 : i32
      %dma_start3A_152 = tpu.memref_slice %arg11[%add3A_38, %dma_start3A_151] : memref<26112x64xf32, #tpu.memory_space<vmem_shared>> -> memref<64x64xf32, #tpu.memory_space<vmem_shared>>
      tpu.enqueue_dma source(%arg10 : memref<64x64xf32, #tpu.memory_space<vmem>>) target(%dma_start3A_152 : memref<64x64xf32, #tpu.memory_space<vmem_shared>>) target_semaphore(%run_scoped3A : memref<!tpu.dma_semaphore, #tpu.memory_space<semaphore_mem>>)
      %dma_wait3A_153 = arith.constant 0 : i32
      %dma_wait3A_154 = tpu.memref_slice %arg11[%add3A_38, %dma_wait3A_153] : memref<26112x64xf32, #tpu.memory_space<vmem_shared>> -> memref<64x64xf32, #tpu.memory_space<vmem_shared>>
      %dma_wait3A_155 = arith.constant 0 : i32
      %dma_wait3A_156 = tpu.memref_slice %arg11[%add3A_38, %dma_wait3A_155] : memref<26112x64xf32, #tpu.memory_space<vmem_shared>> -> memref<64x64xf32, #tpu.memory_space<vmem_shared>>
      tpu.wait_dma2 semaphore(%run_scoped3A : memref<!tpu.dma_semaphore, #tpu.memory_space<semaphore_mem>>) src(%arg10 : memref<64x64xf32, #tpu.memory_space<vmem>>) dst(%dma_wait3A_156 : memref<64x64xf32, #tpu.memory_space<vmem_shared>>)
      tpu.yield
    }) : () -> ()
    %add3A_39 = arith.constant 896 : i32
    %add3A_40 = arith.addi %mul3A_3, %add3A_39 : i32
    "tpu.region"() ({
      %run_scoped3A = tpu.sem_alloc : memref<!tpu.dma_semaphore, #tpu.memory_space<semaphore_mem>>
      %dma_start3A_149 = arith.constant 0 : i32
      %dma_start3A_150 = tpu.memref_slice %arg11[%add3A_40, %dma_start3A_149] : memref<26112x64xf32, #tpu.memory_space<vmem_shared>> -> memref<64x64xf32, #tpu.memory_space<vmem_shared>>
      %dma_start3A_151 = arith.constant 0 : i32
      %dma_start3A_152 = tpu.memref_slice %arg11[%add3A_40, %dma_start3A_151] : memref<26112x64xf32, #tpu.memory_space<vmem_shared>> -> memref<64x64xf32, #tpu.memory_space<vmem_shared>>
      tpu.enqueue_dma source(%arg10 : memref<64x64xf32, #tpu.memory_space<vmem>>) target(%dma_start3A_152 : memref<64x64xf32, #tpu.memory_space<vmem_shared>>) target_semaphore(%run_scoped3A : memref<!tpu.dma_semaphore, #tpu.memory_space<semaphore_mem>>)
      %dma_wait3A_153 = arith.constant 0 : i32
      %dma_wait3A_154 = tpu.memref_slice %arg11[%add3A_40, %dma_wait3A_153] : memref<26112x64xf32, #tpu.memory_space<vmem_shared>> -> memref<64x64xf32, #tpu.memory_space<vmem_shared>>
      %dma_wait3A_155 = arith.constant 0 : i32
      %dma_wait3A_156 = tpu.memref_slice %arg11[%add3A_40, %dma_wait3A_155] : memref<26112x64xf32, #tpu.memory_space<vmem_shared>> -> memref<64x64xf32, #tpu.memory_space<vmem_shared>>
      tpu.wait_dma2 semaphore(%run_scoped3A : memref<!tpu.dma_semaphore, #tpu.memory_space<semaphore_mem>>) src(%arg10 : memref<64x64xf32, #tpu.memory_space<vmem>>) dst(%dma_wait3A_156 : memref<64x64xf32, #tpu.memory_space<vmem_shared>>)
      tpu.yield
    }) : () -> ()
    %add3A_41 = arith.constant 960 : i32
    %add3A_42 = arith.addi %mul3A_3, %add3A_41 : i32
    "tpu.region"() ({
      %run_scoped3A = tpu.sem_alloc : memref<!tpu.dma_semaphore, #tpu.memory_space<semaphore_mem>>
      %dma_start3A_149 = arith.constant 0 : i32
      %dma_start3A_150 = tpu.memref_slice %arg11[%add3A_42, %dma_start3A_149] : memref<26112x64xf32, #tpu.memory_space<vmem_shared>> -> memref<64x64xf32, #tpu.memory_space<vmem_shared>>
      %dma_start3A_151 = arith.constant 0 : i32
      %dma_start3A_152 = tpu.memref_slice %arg11[%add3A_42, %dma_start3A_151] : memref<26112x64xf32, #tpu.memory_space<vmem_shared>> -> memref<64x64xf32, #tpu.memory_space<vmem_shared>>
      tpu.enqueue_dma source(%arg10 : memref<64x64xf32, #tpu.memory_space<vmem>>) target(%dma_start3A_152 : memref<64x64xf32, #tpu.memory_space<vmem_shared>>) target_semaphore(%run_scoped3A : memref<!tpu.dma_semaphore, #tpu.memory_space<semaphore_mem>>)
      %dma_wait3A_153 = arith.constant 0 : i32
      %dma_wait3A_154 = tpu.memref_slice %arg11[%add3A_42, %dma_wait3A_153] : memref<26112x64xf32, #tpu.memory_space<vmem_shared>> -> memref<64x64xf32, #tpu.memory_space<vmem_shared>>
      %dma_wait3A_155 = arith.constant 0 : i32
      %dma_wait3A_156 = tpu.memref_slice %arg11[%add3A_42, %dma_wait3A_155] : memref<26112x64xf32, #tpu.memory_space<vmem_shared>> -> memref<64x64xf32, #tpu.memory_space<vmem_shared>>
      tpu.wait_dma2 semaphore(%run_scoped3A : memref<!tpu.dma_semaphore, #tpu.memory_space<semaphore_mem>>) src(%arg10 : memref<64x64xf32, #tpu.memory_space<vmem>>) dst(%dma_wait3A_156 : memref<64x64xf32, #tpu.memory_space<vmem_shared>>)
      tpu.yield
    }) : () -> ()
    %add3A_43 = arith.constant 1024 : i32
    %add3A_44 = arith.addi %mul3A_3, %add3A_43 : i32
    "tpu.region"() ({
      %run_scoped3A = tpu.sem_alloc : memref<!tpu.dma_semaphore, #tpu.memory_space<semaphore_mem>>
      %dma_start3A_149 = arith.constant 0 : i32
      %dma_start3A_150 = tpu.memref_slice %arg11[%add3A_44, %dma_start3A_149] : memref<26112x64xf32, #tpu.memory_space<vmem_shared>> -> memref<64x64xf32, #tpu.memory_space<vmem_shared>>
      %dma_start3A_151 = arith.constant 0 : i32
      %dma_start3A_152 = tpu.memref_slice %arg11[%add3A_44, %dma_start3A_151] : memref<26112x64xf32, #tpu.memory_space<vmem_shared>> -> memref<64x64xf32, #tpu.memory_space<vmem_shared>>
      tpu.enqueue_dma source(%arg10 : memref<64x64xf32, #tpu.memory_space<vmem>>) target(%dma_start3A_152 : memref<64x64xf32, #tpu.memory_space<vmem_shared>>) target_semaphore(%run_scoped3A : memref<!tpu.dma_semaphore, #tpu.memory_space<semaphore_mem>>)
      %dma_wait3A_153 = arith.constant 0 : i32
      %dma_wait3A_154 = tpu.memref_slice %arg11[%add3A_44, %dma_wait3A_153] : memref<26112x64xf32, #tpu.memory_space<vmem_shared>> -> memref<64x64xf32, #tpu.memory_space<vmem_shared>>
      %dma_wait3A_155 = arith.constant 0 : i32
      %dma_wait3A_156 = tpu.memref_slice %arg11[%add3A_44, %dma_wait3A_155] : memref<26112x64xf32, #tpu.memory_space<vmem_shared>> -> memref<64x64xf32, #tpu.memory_space<vmem_shared>>
      tpu.wait_dma2 semaphore(%run_scoped3A : memref<!tpu.dma_semaphore, #tpu.memory_space<semaphore_mem>>) src(%arg10 : memref<64x64xf32, #tpu.memory_space<vmem>>) dst(%dma_wait3A_156 : memref<64x64xf32, #tpu.memory_space<vmem_shared>>)
      tpu.yield
    }) : () -> ()
    %add3A_45 = arith.constant 1088 : i32
    %add3A_46 = arith.addi %mul3A_3, %add3A_45 : i32
    "tpu.region"() ({
      %run_scoped3A = tpu.sem_alloc : memref<!tpu.dma_semaphore, #tpu.memory_space<semaphore_mem>>
      %dma_start3A_149 = arith.constant 0 : i32
      %dma_start3A_150 = tpu.memref_slice %arg11[%add3A_46, %dma_start3A_149] : memref<26112x64xf32, #tpu.memory_space<vmem_shared>> -> memref<64x64xf32, #tpu.memory_space<vmem_shared>>
      %dma_start3A_151 = arith.constant 0 : i32
      %dma_start3A_152 = tpu.memref_slice %arg11[%add3A_46, %dma_start3A_151] : memref<26112x64xf32, #tpu.memory_space<vmem_shared>> -> memref<64x64xf32, #tpu.memory_space<vmem_shared>>
      tpu.enqueue_dma source(%arg10 : memref<64x64xf32, #tpu.memory_space<vmem>>) target(%dma_start3A_152 : memref<64x64xf32, #tpu.memory_space<vmem_shared>>) target_semaphore(%run_scoped3A : memref<!tpu.dma_semaphore, #tpu.memory_space<semaphore_mem>>)
      %dma_wait3A_153 = arith.constant 0 : i32
      %dma_wait3A_154 = tpu.memref_slice %arg11[%add3A_46, %dma_wait3A_153] : memref<26112x64xf32, #tpu.memory_space<vmem_shared>> -> memref<64x64xf32, #tpu.memory_space<vmem_shared>>
      %dma_wait3A_155 = arith.constant 0 : i32
      %dma_wait3A_156 = tpu.memref_slice %arg11[%add3A_46, %dma_wait3A_155] : memref<26112x64xf32, #tpu.memory_space<vmem_shared>> -> memref<64x64xf32, #tpu.memory_space<vmem_shared>>
      tpu.wait_dma2 semaphore(%run_scoped3A : memref<!tpu.dma_semaphore, #tpu.memory_space<semaphore_mem>>) src(%arg10 : memref<64x64xf32, #tpu.memory_space<vmem>>) dst(%dma_wait3A_156 : memref<64x64xf32, #tpu.memory_space<vmem_shared>>)
      tpu.yield
    }) : () -> ()
    %add3A_47 = arith.constant 1152 : i32
    %add3A_48 = arith.addi %mul3A_3, %add3A_47 : i32
    "tpu.region"() ({
      %run_scoped3A = tpu.sem_alloc : memref<!tpu.dma_semaphore, #tpu.memory_space<semaphore_mem>>
      %dma_start3A_149 = arith.constant 0 : i32
      %dma_start3A_150 = tpu.memref_slice %arg11[%add3A_48, %dma_start3A_149] : memref<26112x64xf32, #tpu.memory_space<vmem_shared>> -> memref<64x64xf32, #tpu.memory_space<vmem_shared>>
      %dma_start3A_151 = arith.constant 0 : i32
      %dma_start3A_152 = tpu.memref_slice %arg11[%add3A_48, %dma_start3A_151] : memref<26112x64xf32, #tpu.memory_space<vmem_shared>> -> memref<64x64xf32, #tpu.memory_space<vmem_shared>>
      tpu.enqueue_dma source(%arg10 : memref<64x64xf32, #tpu.memory_space<vmem>>) target(%dma_start3A_152 : memref<64x64xf32, #tpu.memory_space<vmem_shared>>) target_semaphore(%run_scoped3A : memref<!tpu.dma_semaphore, #tpu.memory_space<semaphore_mem>>)
      %dma_wait3A_153 = arith.constant 0 : i32
      %dma_wait3A_154 = tpu.memref_slice %arg11[%add3A_48, %dma_wait3A_153] : memref<26112x64xf32, #tpu.memory_space<vmem_shared>> -> memref<64x64xf32, #tpu.memory_space<vmem_shared>>
      %dma_wait3A_155 = arith.constant 0 : i32
      %dma_wait3A_156 = tpu.memref_slice %arg11[%add3A_48, %dma_wait3A_155] : memref<26112x64xf32, #tpu.memory_space<vmem_shared>> -> memref<64x64xf32, #tpu.memory_space<vmem_shared>>
      tpu.wait_dma2 semaphore(%run_scoped3A : memref<!tpu.dma_semaphore, #tpu.memory_space<semaphore_mem>>) src(%arg10 : memref<64x64xf32, #tpu.memory_space<vmem>>) dst(%dma_wait3A_156 : memref<64x64xf32, #tpu.memory_space<vmem_shared>>)
      tpu.yield
    }) : () -> ()
    %add3A_49 = arith.constant 1216 : i32
    %add3A_50 = arith.addi %mul3A_3, %add3A_49 : i32
    "tpu.region"() ({
      %run_scoped3A = tpu.sem_alloc : memref<!tpu.dma_semaphore, #tpu.memory_space<semaphore_mem>>
      %dma_start3A_149 = arith.constant 0 : i32
      %dma_start3A_150 = tpu.memref_slice %arg11[%add3A_50, %dma_start3A_149] : memref<26112x64xf32, #tpu.memory_space<vmem_shared>> -> memref<64x64xf32, #tpu.memory_space<vmem_shared>>
      %dma_start3A_151 = arith.constant 0 : i32
      %dma_start3A_152 = tpu.memref_slice %arg11[%add3A_50, %dma_start3A_151] : memref<26112x64xf32, #tpu.memory_space<vmem_shared>> -> memref<64x64xf32, #tpu.memory_space<vmem_shared>>
      tpu.enqueue_dma source(%arg10 : memref<64x64xf32, #tpu.memory_space<vmem>>) target(%dma_start3A_152 : memref<64x64xf32, #tpu.memory_space<vmem_shared>>) target_semaphore(%run_scoped3A : memref<!tpu.dma_semaphore, #tpu.memory_space<semaphore_mem>>)
      %dma_wait3A_153 = arith.constant 0 : i32
      %dma_wait3A_154 = tpu.memref_slice %arg11[%add3A_50, %dma_wait3A_153] : memref<26112x64xf32, #tpu.memory_space<vmem_shared>> -> memref<64x64xf32, #tpu.memory_space<vmem_shared>>
      %dma_wait3A_155 = arith.constant 0 : i32
      %dma_wait3A_156 = tpu.memref_slice %arg11[%add3A_50, %dma_wait3A_155] : memref<26112x64xf32, #tpu.memory_space<vmem_shared>> -> memref<64x64xf32, #tpu.memory_space<vmem_shared>>
      tpu.wait_dma2 semaphore(%run_scoped3A : memref<!tpu.dma_semaphore, #tpu.memory_space<semaphore_mem>>) src(%arg10 : memref<64x64xf32, #tpu.memory_space<vmem>>) dst(%dma_wait3A_156 : memref<64x64xf32, #tpu.memory_space<vmem_shared>>)
      tpu.yield
    }) : () -> ()
    %add3A_51 = arith.constant 1280 : i32
    %add3A_52 = arith.addi %mul3A_3, %add3A_51 : i32
    "tpu.region"() ({
      %run_scoped3A = tpu.sem_alloc : memref<!tpu.dma_semaphore, #tpu.memory_space<semaphore_mem>>
      %dma_start3A_149 = arith.constant 0 : i32
      %dma_start3A_150 = tpu.memref_slice %arg11[%add3A_52, %dma_start3A_149] : memref<26112x64xf32, #tpu.memory_space<vmem_shared>> -> memref<64x64xf32, #tpu.memory_space<vmem_shared>>
      %dma_start3A_151 = arith.constant 0 : i32
      %dma_start3A_152 = tpu.memref_slice %arg11[%add3A_52, %dma_start3A_151] : memref<26112x64xf32, #tpu.memory_space<vmem_shared>> -> memref<64x64xf32, #tpu.memory_space<vmem_shared>>
      tpu.enqueue_dma source(%arg10 : memref<64x64xf32, #tpu.memory_space<vmem>>) target(%dma_start3A_152 : memref<64x64xf32, #tpu.memory_space<vmem_shared>>) target_semaphore(%run_scoped3A : memref<!tpu.dma_semaphore, #tpu.memory_space<semaphore_mem>>)
      %dma_wait3A_153 = arith.constant 0 : i32
      %dma_wait3A_154 = tpu.memref_slice %arg11[%add3A_52, %dma_wait3A_153] : memref<26112x64xf32, #tpu.memory_space<vmem_shared>> -> memref<64x64xf32, #tpu.memory_space<vmem_shared>>
      %dma_wait3A_155 = arith.constant 0 : i32
      %dma_wait3A_156 = tpu.memref_slice %arg11[%add3A_52, %dma_wait3A_155] : memref<26112x64xf32, #tpu.memory_space<vmem_shared>> -> memref<64x64xf32, #tpu.memory_space<vmem_shared>>
      tpu.wait_dma2 semaphore(%run_scoped3A : memref<!tpu.dma_semaphore, #tpu.memory_space<semaphore_mem>>) src(%arg10 : memref<64x64xf32, #tpu.memory_space<vmem>>) dst(%dma_wait3A_156 : memref<64x64xf32, #tpu.memory_space<vmem_shared>>)
      tpu.yield
    }) : () -> ()
    %add3A_53 = arith.constant 1344 : i32
    %add3A_54 = arith.addi %mul3A_3, %add3A_53 : i32
    "tpu.region"() ({
      %run_scoped3A = tpu.sem_alloc : memref<!tpu.dma_semaphore, #tpu.memory_space<semaphore_mem>>
      %dma_start3A_149 = arith.constant 0 : i32
      %dma_start3A_150 = tpu.memref_slice %arg11[%add3A_54, %dma_start3A_149] : memref<26112x64xf32, #tpu.memory_space<vmem_shared>> -> memref<64x64xf32, #tpu.memory_space<vmem_shared>>
      %dma_start3A_151 = arith.constant 0 : i32
      %dma_start3A_152 = tpu.memref_slice %arg11[%add3A_54, %dma_start3A_151] : memref<26112x64xf32, #tpu.memory_space<vmem_shared>> -> memref<64x64xf32, #tpu.memory_space<vmem_shared>>
      tpu.enqueue_dma source(%arg10 : memref<64x64xf32, #tpu.memory_space<vmem>>) target(%dma_start3A_152 : memref<64x64xf32, #tpu.memory_space<vmem_shared>>) target_semaphore(%run_scoped3A : memref<!tpu.dma_semaphore, #tpu.memory_space<semaphore_mem>>)
      %dma_wait3A_153 = arith.constant 0 : i32
      %dma_wait3A_154 = tpu.memref_slice %arg11[%add3A_54, %dma_wait3A_153] : memref<26112x64xf32, #tpu.memory_space<vmem_shared>> -> memref<64x64xf32, #tpu.memory_space<vmem_shared>>
      %dma_wait3A_155 = arith.constant 0 : i32
      %dma_wait3A_156 = tpu.memref_slice %arg11[%add3A_54, %dma_wait3A_155] : memref<26112x64xf32, #tpu.memory_space<vmem_shared>> -> memref<64x64xf32, #tpu.memory_space<vmem_shared>>
      tpu.wait_dma2 semaphore(%run_scoped3A : memref<!tpu.dma_semaphore, #tpu.memory_space<semaphore_mem>>) src(%arg10 : memref<64x64xf32, #tpu.memory_space<vmem>>) dst(%dma_wait3A_156 : memref<64x64xf32, #tpu.memory_space<vmem_shared>>)
      tpu.yield
    }) : () -> ()
    %add3A_55 = arith.constant 1408 : i32
    %add3A_56 = arith.addi %mul3A_3, %add3A_55 : i32
    "tpu.region"() ({
      %run_scoped3A = tpu.sem_alloc : memref<!tpu.dma_semaphore, #tpu.memory_space<semaphore_mem>>
      %dma_start3A_149 = arith.constant 0 : i32
      %dma_start3A_150 = tpu.memref_slice %arg11[%add3A_56, %dma_start3A_149] : memref<26112x64xf32, #tpu.memory_space<vmem_shared>> -> memref<64x64xf32, #tpu.memory_space<vmem_shared>>
      %dma_start3A_151 = arith.constant 0 : i32
      %dma_start3A_152 = tpu.memref_slice %arg11[%add3A_56, %dma_start3A_151] : memref<26112x64xf32, #tpu.memory_space<vmem_shared>> -> memref<64x64xf32, #tpu.memory_space<vmem_shared>>
      tpu.enqueue_dma source(%arg10 : memref<64x64xf32, #tpu.memory_space<vmem>>) target(%dma_start3A_152 : memref<64x64xf32, #tpu.memory_space<vmem_shared>>) target_semaphore(%run_scoped3A : memref<!tpu.dma_semaphore, #tpu.memory_space<semaphore_mem>>)
      %dma_wait3A_153 = arith.constant 0 : i32
      %dma_wait3A_154 = tpu.memref_slice %arg11[%add3A_56, %dma_wait3A_153] : memref<26112x64xf32, #tpu.memory_space<vmem_shared>> -> memref<64x64xf32, #tpu.memory_space<vmem_shared>>
      %dma_wait3A_155 = arith.constant 0 : i32
      %dma_wait3A_156 = tpu.memref_slice %arg11[%add3A_56, %dma_wait3A_155] : memref<26112x64xf32, #tpu.memory_space<vmem_shared>> -> memref<64x64xf32, #tpu.memory_space<vmem_shared>>
      tpu.wait_dma2 semaphore(%run_scoped3A : memref<!tpu.dma_semaphore, #tpu.memory_space<semaphore_mem>>) src(%arg10 : memref<64x64xf32, #tpu.memory_space<vmem>>) dst(%dma_wait3A_156 : memref<64x64xf32, #tpu.memory_space<vmem_shared>>)
      tpu.yield
    }) : () -> ()
    %add3A_57 = arith.constant 1472 : i32
    %add3A_58 = arith.addi %mul3A_3, %add3A_57 : i32
    "tpu.region"() ({
      %run_scoped3A = tpu.sem_alloc : memref<!tpu.dma_semaphore, #tpu.memory_space<semaphore_mem>>
      %dma_start3A_149 = arith.constant 0 : i32
      %dma_start3A_150 = tpu.memref_slice %arg11[%add3A_58, %dma_start3A_149] : memref<26112x64xf32, #tpu.memory_space<vmem_shared>> -> memref<64x64xf32, #tpu.memory_space<vmem_shared>>
      %dma_start3A_151 = arith.constant 0 : i32
      %dma_start3A_152 = tpu.memref_slice %arg11[%add3A_58, %dma_start3A_151] : memref<26112x64xf32, #tpu.memory_space<vmem_shared>> -> memref<64x64xf32, #tpu.memory_space<vmem_shared>>
      tpu.enqueue_dma source(%arg10 : memref<64x64xf32, #tpu.memory_space<vmem>>) target(%dma_start3A_152 : memref<64x64xf32, #tpu.memory_space<vmem_shared>>) target_semaphore(%run_scoped3A : memref<!tpu.dma_semaphore, #tpu.memory_space<semaphore_mem>>)
      %dma_wait3A_153 = arith.constant 0 : i32
      %dma_wait3A_154 = tpu.memref_slice %arg11[%add3A_58, %dma_wait3A_153] : memref<26112x64xf32, #tpu.memory_space<vmem_shared>> -> memref<64x64xf32, #tpu.memory_space<vmem_shared>>
      %dma_wait3A_155 = arith.constant 0 : i32
      %dma_wait3A_156 = tpu.memref_slice %arg11[%add3A_58, %dma_wait3A_155] : memref<26112x64xf32, #tpu.memory_space<vmem_shared>> -> memref<64x64xf32, #tpu.memory_space<vmem_shared>>
      tpu.wait_dma2 semaphore(%run_scoped3A : memref<!tpu.dma_semaphore, #tpu.memory_space<semaphore_mem>>) src(%arg10 : memref<64x64xf32, #tpu.memory_space<vmem>>) dst(%dma_wait3A_156 : memref<64x64xf32, #tpu.memory_space<vmem_shared>>)
      tpu.yield
    }) : () -> ()
    %add3A_59 = arith.constant 1536 : i32
    %add3A_60 = arith.addi %mul3A_3, %add3A_59 : i32
    "tpu.region"() ({
      %run_scoped3A = tpu.sem_alloc : memref<!tpu.dma_semaphore, #tpu.memory_space<semaphore_mem>>
      %dma_start3A_149 = arith.constant 0 : i32
      %dma_start3A_150 = tpu.memref_slice %arg11[%add3A_60, %dma_start3A_149] : memref<26112x64xf32, #tpu.memory_space<vmem_shared>> -> memref<64x64xf32, #tpu.memory_space<vmem_shared>>
      %dma_start3A_151 = arith.constant 0 : i32
      %dma_start3A_152 = tpu.memref_slice %arg11[%add3A_60, %dma_start3A_151] : memref<26112x64xf32, #tpu.memory_space<vmem_shared>> -> memref<64x64xf32, #tpu.memory_space<vmem_shared>>
      tpu.enqueue_dma source(%arg10 : memref<64x64xf32, #tpu.memory_space<vmem>>) target(%dma_start3A_152 : memref<64x64xf32, #tpu.memory_space<vmem_shared>>) target_semaphore(%run_scoped3A : memref<!tpu.dma_semaphore, #tpu.memory_space<semaphore_mem>>)
      %dma_wait3A_153 = arith.constant 0 : i32
      %dma_wait3A_154 = tpu.memref_slice %arg11[%add3A_60, %dma_wait3A_153] : memref<26112x64xf32, #tpu.memory_space<vmem_shared>> -> memref<64x64xf32, #tpu.memory_space<vmem_shared>>
      %dma_wait3A_155 = arith.constant 0 : i32
      %dma_wait3A_156 = tpu.memref_slice %arg11[%add3A_60, %dma_wait3A_155] : memref<26112x64xf32, #tpu.memory_space<vmem_shared>> -> memref<64x64xf32, #tpu.memory_space<vmem_shared>>
      tpu.wait_dma2 semaphore(%run_scoped3A : memref<!tpu.dma_semaphore, #tpu.memory_space<semaphore_mem>>) src(%arg10 : memref<64x64xf32, #tpu.memory_space<vmem>>) dst(%dma_wait3A_156 : memref<64x64xf32, #tpu.memory_space<vmem_shared>>)
      tpu.yield
    }) : () -> ()
    %add3A_61 = arith.constant 1632 : i32
    %add3A_62 = arith.addi %mul3A_3, %add3A_61 : i32
    %sub3A = arith.constant 32 : i32
    %sub3A_63 = arith.subi %add3A_62, %sub3A : i32
    "tpu.region"() ({
      %run_scoped3A = tpu.sem_alloc : memref<!tpu.dma_semaphore, #tpu.memory_space<semaphore_mem>>
      %dma_start3A_149 = arith.constant 0 : i32
      %dma_start3A_150 = arith.constant 0 : i32
      %dma_start3A_151 = tpu.memref_slice %arg10[%dma_start3A_149, %dma_start3A_150] : memref<64x64xf32, #tpu.memory_space<vmem>> -> memref<32x64xf32, #tpu.memory_space<vmem>>
      %dma_start3A_152 = arith.constant 0 : i32
      %dma_start3A_153 = tpu.memref_slice %arg11[%sub3A_63, %dma_start3A_152] : memref<26112x64xf32, #tpu.memory_space<vmem_shared>> -> memref<32x64xf32, #tpu.memory_space<vmem_shared>>
      %dma_start3A_154 = arith.constant 0 : i32
      %dma_start3A_155 = tpu.memref_slice %arg11[%sub3A_63, %dma_start3A_154] : memref<26112x64xf32, #tpu.memory_space<vmem_shared>> -> memref<32x64xf32, #tpu.memory_space<vmem_shared>>
      %dma_start3A_156 = arith.constant 0 : i32
      %dma_start3A_157 = arith.constant 0 : i32
      %dma_start3A_158 = tpu.memref_slice %arg10[%dma_start3A_156, %dma_start3A_157] : memref<64x64xf32, #tpu.memory_space<vmem>> -> memref<32x64xf32, #tpu.memory_space<vmem>>
      tpu.enqueue_dma source(%dma_start3A_158 : memref<32x64xf32, #tpu.memory_space<vmem>>) target(%dma_start3A_155 : memref<32x64xf32, #tpu.memory_space<vmem_shared>>) target_semaphore(%run_scoped3A : memref<!tpu.dma_semaphore, #tpu.memory_space<semaphore_mem>>)
      %dma_wait3A_159 = arith.constant 0 : i32
      %dma_wait3A_160 = arith.constant 0 : i32
      %dma_wait3A_161 = tpu.memref_slice %arg10[%dma_wait3A_159, %dma_wait3A_160] : memref<64x64xf32, #tpu.memory_space<vmem>> -> memref<32x64xf32, #tpu.memory_space<vmem>>
      %dma_wait3A_162 = arith.constant 0 : i32
      %dma_wait3A_163 = tpu.memref_slice %arg11[%sub3A_63, %dma_wait3A_162] : memref<26112x64xf32, #tpu.memory_space<vmem_shared>> -> memref<32x64xf32, #tpu.memory_space<vmem_shared>>
      %dma_wait3A_164 = arith.constant 0 : i32
      %dma_wait3A_165 = tpu.memref_slice %arg11[%sub3A_63, %dma_wait3A_164] : memref<26112x64xf32, #tpu.memory_space<vmem_shared>> -> memref<32x64xf32, #tpu.memory_space<vmem_shared>>
      %dma_wait3A_166 = arith.constant 0 : i32
      %dma_wait3A_167 = arith.constant 0 : i32
      %dma_wait3A_168 = tpu.memref_slice %arg10[%dma_wait3A_166, %dma_wait3A_167] : memref<64x64xf32, #tpu.memory_space<vmem>> -> memref<32x64xf32, #tpu.memory_space<vmem>>
      tpu.wait_dma2 semaphore(%run_scoped3A : memref<!tpu.dma_semaphore, #tpu.memory_space<semaphore_mem>>) src(%dma_wait3A_168 : memref<32x64xf32, #tpu.memory_space<vmem>>) dst(%dma_wait3A_165 : memref<32x64xf32, #tpu.memory_space<vmem_shared>>)
      tpu.yield
    }) : () -> ()
    %scan3A_64 = arith.constant 0 : i32
    %scan3A_65 = arith.constant 0 : i32
    %scan3A_66 = arith.constant 102 : i32
    %scan3A_67 = arith.addi %scan3A_65, %scan3A_66 : i32
    %scan3A_68 = arith.constant 1 : i32
    %scan3A_69 = scf.for %scan3A_149 = %scan3A_65 to %scan3A_67 step %scan3A_68 iter_args(%scan3A_150 = %scan3A_64) -> (i32)  : i32 {
      %mul3A_151 = arith.constant 16 : i32
      %mul3A_152 = arith.muli %scan3A_149, %mul3A_151 : i32
      %swap3A = arith.index_cast %mul3A_152 : i32 to index
      %swap3A_153 = tpu.vector_load %arg16[%swap3A] {strides = array<i32>} : memref<1632xf32, #tpu.memory_space<vmem>>, vector<16xf32>,
      %swap3A_154 = vector.shape_cast %swap3A_153 : vector<16xf32> to vector<16xf32>
      %swap3A_155 = vector.shape_cast %broadcast_in_dim3A_4 : vector<16xf32> to vector<16xf32>
      tpu.vector_store %arg16[%swap3A], %swap3A_155 {strides = array<i32>} : memref<1632xf32, #tpu.memory_space<vmem>>, vector<16xf32>,
      %scan3A_156 = arith.constant 0 : i32
      scf.yield %scan3A_156 : i32
    }
    %scan3A_70 = arith.constant 102 : i32
    %scan3A_71 = arith.constant 0 : i32
    %scan3A_72 = arith.constant 0 : i32
    %scan3A_73 = arith.constant 8 : i32
    %scan3A_74 = arith.addi %scan3A_72, %scan3A_73 : i32
    %scan3A_75 = arith.constant 1 : i32
    %scan3A_76 = scf.for %scan3A_149 = %scan3A_72 to %scan3A_74 step %scan3A_75 iter_args(%scan3A_150 = %scan3A_71) -> (i32)  : i32 {
      %add3A_151 = arith.constant 1.000000e+00 : f32
      %add3A_152 = vector.broadcast %add3A_151 : f32 to vector<16xf32>
      %add3A_153 = arith.addf %broadcast_in_dim3A_4, %add3A_152 : vector<16xf32>
      %mul3A_154 = arith.constant 16 : i32
      %mul3A_155 = arith.muli %scan3A_149, %mul3A_154 : i32
      %swap3A = arith.index_cast %mul3A_155 : i32 to index
      %swap3A_156 = tpu.vector_load %arg15[%swap3A] {strides = array<i32>} : memref<128xf32, #tpu.memory_space<vmem>>, vector<16xf32>,
      %swap3A_157 = vector.shape_cast %swap3A_156 : vector<16xf32> to vector<16xf32>
      %swap3A_158 = vector.shape_cast %add3A_153 : vector<16xf32> to vector<16xf32>
      tpu.vector_store %arg15[%swap3A], %swap3A_158 {strides = array<i32>} : memref<128xf32, #tpu.memory_space<vmem>>, vector<16xf32>,
      %scan3A_159 = arith.constant 0 : i32
      scf.yield %scan3A_159 : i32
    }
    %scan3A_77 = arith.constant 8 : i32
    "tpu.region"() ({
      %run_scoped3A = tpu.sem_alloc : memref<!tpu.dma_semaphore, #tpu.memory_space<semaphore_mem>>
      %dma_start3A_149 = tpu.memref_slice %arg17[%mul3A_3] : memref<26112xf32, #tpu.memory_space<vmem_shared>> -> memref<1632xf32, #tpu.memory_space<vmem_shared>>
      %dma_start3A_150 = tpu.memref_slice %arg17[%mul3A_3] : memref<26112xf32, #tpu.memory_space<vmem_shared>> -> memref<1632xf32, #tpu.memory_space<vmem_shared>>
      tpu.enqueue_dma source(%arg16 : memref<1632xf32, #tpu.memory_space<vmem>>) target(%dma_start3A_150 : memref<1632xf32, #tpu.memory_space<vmem_shared>>) target_semaphore(%run_scoped3A : memref<!tpu.dma_semaphore, #tpu.memory_space<semaphore_mem>>)
      %dma_wait3A_151 = tpu.memref_slice %arg17[%mul3A_3] : memref<26112xf32, #tpu.memory_space<vmem_shared>> -> memref<1632xf32, #tpu.memory_space<vmem_shared>>
      %dma_wait3A_152 = tpu.memref_slice %arg17[%mul3A_3] : memref<26112xf32, #tpu.memory_space<vmem_shared>> -> memref<1632xf32, #tpu.memory_space<vmem_shared>>
      tpu.wait_dma2 semaphore(%run_scoped3A : memref<!tpu.dma_semaphore, #tpu.memory_space<semaphore_mem>>) src(%arg16 : memref<1632xf32, #tpu.memory_space<vmem>>) dst(%dma_wait3A_152 : memref<1632xf32, #tpu.memory_space<vmem_shared>>)
      tpu.yield
    }) : () -> ()
    %barrier3A = arith.constant 0 : index
    tpu.barrier barrier_id(%barrier3A)
    %mul3A_78 = arith.constant 390 : i32
    %mul3A_79 = arith.muli %arg1, %mul3A_78 : i32
    %min3A = arith.constant 10 : i32
    %min3A_80 = arith.minsi %arg1, %min3A : i32
    %add3A_81 = arith.addi %mul3A_79, %min3A_80 : i32
    %lt3A = arith.constant 10 : i32
    %lt3A_82 = arith.cmpi slt, %arg1, %lt3A : i32
    %jit3A = arith.constant 1 : i32
    %jit3A_83 = arith.constant 0 : i32
    %select_n3A = arith.select %lt3A_82, %jit3A, %jit3A_83 : i32
    %add3A_84 = arith.constant 390 : i32
    %add3A_85 = arith.addi %add3A_84, %select_n3A : i32
    %add3A_86 = arith.constant 0 : i32
    %add3A_87 = arith.addi %add3A_81, %add3A_86 : i32
    %mul3A_88 = arith.constant 128 : i32
    %mul3A_89 = arith.muli %add3A_87, %mul3A_88 : i32
    %dma_start3A = arith.constant 0 : i32
    %dma_start3A_90 = arith.constant 0 : i32
    %dma_start3A_91 = arith.constant 0 : i32
    %dma_start3A_92 = tpu.memref_slice %arg7[%dma_start3A, %dma_start3A_91] : memref<2x128xi32, #tpu.memory_space<vmem>> -> memref<1x128xi32, #tpu.memory_space<vmem>>
    %dma_start3A_93 = tpu.memref_squeeze %dma_start3A_92 : memref<1x128xi32, #tpu.memory_space<vmem>> -> memref<128xi32, #tpu.memory_space<vmem>>
    %dma_start3A_94 = tpu.memref_slice %arg3[%mul3A_89] : memref<800000xi32, #tpu.memory_space<hbm>> -> memref<128xi32, #tpu.memory_space<hbm>>
    %dma_start3A_95 = tpu.memref_slice %arg12[%dma_start3A_90] : memref<2x!tpu.dma_semaphore, #tpu.memory_space<semaphore_mem>> -> memref<1x!tpu.dma_semaphore, #tpu.memory_space<semaphore_mem>>
    %dma_start3A_96 = tpu.memref_squeeze %dma_start3A_95 : memref<1x!tpu.dma_semaphore, #tpu.memory_space<semaphore_mem>> -> memref<!tpu.dma_semaphore, #tpu.memory_space<semaphore_mem>>
    %dma_start3A_97 = arith.constant 0 : i32
    %dma_start3A_98 = tpu.memref_slice %arg7[%dma_start3A, %dma_start3A_97] : memref<2x128xi32, #tpu.memory_space<vmem>> -> memref<1x128xi32, #tpu.memory_space<vmem>>
    %dma_start3A_99 = tpu.memref_squeeze %dma_start3A_98 : memref<1x128xi32, #tpu.memory_space<vmem>> -> memref<128xi32, #tpu.memory_space<vmem>>
    %dma_start3A_100 = tpu.memref_slice %arg3[%mul3A_89] : memref<800000xi32, #tpu.memory_space<hbm>> -> memref<128xi32, #tpu.memory_space<hbm>>
    tpu.enqueue_dma source(%dma_start3A_100 : memref<128xi32, #tpu.memory_space<hbm>>) target(%dma_start3A_99 : memref<128xi32, #tpu.memory_space<vmem>>) target_semaphore(%dma_start3A_96 : memref<!tpu.dma_semaphore, #tpu.memory_space<semaphore_mem>>)
    %dma_start3A_101 = arith.constant 0 : i32
    %dma_start3A_102 = arith.constant 0 : i32
    %dma_start3A_103 = arith.constant 0 : i32
    %dma_start3A_104 = tpu.memref_slice %arg8[%dma_start3A_101, %dma_start3A_103] : memref<2x128xi32, #tpu.memory_space<vmem>> -> memref<1x128xi32, #tpu.memory_space<vmem>>
    %dma_start3A_105 = tpu.memref_squeeze %dma_start3A_104 : memref<1x128xi32, #tpu.memory_space<vmem>> -> memref<128xi32, #tpu.memory_space<vmem>>
    %dma_start3A_106 = tpu.memref_slice %arg4[%mul3A_89] : memref<800000xi32, #tpu.memory_space<hbm>> -> memref<128xi32, #tpu.memory_space<hbm>>
    %dma_start3A_107 = tpu.memref_slice %arg12[%dma_start3A_102] : memref<2x!tpu.dma_semaphore, #tpu.memory_space<semaphore_mem>> -> memref<1x!tpu.dma_semaphore, #tpu.memory_space<semaphore_mem>>
    %dma_start3A_108 = tpu.memref_squeeze %dma_start3A_107 : memref<1x!tpu.dma_semaphore, #tpu.memory_space<semaphore_mem>> -> memref<!tpu.dma_semaphore, #tpu.memory_space<semaphore_mem>>
    %dma_start3A_109 = arith.constant 0 : i32
    %dma_start3A_110 = tpu.memref_slice %arg8[%dma_start3A_101, %dma_start3A_109] : memref<2x128xi32, #tpu.memory_space<vmem>> -> memref<1x128xi32, #tpu.memory_space<vmem>>
    %dma_start3A_111 = tpu.memref_squeeze %dma_start3A_110 : memref<1x128xi32, #tpu.memory_space<vmem>> -> memref<128xi32, #tpu.memory_space<vmem>>
    %dma_start3A_112 = tpu.memref_slice %arg4[%mul3A_89] : memref<800000xi32, #tpu.memory_space<hbm>> -> memref<128xi32, #tpu.memory_space<hbm>>
    tpu.enqueue_dma source(%dma_start3A_112 : memref<128xi32, #tpu.memory_space<hbm>>) target(%dma_start3A_111 : memref<128xi32, #tpu.memory_space<vmem>>) target_semaphore(%dma_start3A_108 : memref<!tpu.dma_semaphore, #tpu.memory_space<semaphore_mem>>)
    %while3A = arith.constant 0 : i32
    %while3A_113 = arith.constant 0 : i32
    %while3A_114 = arith.subi %add3A_85, %while3A : i32
    %while3A_115 = arith.addi %while3A, %while3A_114 : i32
    %while3A_116 = arith.constant 1 : i32
    %while3A_117 = arith.divsi %while3A_114, %while3A_116 : i32
    %while3A_118 = arith.muli %while3A_117, %while3A_116 : i32
    %while3A_119 = arith.addi %while3A, %while3A_118 : i32
    %while3A_120 = arith.constant 1 : i32
    %while3A_121 = scf.for %while3A_149 = %while3A to %while3A_119 step %while3A_120 iter_args(%while3A_150 = %while3A_113) -> (i32)  : i32 {
      %rem3A_151 = arith.constant 2 : i32
      %rem3A_152 = arith.remsi %while3A_149, %rem3A_151 : i32
      %sub3A_153 = arith.constant 1 : i32
      %sub3A_154 = arith.subi %sub3A_153, %rem3A_152 : i32
      %add3A_155 = arith.addi %add3A_81, %while3A_149 : i32
      %mul3A_156 = arith.constant 128 : i32
      %mul3A_157 = arith.muli %add3A_155, %mul3A_156 : i32
      %dma_wait3A_158 = arith.constant 0 : i32
      %dma_wait3A_159 = tpu.memref_slice %arg7[%rem3A_152, %dma_wait3A_158] : memref<2x128xi32, #tpu.memory_space<vmem>> -> memref<1x128xi32, #tpu.memory_space<vmem>>
      %dma_wait3A_160 = tpu.memref_squeeze %dma_wait3A_159 : memref<1x128xi32, #tpu.memory_space<vmem>> -> memref<128xi32, #tpu.memory_space<vmem>>
      %dma_wait3A_161 = tpu.memref_slice %arg3[%mul3A_157] : memref<800000xi32, #tpu.memory_space<hbm>> -> memref<128xi32, #tpu.memory_space<hbm>>
      %dma_wait3A_162 = tpu.memref_slice %arg12[%rem3A_152] : memref<2x!tpu.dma_semaphore, #tpu.memory_space<semaphore_mem>> -> memref<1x!tpu.dma_semaphore, #tpu.memory_space<semaphore_mem>>
      %dma_wait3A_163 = tpu.memref_squeeze %dma_wait3A_162 : memref<1x!tpu.dma_semaphore, #tpu.memory_space<semaphore_mem>> -> memref<!tpu.dma_semaphore, #tpu.memory_space<semaphore_mem>>
      %dma_wait3A_164 = arith.constant 0 : i32
      %dma_wait3A_165 = tpu.memref_slice %arg7[%rem3A_152, %dma_wait3A_164] : memref<2x128xi32, #tpu.memory_space<vmem>> -> memref<1x128xi32, #tpu.memory_space<vmem>>
      %dma_wait3A_166 = tpu.memref_squeeze %dma_wait3A_165 : memref<1x128xi32, #tpu.memory_space<vmem>> -> memref<128xi32, #tpu.memory_space<vmem>>
      %dma_wait3A_167 = tpu.memref_slice %arg3[%mul3A_157] : memref<800000xi32, #tpu.memory_space<hbm>> -> memref<128xi32, #tpu.memory_space<hbm>>
      tpu.wait_dma2 semaphore(%dma_wait3A_163 : memref<!tpu.dma_semaphore, #tpu.memory_space<semaphore_mem>>) src(%dma_wait3A_167 : memref<128xi32, #tpu.memory_space<hbm>>) dst(%dma_wait3A_166 : memref<128xi32, #tpu.memory_space<vmem>>)
      %dma_wait3A_168 = arith.constant 0 : i32
      %dma_wait3A_169 = tpu.memref_slice %arg8[%rem3A_152, %dma_wait3A_168] : memref<2x128xi32, #tpu.memory_space<vmem>> -> memref<1x128xi32, #tpu.memory_space<vmem>>
      %dma_wait3A_170 = tpu.memref_squeeze %dma_wait3A_169 : memref<1x128xi32, #tpu.memory_space<vmem>> -> memref<128xi32, #tpu.memory_space<vmem>>
      %dma_wait3A_171 = tpu.memref_slice %arg4[%mul3A_157] : memref<800000xi32, #tpu.memory_space<hbm>> -> memref<128xi32, #tpu.memory_space<hbm>>
      %dma_wait3A_172 = tpu.memref_slice %arg12[%rem3A_152] : memref<2x!tpu.dma_semaphore, #tpu.memory_space<semaphore_mem>> -> memref<1x!tpu.dma_semaphore, #tpu.memory_space<semaphore_mem>>
      %dma_wait3A_173 = tpu.memref_squeeze %dma_wait3A_172 : memref<1x!tpu.dma_semaphore, #tpu.memory_space<semaphore_mem>> -> memref<!tpu.dma_semaphore, #tpu.memory_space<semaphore_mem>>
      %dma_wait3A_174 = arith.constant 0 : i32
      %dma_wait3A_175 = tpu.memref_slice %arg8[%rem3A_152, %dma_wait3A_174] : memref<2x128xi32, #tpu.memory_space<vmem>> -> memref<1x128xi32, #tpu.memory_space<vmem>>
      %dma_wait3A_176 = tpu.memref_squeeze %dma_wait3A_175 : memref<1x128xi32, #tpu.memory_space<vmem>> -> memref<128xi32, #tpu.memory_space<vmem>>
      %dma_wait3A_177 = tpu.memref_slice %arg4[%mul3A_157] : memref<800000xi32, #tpu.memory_space<hbm>> -> memref<128xi32, #tpu.memory_space<hbm>>
      tpu.wait_dma2 semaphore(%dma_wait3A_173 : memref<!tpu.dma_semaphore, #tpu.memory_space<semaphore_mem>>) src(%dma_wait3A_177 : memref<128xi32, #tpu.memory_space<hbm>>) dst(%dma_wait3A_176 : memref<128xi32, #tpu.memory_space<vmem>>)
      %dma_start3A_178 = arith.constant 0 : i32
      %dma_start3A_179 = arith.constant 0 : i32
      %dma_start3A_180 = tpu.memref_slice %arg9[%rem3A_152, %dma_start3A_178, %dma_start3A_179] : memref<2x128x64xf32, #tpu.memory_space<vmem>> -> memref<1x128x64xf32, #tpu.memory_space<vmem>>
      %dma_start3A_181 = tpu.memref_squeeze %dma_start3A_180 : memref<1x128x64xf32, #tpu.memory_space<vmem>> -> memref<128x64xf32, #tpu.memory_space<vmem>>
      %dma_start3A_182 = arith.constant 0 : i32
      %dma_start3A_183 = tpu.memref_slice %arg7[%rem3A_152, %dma_start3A_182] : memref<2x128xi32, #tpu.memory_space<vmem>> -> memref<1x128xi32, #tpu.memory_space<vmem>>
      %dma_start3A_184 = tpu.memref_squeeze %dma_start3A_183 : memref<1x128xi32, #tpu.memory_space<vmem>> -> memref<128xi32, #tpu.memory_space<vmem>>
      %dma_start3A_185 = arith.constant 0 : i32
      %dma_start3A_186 = arith.constant 0 : i32
      %dma_start3A_187 = tpu.memref_slice %arg2[%dma_start3A_185, %dma_start3A_186] : memref<50000x64xf32, #tpu.memory_space<hbm>> -> memref<50000x64xf32, #tpu.memory_space<hbm>>
      %dma_start3A_188 = tpu.memref_slice %arg13[%rem3A_152] : memref<2x!tpu.dma_semaphore, #tpu.memory_space<semaphore_mem>> -> memref<1x!tpu.dma_semaphore, #tpu.memory_space<semaphore_mem>>
      %dma_start3A_189 = tpu.memref_squeeze %dma_start3A_188 : memref<1x!tpu.dma_semaphore, #tpu.memory_space<semaphore_mem>> -> memref<!tpu.dma_semaphore, #tpu.memory_space<semaphore_mem>>
      tpu.enqueue_indirect_dma source(%dma_start3A_187 : memref<50000x64xf32, #tpu.memory_space<hbm>>) target(%dma_start3A_181 : memref<128x64xf32, #tpu.memory_space<vmem>>) offsets(%dma_start3A_184 : memref<128xi32, #tpu.memory_space<vmem>>) semaphore(%dma_start3A_189 : memref<!tpu.dma_semaphore, #tpu.memory_space<semaphore_mem>>)
      %ge3A = arith.constant 1 : i32
      %ge3A_190 = arith.cmpi sge, %while3A_149, %ge3A : i32
      %convert_element_type3A = arith.extui %ge3A_190 : i1 to i32
      %cond3A = arith.constant 0 : i32
      %cond3A_191 = arith.cmpi ne, %convert_element_type3A, %cond3A : i32
      scf.if %cond3A_191 {
        %dma_wait3A_237 = arith.constant 0 : i32
        %dma_wait3A_238 = arith.constant 0 : i32
        %dma_wait3A_239 = tpu.memref_slice %arg9[%sub3A_154, %dma_wait3A_237, %dma_wait3A_238] : memref<2x128x64xf32, #tpu.memory_space<vmem>> -> memref<1x128x64xf32, #tpu.memory_space<vmem>>
        %dma_wait3A_240 = tpu.memref_squeeze %dma_wait3A_239 : memref<1x128x64xf32, #tpu.memory_space<vmem>> -> memref<128x64xf32, #tpu.memory_space<vmem>>
        %dma_wait3A_241 = arith.constant 0 : i32
        %dma_wait3A_242 = tpu.memref_slice %arg8[%sub3A_154, %dma_wait3A_241] : memref<2x128xi32, #tpu.memory_space<vmem>> -> memref<1x128xi32, #tpu.memory_space<vmem>>
        %dma_wait3A_243 = tpu.memref_squeeze %dma_wait3A_242 : memref<1x128xi32, #tpu.memory_space<vmem>> -> memref<128xi32, #tpu.memory_space<vmem>>
        %dma_wait3A_244 = arith.constant 0 : i32
        %dma_wait3A_245 = arith.constant 0 : i32
        %dma_wait3A_246 = tpu.memref_slice %arg11[%dma_wait3A_244, %dma_wait3A_245] : memref<26112x64xf32, #tpu.memory_space<vmem_shared>> -> memref<26112x64xf32, #tpu.memory_space<vmem_shared>>
        %dma_wait3A_247 = tpu.memref_slice %arg14[%sub3A_154] : memref<2x!tpu.dma_semaphore, #tpu.memory_space<semaphore_mem>> -> memref<1x!tpu.dma_semaphore, #tpu.memory_space<semaphore_mem>>
        %dma_wait3A_248 = tpu.memref_squeeze %dma_wait3A_247 : memref<1x!tpu.dma_semaphore, #tpu.memory_space<semaphore_mem>> -> memref<!tpu.dma_semaphore, #tpu.memory_space<semaphore_mem>>
        tpu.wait_indirect_dma semaphore(%dma_wait3A_248 : memref<!tpu.dma_semaphore, #tpu.memory_space<semaphore_mem>>) src(%dma_wait3A_240 : memref<128x64xf32, #tpu.memory_space<vmem>>) dst(%dma_wait3A_246 : memref<26112x64xf32, #tpu.memory_space<vmem_shared>>)
        %dma_wait3A_249 = arith.constant 0 : i32
        %dma_wait3A_250 = tpu.memref_slice %arg8[%sub3A_154, %dma_wait3A_249] : memref<2x128xi32, #tpu.memory_space<vmem>> -> memref<1x128xi32, #tpu.memory_space<vmem>>
        %dma_wait3A_251 = tpu.memref_squeeze %dma_wait3A_250 : memref<1x128xi32, #tpu.memory_space<vmem>> -> memref<128xi32, #tpu.memory_space<vmem>>
        %dma_wait3A_252 = arith.constant 0 : i32
        %dma_wait3A_253 = tpu.memref_slice %arg17[%dma_wait3A_252] : memref<26112xf32, #tpu.memory_space<vmem_shared>> -> memref<26112xf32, #tpu.memory_space<vmem_shared>>
        %dma_wait3A_254 = tpu.memref_slice %arg18[%sub3A_154] : memref<2x!tpu.dma_semaphore, #tpu.memory_space<semaphore_mem>> -> memref<1x!tpu.dma_semaphore, #tpu.memory_space<semaphore_mem>>
        %dma_wait3A_255 = tpu.memref_squeeze %dma_wait3A_254 : memref<1x!tpu.dma_semaphore, #tpu.memory_space<semaphore_mem>> -> memref<!tpu.dma_semaphore, #tpu.memory_space<semaphore_mem>>
        tpu.wait_indirect_dma semaphore(%dma_wait3A_255 : memref<!tpu.dma_semaphore, #tpu.memory_space<semaphore_mem>>) src(%arg15 : memref<128xf32, #tpu.memory_space<vmem>>) dst(%dma_wait3A_253 : memref<26112xf32, #tpu.memory_space<vmem_shared>>)
      } else {
      }
      %add3A_192 = arith.constant 1 : i32
      %add3A_193 = arith.addi %while3A_149, %add3A_192 : i32
      %lt3A_194 = arith.cmpi slt, %add3A_193, %add3A_85 : i32
      %convert_element_type3A_195 = arith.extui %lt3A_194 : i1 to i32
      %cond3A_196 = arith.constant 0 : i32
      %cond3A_197 = arith.cmpi ne, %convert_element_type3A_195, %cond3A_196 : i32
      scf.if %cond3A_197 {
        %add3A_237 = arith.constant 1 : i32
        %add3A_238 = arith.addi %while3A_149, %add3A_237 : i32
        %add3A_239 = arith.addi %add3A_81, %add3A_238 : i32
        %mul3A_240 = arith.constant 128 : i32
        %mul3A_241 = arith.muli %add3A_239, %mul3A_240 : i32
        %dma_start3A_242 = arith.constant 0 : i32
        %dma_start3A_243 = tpu.memref_slice %arg7[%sub3A_154, %dma_start3A_242] : memref<2x128xi32, #tpu.memory_space<vmem>> -> memref<1x128xi32, #tpu.memory_space<vmem>>
        %dma_start3A_244 = tpu.memref_squeeze %dma_start3A_243 : memref<1x128xi32, #tpu.memory_space<vmem>> -> memref<128xi32, #tpu.memory_space<vmem>>
        %dma_start3A_245 = tpu.memref_slice %arg3[%mul3A_241] : memref<800000xi32, #tpu.memory_space<hbm>> -> memref<128xi32, #tpu.memory_space<hbm>>
        %dma_start3A_246 = tpu.memref_slice %arg12[%sub3A_154] : memref<2x!tpu.dma_semaphore, #tpu.memory_space<semaphore_mem>> -> memref<1x!tpu.dma_semaphore, #tpu.memory_space<semaphore_mem>>
        %dma_start3A_247 = tpu.memref_squeeze %dma_start3A_246 : memref<1x!tpu.dma_semaphore, #tpu.memory_space<semaphore_mem>> -> memref<!tpu.dma_semaphore, #tpu.memory_space<semaphore_mem>>
        %dma_start3A_248 = arith.constant 0 : i32
        %dma_start3A_249 = tpu.memref_slice %arg7[%sub3A_154, %dma_start3A_248] : memref<2x128xi32, #tpu.memory_space<vmem>> -> memref<1x128xi32, #tpu.memory_space<vmem>>
        %dma_start3A_250 = tpu.memref_squeeze %dma_start3A_249 : memref<1x128xi32, #tpu.memory_space<vmem>> -> memref<128xi32, #tpu.memory_space<vmem>>
        %dma_start3A_251 = tpu.memref_slice %arg3[%mul3A_241] : memref<800000xi32, #tpu.memory_space<hbm>> -> memref<128xi32, #tpu.memory_space<hbm>>
        tpu.enqueue_dma source(%dma_start3A_251 : memref<128xi32, #tpu.memory_space<hbm>>) target(%dma_start3A_250 : memref<128xi32, #tpu.memory_space<vmem>>) target_semaphore(%dma_start3A_247 : memref<!tpu.dma_semaphore, #tpu.memory_space<semaphore_mem>>)
        %dma_start3A_252 = arith.constant 0 : i32
        %dma_start3A_253 = tpu.memref_slice %arg8[%sub3A_154, %dma_start3A_252] : memref<2x128xi32, #tpu.memory_space<vmem>> -> memref<1x128xi32, #tpu.memory_space<vmem>>
        %dma_start3A_254 = tpu.memref_squeeze %dma_start3A_253 : memref<1x128xi32, #tpu.memory_space<vmem>> -> memref<128xi32, #tpu.memory_space<vmem>>
        %dma_start3A_255 = tpu.memref_slice %arg4[%mul3A_241] : memref<800000xi32, #tpu.memory_space<hbm>> -> memref<128xi32, #tpu.memory_space<hbm>>
        %dma_start3A_256 = tpu.memref_slice %arg12[%sub3A_154] : memref<2x!tpu.dma_semaphore, #tpu.memory_space<semaphore_mem>> -> memref<1x!tpu.dma_semaphore, #tpu.memory_space<semaphore_mem>>
        %dma_start3A_257 = tpu.memref_squeeze %dma_start3A_256 : memref<1x!tpu.dma_semaphore, #tpu.memory_space<semaphore_mem>> -> memref<!tpu.dma_semaphore, #tpu.memory_space<semaphore_mem>>
        %dma_start3A_258 = arith.constant 0 : i32
        %dma_start3A_259 = tpu.memref_slice %arg8[%sub3A_154, %dma_start3A_258] : memref<2x128xi32, #tpu.memory_space<vmem>> -> memref<1x128xi32, #tpu.memory_space<vmem>>
        %dma_start3A_260 = tpu.memref_squeeze %dma_start3A_259 : memref<1x128xi32, #tpu.memory_space<vmem>> -> memref<128xi32, #tpu.memory_space<vmem>>
        %dma_start3A_261 = tpu.memref_slice %arg4[%mul3A_241] : memref<800000xi32, #tpu.memory_space<hbm>> -> memref<128xi32, #tpu.memory_space<hbm>>
        tpu.enqueue_dma source(%dma_start3A_261 : memref<128xi32, #tpu.memory_space<hbm>>) target(%dma_start3A_260 : memref<128xi32, #tpu.memory_space<vmem>>) target_semaphore(%dma_start3A_257 : memref<!tpu.dma_semaphore, #tpu.memory_space<semaphore_mem>>)
      } else {
      }
      %scan3A_198 = arith.constant 0 : i32
      %scan3A_199 = arith.constant 0 : i32
      %scan3A_200 = arith.constant 8 : i32
      %scan3A_201 = arith.addi %scan3A_199, %scan3A_200 : i32
      %scan3A_202 = arith.constant 1 : i32
      %scan3A_203 = scf.for %scan3A_237 = %scan3A_199 to %scan3A_201 step %scan3A_202 iter_args(%scan3A_238 = %scan3A_198) -> (i32)  : i32 {
        %mul3A_239 = arith.constant 16 : i32
        %mul3A_240 = arith.muli %scan3A_237, %mul3A_239 : i32
        %get3A = arith.index_cast %rem3A_152 : i32 to index
        %get3A_241 = arith.index_cast %mul3A_240 : i32 to index
        %get3A_242 = tpu.vector_load %arg8[%get3A, %get3A_241] {strides = array<i32>} : memref<2x128xi32, #tpu.memory_space<vmem>>, vector<1x16xi32>,
        %get3A_243 = vector.shape_cast %get3A_242 : vector<1x16xi32> to vector<16xi32>
        %ge3A_244 = vector.broadcast %mul3A_0 : i32 to vector<16xi32>
        %ge3A_245 = arith.cmpi sge, %get3A_243, %ge3A_244 : vector<16xi32>
        %lt3A_246 = vector.broadcast %add3A_1 : i32 to vector<16xi32>
        %lt3A_247 = arith.cmpi slt, %get3A_243, %lt3A_246 : vector<16xi32>
        %and3A = arith.andi %ge3A_245, %lt3A_247 : vector<16xi1>
        %mul3A_248 = arith.constant 16 : i32
        %mul3A_249 = arith.muli %scan3A_237, %mul3A_248 : i32
        %add3A_250 = vector.broadcast %mul3A_249 : i32 to vector<16xi32>
        %add3A_251 = arith.addi %add3A_250, %iota3A : vector<16xi32>
        %and3A_252 = arith.constant 1023 : i32
        %and3A_253 = vector.broadcast %and3A_252 : i32 to vector<16xi32>
        %and3A_254 = arith.andi %add3A_251, %and3A_253 : vector<16xi32>
        %add3A_255 = arith.constant 25000 : i32
        %add3A_256 = vector.broadcast %add3A_255 : i32 to vector<16xi32>
        %add3A_257 = arith.addi %add3A_256, %and3A_254 : vector<16xi32>
        %sub3A_258 = vector.broadcast %mul3A_0 : i32 to vector<16xi32>
        %sub3A_259 = arith.subi %get3A_243, %sub3A_258 : vector<16xi32>
        %select_n3A_260 = arith.select %and3A, %sub3A_259, %add3A_257 : vector<16xi1>, vector<16xi32>
        %mul3A_261 = arith.constant 16 : i32
        %mul3A_262 = arith.muli %scan3A_237, %mul3A_261 : i32
        %swap3A = arith.index_cast %rem3A_152 : i32 to index
        %swap3A_263 = arith.index_cast %mul3A_262 : i32 to index
        %swap3A_264 = tpu.vector_load %arg8[%swap3A, %swap3A_263] {strides = array<i32>} : memref<2x128xi32, #tpu.memory_space<vmem>>, vector<1x16xi32>,
        %swap3A_265 = vector.shape_cast %swap3A_264 : vector<1x16xi32> to vector<16xi32>
        %swap3A_266 = vector.shape_cast %select_n3A_260 : vector<16xi32> to vector<1x16xi32>
        tpu.vector_store %arg8[%swap3A, %swap3A_263], %swap3A_266 {strides = array<i32>} : memref<2x128xi32, #tpu.memory_space<vmem>>, vector<1x16xi32>,
        %scan3A_267 = arith.constant 0 : i32
        scf.yield %scan3A_267 : i32
      }
      %scan3A_204 = arith.constant 8 : i32
      %dma_wait3A_205 = arith.constant 0 : i32
      %dma_wait3A_206 = arith.constant 0 : i32
      %dma_wait3A_207 = tpu.memref_slice %arg9[%rem3A_152, %dma_wait3A_205, %dma_wait3A_206] : memref<2x128x64xf32, #tpu.memory_space<vmem>> -> memref<1x128x64xf32, #tpu.memory_space<vmem>>
      %dma_wait3A_208 = tpu.memref_squeeze %dma_wait3A_207 : memref<1x128x64xf32, #tpu.memory_space<vmem>> -> memref<128x64xf32, #tpu.memory_space<vmem>>
      %dma_wait3A_209 = arith.constant 0 : i32
      %dma_wait3A_210 = tpu.memref_slice %arg7[%rem3A_152, %dma_wait3A_209] : memref<2x128xi32, #tpu.memory_space<vmem>> -> memref<1x128xi32, #tpu.memory_space<vmem>>
      %dma_wait3A_211 = tpu.memref_squeeze %dma_wait3A_210 : memref<1x128xi32, #tpu.memory_space<vmem>> -> memref<128xi32, #tpu.memory_space<vmem>>
      %dma_wait3A_212 = arith.constant 0 : i32
      %dma_wait3A_213 = arith.constant 0 : i32
      %dma_wait3A_214 = tpu.memref_slice %arg2[%dma_wait3A_212, %dma_wait3A_213] : memref<50000x64xf32, #tpu.memory_space<hbm>> -> memref<50000x64xf32, #tpu.memory_space<hbm>>
      %dma_wait3A_215 = tpu.memref_slice %arg13[%rem3A_152] : memref<2x!tpu.dma_semaphore, #tpu.memory_space<semaphore_mem>> -> memref<1x!tpu.dma_semaphore, #tpu.memory_space<semaphore_mem>>
      %dma_wait3A_216 = tpu.memref_squeeze %dma_wait3A_215 : memref<1x!tpu.dma_semaphore, #tpu.memory_space<semaphore_mem>> -> memref<!tpu.dma_semaphore, #tpu.memory_space<semaphore_mem>>
      tpu.wait_indirect_dma semaphore(%dma_wait3A_216 : memref<!tpu.dma_semaphore, #tpu.memory_space<semaphore_mem>>) src(%dma_wait3A_214 : memref<50000x64xf32, #tpu.memory_space<hbm>>) dst(%dma_wait3A_208 : memref<128x64xf32, #tpu.memory_space<vmem>>)
      %dma_start3A_217 = arith.constant 0 : i32
      %dma_start3A_218 = arith.constant 0 : i32
      %dma_start3A_219 = tpu.memref_slice %arg9[%rem3A_152, %dma_start3A_217, %dma_start3A_218] : memref<2x128x64xf32, #tpu.memory_space<vmem>> -> memref<1x128x64xf32, #tpu.memory_space<vmem>>
      %dma_start3A_220 = tpu.memref_squeeze %dma_start3A_219 : memref<1x128x64xf32, #tpu.memory_space<vmem>> -> memref<128x64xf32, #tpu.memory_space<vmem>>
      %dma_start3A_221 = arith.constant 0 : i32
      %dma_start3A_222 = tpu.memref_slice %arg8[%rem3A_152, %dma_start3A_221] : memref<2x128xi32, #tpu.memory_space<vmem>> -> memref<1x128xi32, #tpu.memory_space<vmem>>
      %dma_start3A_223 = tpu.memref_squeeze %dma_start3A_222 : memref<1x128xi32, #tpu.memory_space<vmem>> -> memref<128xi32, #tpu.memory_space<vmem>>
      %dma_start3A_224 = arith.constant 0 : i32
      %dma_start3A_225 = arith.constant 0 : i32
      %dma_start3A_226 = tpu.memref_slice %arg11[%dma_start3A_224, %dma_start3A_225] : memref<26112x64xf32, #tpu.memory_space<vmem_shared>> -> memref<26112x64xf32, #tpu.memory_space<vmem_shared>>
      %dma_start3A_227 = tpu.memref_slice %arg14[%rem3A_152] : memref<2x!tpu.dma_semaphore, #tpu.memory_space<semaphore_mem>> -> memref<1x!tpu.dma_semaphore, #tpu.memory_space<semaphore_mem>>
      %dma_start3A_228 = tpu.memref_squeeze %dma_start3A_227 : memref<1x!tpu.dma_semaphore, #tpu.memory_space<semaphore_mem>> -> memref<!tpu.dma_semaphore, #tpu.memory_space<semaphore_mem>>
      tpu.enqueue_indirect_dma source(%dma_start3A_220 : memref<128x64xf32, #tpu.memory_space<vmem>>) target(%dma_start3A_226 : memref<26112x64xf32, #tpu.memory_space<vmem_shared>>) offsets(%dma_start3A_223 : memref<128xi32, #tpu.memory_space<vmem>>) semaphore(%dma_start3A_228 : memref<!tpu.dma_semaphore, #tpu.memory_space<semaphore_mem>>) {add = true}
      %dma_start3A_229 = arith.constant 0 : i32
      %dma_start3A_230 = tpu.memref_slice %arg8[%rem3A_152, %dma_start3A_229] : memref<2x128xi32, #tpu.memory_space<vmem>> -> memref<1x128xi32, #tpu.memory_space<vmem>>
      %dma_start3A_231 = tpu.memref_squeeze %dma_start3A_230 : memref<1x128xi32, #tpu.memory_space<vmem>> -> memref<128xi32, #tpu.memory_space<vmem>>
      %dma_start3A_232 = arith.constant 0 : i32
      %dma_start3A_233 = tpu.memref_slice %arg17[%dma_start3A_232] : memref<26112xf32, #tpu.memory_space<vmem_shared>> -> memref<26112xf32, #tpu.memory_space<vmem_shared>>
      %dma_start3A_234 = tpu.memref_slice %arg18[%rem3A_152] : memref<2x!tpu.dma_semaphore, #tpu.memory_space<semaphore_mem>> -> memref<1x!tpu.dma_semaphore, #tpu.memory_space<semaphore_mem>>
      %dma_start3A_235 = tpu.memref_squeeze %dma_start3A_234 : memref<1x!tpu.dma_semaphore, #tpu.memory_space<semaphore_mem>> -> memref<!tpu.dma_semaphore, #tpu.memory_space<semaphore_mem>>
      tpu.enqueue_indirect_dma source(%arg15 : memref<128xf32, #tpu.memory_space<vmem>>) target(%dma_start3A_233 : memref<26112xf32, #tpu.memory_space<vmem_shared>>) offsets(%dma_start3A_231 : memref<128xi32, #tpu.memory_space<vmem>>) semaphore(%dma_start3A_235 : memref<!tpu.dma_semaphore, #tpu.memory_space<semaphore_mem>>) {add = true}
      %while3A_236 = arith.constant 0 : i32
      scf.yield %while3A_236 : i32
    }
    %while3A_122 = arith.constant 1 : i32
    %while3A_123 = scf.for %while3A_149 = %while3A_119 to %while3A_115 step %while3A_122 iter_args(%while3A_150 = %while3A_121) -> (i32)  : i32 {
      %rem3A_151 = arith.constant 2 : i32
      %rem3A_152 = arith.remsi %while3A_149, %rem3A_151 : i32
      %sub3A_153 = arith.constant 1 : i32
      %sub3A_154 = arith.subi %sub3A_153, %rem3A_152 : i32
      %add3A_155 = arith.addi %add3A_81, %while3A_149 : i32
      %mul3A_156 = arith.constant 128 : i32
      %mul3A_157 = arith.muli %add3A_155, %mul3A_156 : i32
      %dma_wait3A_158 = arith.constant 0 : i32
      %dma_wait3A_159 = tpu.memref_slice %arg7[%rem3A_152, %dma_wait3A_158] : memref<2x128xi32, #tpu.memory_space<vmem>> -> memref<1x128xi32, #tpu.memory_space<vmem>>
      %dma_wait3A_160 = tpu.memref_squeeze %dma_wait3A_159 : memref<1x128xi32, #tpu.memory_space<vmem>> -> memref<128xi32, #tpu.memory_space<vmem>>
      %dma_wait3A_161 = tpu.memref_slice %arg3[%mul3A_157] : memref<800000xi32, #tpu.memory_space<hbm>> -> memref<128xi32, #tpu.memory_space<hbm>>
      %dma_wait3A_162 = tpu.memref_slice %arg12[%rem3A_152] : memref<2x!tpu.dma_semaphore, #tpu.memory_space<semaphore_mem>> -> memref<1x!tpu.dma_semaphore, #tpu.memory_space<semaphore_mem>>
      %dma_wait3A_163 = tpu.memref_squeeze %dma_wait3A_162 : memref<1x!tpu.dma_semaphore, #tpu.memory_space<semaphore_mem>> -> memref<!tpu.dma_semaphore, #tpu.memory_space<semaphore_mem>>
      %dma_wait3A_164 = arith.constant 0 : i32
      %dma_wait3A_165 = tpu.memref_slice %arg7[%rem3A_152, %dma_wait3A_164] : memref<2x128xi32, #tpu.memory_space<vmem>> -> memref<1x128xi32, #tpu.memory_space<vmem>>
      %dma_wait3A_166 = tpu.memref_squeeze %dma_wait3A_165 : memref<1x128xi32, #tpu.memory_space<vmem>> -> memref<128xi32, #tpu.memory_space<vmem>>
      %dma_wait3A_167 = tpu.memref_slice %arg3[%mul3A_157] : memref<800000xi32, #tpu.memory_space<hbm>> -> memref<128xi32, #tpu.memory_space<hbm>>
      tpu.wait_dma2 semaphore(%dma_wait3A_163 : memref<!tpu.dma_semaphore, #tpu.memory_space<semaphore_mem>>) src(%dma_wait3A_167 : memref<128xi32, #tpu.memory_space<hbm>>) dst(%dma_wait3A_166 : memref<128xi32, #tpu.memory_space<vmem>>)
      %dma_wait3A_168 = arith.constant 0 : i32
      %dma_wait3A_169 = tpu.memref_slice %arg8[%rem3A_152, %dma_wait3A_168] : memref<2x128xi32, #tpu.memory_space<vmem>> -> memref<1x128xi32, #tpu.memory_space<vmem>>
      %dma_wait3A_170 = tpu.memref_squeeze %dma_wait3A_169 : memref<1x128xi32, #tpu.memory_space<vmem>> -> memref<128xi32, #tpu.memory_space<vmem>>
      %dma_wait3A_171 = tpu.memref_slice %arg4[%mul3A_157] : memref<800000xi32, #tpu.memory_space<hbm>> -> memref<128xi32, #tpu.memory_space<hbm>>
      %dma_wait3A_172 = tpu.memref_slice %arg12[%rem3A_152] : memref<2x!tpu.dma_semaphore, #tpu.memory_space<semaphore_mem>> -> memref<1x!tpu.dma_semaphore, #tpu.memory_space<semaphore_mem>>
      %dma_wait3A_173 = tpu.memref_squeeze %dma_wait3A_172 : memref<1x!tpu.dma_semaphore, #tpu.memory_space<semaphore_mem>> -> memref<!tpu.dma_semaphore, #tpu.memory_space<semaphore_mem>>
      %dma_wait3A_174 = arith.constant 0 : i32
      %dma_wait3A_175 = tpu.memref_slice %arg8[%rem3A_152, %dma_wait3A_174] : memref<2x128xi32, #tpu.memory_space<vmem>> -> memref<1x128xi32, #tpu.memory_space<vmem>>
      %dma_wait3A_176 = tpu.memref_squeeze %dma_wait3A_175 : memref<1x128xi32, #tpu.memory_space<vmem>> -> memref<128xi32, #tpu.memory_space<vmem>>
      %dma_wait3A_177 = tpu.memref_slice %arg4[%mul3A_157] : memref<800000xi32, #tpu.memory_space<hbm>> -> memref<128xi32, #tpu.memory_space<hbm>>
      tpu.wait_dma2 semaphore(%dma_wait3A_173 : memref<!tpu.dma_semaphore, #tpu.memory_space<semaphore_mem>>) src(%dma_wait3A_177 : memref<128xi32, #tpu.memory_space<hbm>>) dst(%dma_wait3A_176 : memref<128xi32, #tpu.memory_space<vmem>>)
      %dma_start3A_178 = arith.constant 0 : i32
      %dma_start3A_179 = arith.constant 0 : i32
      %dma_start3A_180 = tpu.memref_slice %arg9[%rem3A_152, %dma_start3A_178, %dma_start3A_179] : memref<2x128x64xf32, #tpu.memory_space<vmem>> -> memref<1x128x64xf32, #tpu.memory_space<vmem>>
      %dma_start3A_181 = tpu.memref_squeeze %dma_start3A_180 : memref<1x128x64xf32, #tpu.memory_space<vmem>> -> memref<128x64xf32, #tpu.memory_space<vmem>>
      %dma_start3A_182 = arith.constant 0 : i32
      %dma_start3A_183 = tpu.memref_slice %arg7[%rem3A_152, %dma_start3A_182] : memref<2x128xi32, #tpu.memory_space<vmem>> -> memref<1x128xi32, #tpu.memory_space<vmem>>
      %dma_start3A_184 = tpu.memref_squeeze %dma_start3A_183 : memref<1x128xi32, #tpu.memory_space<vmem>> -> memref<128xi32, #tpu.memory_space<vmem>>
      %dma_start3A_185 = arith.constant 0 : i32
      %dma_start3A_186 = arith.constant 0 : i32
      %dma_start3A_187 = tpu.memref_slice %arg2[%dma_start3A_185, %dma_start3A_186] : memref<50000x64xf32, #tpu.memory_space<hbm>> -> memref<50000x64xf32, #tpu.memory_space<hbm>>
      %dma_start3A_188 = tpu.memref_slice %arg13[%rem3A_152] : memref<2x!tpu.dma_semaphore, #tpu.memory_space<semaphore_mem>> -> memref<1x!tpu.dma_semaphore, #tpu.memory_space<semaphore_mem>>
      %dma_start3A_189 = tpu.memref_squeeze %dma_start3A_188 : memref<1x!tpu.dma_semaphore, #tpu.memory_space<semaphore_mem>> -> memref<!tpu.dma_semaphore, #tpu.memory_space<semaphore_mem>>
      tpu.enqueue_indirect_dma source(%dma_start3A_187 : memref<50000x64xf32, #tpu.memory_space<hbm>>) target(%dma_start3A_181 : memref<128x64xf32, #tpu.memory_space<vmem>>) offsets(%dma_start3A_184 : memref<128xi32, #tpu.memory_space<vmem>>) semaphore(%dma_start3A_189 : memref<!tpu.dma_semaphore, #tpu.memory_space<semaphore_mem>>)
      %ge3A = arith.constant 1 : i32
      %ge3A_190 = arith.cmpi sge, %while3A_149, %ge3A : i32
      %convert_element_type3A = arith.extui %ge3A_190 : i1 to i32
      %cond3A = arith.constant 0 : i32
      %cond3A_191 = arith.cmpi ne, %convert_element_type3A, %cond3A : i32
      scf.if %cond3A_191 {
        %dma_wait3A_237 = arith.constant 0 : i32
        %dma_wait3A_238 = arith.constant 0 : i32
        %dma_wait3A_239 = tpu.memref_slice %arg9[%sub3A_154, %dma_wait3A_237, %dma_wait3A_238] : memref<2x128x64xf32, #tpu.memory_space<vmem>> -> memref<1x128x64xf32, #tpu.memory_space<vmem>>
        %dma_wait3A_240 = tpu.memref_squeeze %dma_wait3A_239 : memref<1x128x64xf32, #tpu.memory_space<vmem>> -> memref<128x64xf32, #tpu.memory_space<vmem>>
        %dma_wait3A_241 = arith.constant 0 : i32
        %dma_wait3A_242 = tpu.memref_slice %arg8[%sub3A_154, %dma_wait3A_241] : memref<2x128xi32, #tpu.memory_space<vmem>> -> memref<1x128xi32, #tpu.memory_space<vmem>>
        %dma_wait3A_243 = tpu.memref_squeeze %dma_wait3A_242 : memref<1x128xi32, #tpu.memory_space<vmem>> -> memref<128xi32, #tpu.memory_space<vmem>>
        %dma_wait3A_244 = arith.constant 0 : i32
        %dma_wait3A_245 = arith.constant 0 : i32
        %dma_wait3A_246 = tpu.memref_slice %arg11[%dma_wait3A_244, %dma_wait3A_245] : memref<26112x64xf32, #tpu.memory_space<vmem_shared>> -> memref<26112x64xf32, #tpu.memory_space<vmem_shared>>
        %dma_wait3A_247 = tpu.memref_slice %arg14[%sub3A_154] : memref<2x!tpu.dma_semaphore, #tpu.memory_space<semaphore_mem>> -> memref<1x!tpu.dma_semaphore, #tpu.memory_space<semaphore_mem>>
        %dma_wait3A_248 = tpu.memref_squeeze %dma_wait3A_247 : memref<1x!tpu.dma_semaphore, #tpu.memory_space<semaphore_mem>> -> memref<!tpu.dma_semaphore, #tpu.memory_space<semaphore_mem>>
        tpu.wait_indirect_dma semaphore(%dma_wait3A_248 : memref<!tpu.dma_semaphore, #tpu.memory_space<semaphore_mem>>) src(%dma_wait3A_240 : memref<128x64xf32, #tpu.memory_space<vmem>>) dst(%dma_wait3A_246 : memref<26112x64xf32, #tpu.memory_space<vmem_shared>>)
        %dma_wait3A_249 = arith.constant 0 : i32
        %dma_wait3A_250 = tpu.memref_slice %arg8[%sub3A_154, %dma_wait3A_249] : memref<2x128xi32, #tpu.memory_space<vmem>> -> memref<1x128xi32, #tpu.memory_space<vmem>>
        %dma_wait3A_251 = tpu.memref_squeeze %dma_wait3A_250 : memref<1x128xi32, #tpu.memory_space<vmem>> -> memref<128xi32, #tpu.memory_space<vmem>>
        %dma_wait3A_252 = arith.constant 0 : i32
        %dma_wait3A_253 = tpu.memref_slice %arg17[%dma_wait3A_252] : memref<26112xf32, #tpu.memory_space<vmem_shared>> -> memref<26112xf32, #tpu.memory_space<vmem_shared>>
        %dma_wait3A_254 = tpu.memref_slice %arg18[%sub3A_154] : memref<2x!tpu.dma_semaphore, #tpu.memory_space<semaphore_mem>> -> memref<1x!tpu.dma_semaphore, #tpu.memory_space<semaphore_mem>>
        %dma_wait3A_255 = tpu.memref_squeeze %dma_wait3A_254 : memref<1x!tpu.dma_semaphore, #tpu.memory_space<semaphore_mem>> -> memref<!tpu.dma_semaphore, #tpu.memory_space<semaphore_mem>>
        tpu.wait_indirect_dma semaphore(%dma_wait3A_255 : memref<!tpu.dma_semaphore, #tpu.memory_space<semaphore_mem>>) src(%arg15 : memref<128xf32, #tpu.memory_space<vmem>>) dst(%dma_wait3A_253 : memref<26112xf32, #tpu.memory_space<vmem_shared>>)
      } else {
      }
      %add3A_192 = arith.constant 1 : i32
      %add3A_193 = arith.addi %while3A_149, %add3A_192 : i32
      %lt3A_194 = arith.cmpi slt, %add3A_193, %add3A_85 : i32
      %convert_element_type3A_195 = arith.extui %lt3A_194 : i1 to i32
      %cond3A_196 = arith.constant 0 : i32
      %cond3A_197 = arith.cmpi ne, %convert_element_type3A_195, %cond3A_196 : i32
      scf.if %cond3A_197 {
        %add3A_237 = arith.constant 1 : i32
        %add3A_238 = arith.addi %while3A_149, %add3A_237 : i32
        %add3A_239 = arith.addi %add3A_81, %add3A_238 : i32
        %mul3A_240 = arith.constant 128 : i32
        %mul3A_241 = arith.muli %add3A_239, %mul3A_240 : i32
        %dma_start3A_242 = arith.constant 0 : i32
        %dma_start3A_243 = tpu.memref_slice %arg7[%sub3A_154, %dma_start3A_242] : memref<2x128xi32, #tpu.memory_space<vmem>> -> memref<1x128xi32, #tpu.memory_space<vmem>>
        %dma_start3A_244 = tpu.memref_squeeze %dma_start3A_243 : memref<1x128xi32, #tpu.memory_space<vmem>> -> memref<128xi32, #tpu.memory_space<vmem>>
        %dma_start3A_245 = tpu.memref_slice %arg3[%mul3A_241] : memref<800000xi32, #tpu.memory_space<hbm>> -> memref<128xi32, #tpu.memory_space<hbm>>
        %dma_start3A_246 = tpu.memref_slice %arg12[%sub3A_154] : memref<2x!tpu.dma_semaphore, #tpu.memory_space<semaphore_mem>> -> memref<1x!tpu.dma_semaphore, #tpu.memory_space<semaphore_mem>>
        %dma_start3A_247 = tpu.memref_squeeze %dma_start3A_246 : memref<1x!tpu.dma_semaphore, #tpu.memory_space<semaphore_mem>> -> memref<!tpu.dma_semaphore, #tpu.memory_space<semaphore_mem>>
        %dma_start3A_248 = arith.constant 0 : i32
        %dma_start3A_249 = tpu.memref_slice %arg7[%sub3A_154, %dma_start3A_248] : memref<2x128xi32, #tpu.memory_space<vmem>> -> memref<1x128xi32, #tpu.memory_space<vmem>>
        %dma_start3A_250 = tpu.memref_squeeze %dma_start3A_249 : memref<1x128xi32, #tpu.memory_space<vmem>> -> memref<128xi32, #tpu.memory_space<vmem>>
        %dma_start3A_251 = tpu.memref_slice %arg3[%mul3A_241] : memref<800000xi32, #tpu.memory_space<hbm>> -> memref<128xi32, #tpu.memory_space<hbm>>
        tpu.enqueue_dma source(%dma_start3A_251 : memref<128xi32, #tpu.memory_space<hbm>>) target(%dma_start3A_250 : memref<128xi32, #tpu.memory_space<vmem>>) target_semaphore(%dma_start3A_247 : memref<!tpu.dma_semaphore, #tpu.memory_space<semaphore_mem>>)
        %dma_start3A_252 = arith.constant 0 : i32
        %dma_start3A_253 = tpu.memref_slice %arg8[%sub3A_154, %dma_start3A_252] : memref<2x128xi32, #tpu.memory_space<vmem>> -> memref<1x128xi32, #tpu.memory_space<vmem>>
        %dma_start3A_254 = tpu.memref_squeeze %dma_start3A_253 : memref<1x128xi32, #tpu.memory_space<vmem>> -> memref<128xi32, #tpu.memory_space<vmem>>
        %dma_start3A_255 = tpu.memref_slice %arg4[%mul3A_241] : memref<800000xi32, #tpu.memory_space<hbm>> -> memref<128xi32, #tpu.memory_space<hbm>>
        %dma_start3A_256 = tpu.memref_slice %arg12[%sub3A_154] : memref<2x!tpu.dma_semaphore, #tpu.memory_space<semaphore_mem>> -> memref<1x!tpu.dma_semaphore, #tpu.memory_space<semaphore_mem>>
        %dma_start3A_257 = tpu.memref_squeeze %dma_start3A_256 : memref<1x!tpu.dma_semaphore, #tpu.memory_space<semaphore_mem>> -> memref<!tpu.dma_semaphore, #tpu.memory_space<semaphore_mem>>
        %dma_start3A_258 = arith.constant 0 : i32
        %dma_start3A_259 = tpu.memref_slice %arg8[%sub3A_154, %dma_start3A_258] : memref<2x128xi32, #tpu.memory_space<vmem>> -> memref<1x128xi32, #tpu.memory_space<vmem>>
        %dma_start3A_260 = tpu.memref_squeeze %dma_start3A_259 : memref<1x128xi32, #tpu.memory_space<vmem>> -> memref<128xi32, #tpu.memory_space<vmem>>
        %dma_start3A_261 = tpu.memref_slice %arg4[%mul3A_241] : memref<800000xi32, #tpu.memory_space<hbm>> -> memref<128xi32, #tpu.memory_space<hbm>>
        tpu.enqueue_dma source(%dma_start3A_261 : memref<128xi32, #tpu.memory_space<hbm>>) target(%dma_start3A_260 : memref<128xi32, #tpu.memory_space<vmem>>) target_semaphore(%dma_start3A_257 : memref<!tpu.dma_semaphore, #tpu.memory_space<semaphore_mem>>)
      } else {
      }
      %scan3A_198 = arith.constant 0 : i32
      %scan3A_199 = arith.constant 0 : i32
      %scan3A_200 = arith.constant 8 : i32
      %scan3A_201 = arith.addi %scan3A_199, %scan3A_200 : i32
      %scan3A_202 = arith.constant 1 : i32
      %scan3A_203 = scf.for %scan3A_237 = %scan3A_199 to %scan3A_201 step %scan3A_202 iter_args(%scan3A_238 = %scan3A_198) -> (i32)  : i32 {
        %mul3A_239 = arith.constant 16 : i32
        %mul3A_240 = arith.muli %scan3A_237, %mul3A_239 : i32
        %get3A = arith.index_cast %rem3A_152 : i32 to index
        %get3A_241 = arith.index_cast %mul3A_240 : i32 to index
        %get3A_242 = tpu.vector_load %arg8[%get3A, %get3A_241] {strides = array<i32>} : memref<2x128xi32, #tpu.memory_space<vmem>>, vector<1x16xi32>,
        %get3A_243 = vector.shape_cast %get3A_242 : vector<1x16xi32> to vector<16xi32>
        %ge3A_244 = vector.broadcast %mul3A_0 : i32 to vector<16xi32>
        %ge3A_245 = arith.cmpi sge, %get3A_243, %ge3A_244 : vector<16xi32>
        %lt3A_246 = vector.broadcast %add3A_1 : i32 to vector<16xi32>
        %lt3A_247 = arith.cmpi slt, %get3A_243, %lt3A_246 : vector<16xi32>
        %and3A = arith.andi %ge3A_245, %lt3A_247 : vector<16xi1>
        %mul3A_248 = arith.constant 16 : i32
        %mul3A_249 = arith.muli %scan3A_237, %mul3A_248 : i32
        %add3A_250 = vector.broadcast %mul3A_249 : i32 to vector<16xi32>
        %add3A_251 = arith.addi %add3A_250, %iota3A : vector<16xi32>
        %and3A_252 = arith.constant 1023 : i32
        %and3A_253 = vector.broadcast %and3A_252 : i32 to vector<16xi32>
        %and3A_254 = arith.andi %add3A_251, %and3A_253 : vector<16xi32>
        %add3A_255 = arith.constant 25000 : i32
        %add3A_256 = vector.broadcast %add3A_255 : i32 to vector<16xi32>
        %add3A_257 = arith.addi %add3A_256, %and3A_254 : vector<16xi32>
        %sub3A_258 = vector.broadcast %mul3A_0 : i32 to vector<16xi32>
        %sub3A_259 = arith.subi %get3A_243, %sub3A_258 : vector<16xi32>
        %select_n3A_260 = arith.select %and3A, %sub3A_259, %add3A_257 : vector<16xi1>, vector<16xi32>
        %mul3A_261 = arith.constant 16 : i32
        %mul3A_262 = arith.muli %scan3A_237, %mul3A_261 : i32
        %swap3A = arith.index_cast %rem3A_152 : i32 to index
        %swap3A_263 = arith.index_cast %mul3A_262 : i32 to index
        %swap3A_264 = tpu.vector_load %arg8[%swap3A, %swap3A_263] {strides = array<i32>} : memref<2x128xi32, #tpu.memory_space<vmem>>, vector<1x16xi32>,
        %swap3A_265 = vector.shape_cast %swap3A_264 : vector<1x16xi32> to vector<16xi32>
        %swap3A_266 = vector.shape_cast %select_n3A_260 : vector<16xi32> to vector<1x16xi32>
        tpu.vector_store %arg8[%swap3A, %swap3A_263], %swap3A_266 {strides = array<i32>} : memref<2x128xi32, #tpu.memory_space<vmem>>, vector<1x16xi32>,
        %scan3A_267 = arith.constant 0 : i32
        scf.yield %scan3A_267 : i32
      }
      %scan3A_204 = arith.constant 8 : i32
      %dma_wait3A_205 = arith.constant 0 : i32
      %dma_wait3A_206 = arith.constant 0 : i32
      %dma_wait3A_207 = tpu.memref_slice %arg9[%rem3A_152, %dma_wait3A_205, %dma_wait3A_206] : memref<2x128x64xf32, #tpu.memory_space<vmem>> -> memref<1x128x64xf32, #tpu.memory_space<vmem>>
      %dma_wait3A_208 = tpu.memref_squeeze %dma_wait3A_207 : memref<1x128x64xf32, #tpu.memory_space<vmem>> -> memref<128x64xf32, #tpu.memory_space<vmem>>
      %dma_wait3A_209 = arith.constant 0 : i32
      %dma_wait3A_210 = tpu.memref_slice %arg7[%rem3A_152, %dma_wait3A_209] : memref<2x128xi32, #tpu.memory_space<vmem>> -> memref<1x128xi32, #tpu.memory_space<vmem>>
      %dma_wait3A_211 = tpu.memref_squeeze %dma_wait3A_210 : memref<1x128xi32, #tpu.memory_space<vmem>> -> memref<128xi32, #tpu.memory_space<vmem>>
      %dma_wait3A_212 = arith.constant 0 : i32
      %dma_wait3A_213 = arith.constant 0 : i32
      %dma_wait3A_214 = tpu.memref_slice %arg2[%dma_wait3A_212, %dma_wait3A_213] : memref<50000x64xf32, #tpu.memory_space<hbm>> -> memref<50000x64xf32, #tpu.memory_space<hbm>>
      %dma_wait3A_215 = tpu.memref_slice %arg13[%rem3A_152] : memref<2x!tpu.dma_semaphore, #tpu.memory_space<semaphore_mem>> -> memref<1x!tpu.dma_semaphore, #tpu.memory_space<semaphore_mem>>
      %dma_wait3A_216 = tpu.memref_squeeze %dma_wait3A_215 : memref<1x!tpu.dma_semaphore, #tpu.memory_space<semaphore_mem>> -> memref<!tpu.dma_semaphore, #tpu.memory_space<semaphore_mem>>
      tpu.wait_indirect_dma semaphore(%dma_wait3A_216 : memref<!tpu.dma_semaphore, #tpu.memory_space<semaphore_mem>>) src(%dma_wait3A_214 : memref<50000x64xf32, #tpu.memory_space<hbm>>) dst(%dma_wait3A_208 : memref<128x64xf32, #tpu.memory_space<vmem>>)
      %dma_start3A_217 = arith.constant 0 : i32
      %dma_start3A_218 = arith.constant 0 : i32
      %dma_start3A_219 = tpu.memref_slice %arg9[%rem3A_152, %dma_start3A_217, %dma_start3A_218] : memref<2x128x64xf32, #tpu.memory_space<vmem>> -> memref<1x128x64xf32, #tpu.memory_space<vmem>>
      %dma_start3A_220 = tpu.memref_squeeze %dma_start3A_219 : memref<1x128x64xf32, #tpu.memory_space<vmem>> -> memref<128x64xf32, #tpu.memory_space<vmem>>
      %dma_start3A_221 = arith.constant 0 : i32
      %dma_start3A_222 = tpu.memref_slice %arg8[%rem3A_152, %dma_start3A_221] : memref<2x128xi32, #tpu.memory_space<vmem>> -> memref<1x128xi32, #tpu.memory_space<vmem>>
      %dma_start3A_223 = tpu.memref_squeeze %dma_start3A_222 : memref<1x128xi32, #tpu.memory_space<vmem>> -> memref<128xi32, #tpu.memory_space<vmem>>
      %dma_start3A_224 = arith.constant 0 : i32
      %dma_start3A_225 = arith.constant 0 : i32
      %dma_start3A_226 = tpu.memref_slice %arg11[%dma_start3A_224, %dma_start3A_225] : memref<26112x64xf32, #tpu.memory_space<vmem_shared>> -> memref<26112x64xf32, #tpu.memory_space<vmem_shared>>
      %dma_start3A_227 = tpu.memref_slice %arg14[%rem3A_152] : memref<2x!tpu.dma_semaphore, #tpu.memory_space<semaphore_mem>> -> memref<1x!tpu.dma_semaphore, #tpu.memory_space<semaphore_mem>>
      %dma_start3A_228 = tpu.memref_squeeze %dma_start3A_227 : memref<1x!tpu.dma_semaphore, #tpu.memory_space<semaphore_mem>> -> memref<!tpu.dma_semaphore, #tpu.memory_space<semaphore_mem>>
      tpu.enqueue_indirect_dma source(%dma_start3A_220 : memref<128x64xf32, #tpu.memory_space<vmem>>) target(%dma_start3A_226 : memref<26112x64xf32, #tpu.memory_space<vmem_shared>>) offsets(%dma_start3A_223 : memref<128xi32, #tpu.memory_space<vmem>>) semaphore(%dma_start3A_228 : memref<!tpu.dma_semaphore, #tpu.memory_space<semaphore_mem>>) {add = true}
      %dma_start3A_229 = arith.constant 0 : i32
      %dma_start3A_230 = tpu.memref_slice %arg8[%rem3A_152, %dma_start3A_229] : memref<2x128xi32, #tpu.memory_space<vmem>> -> memref<1x128xi32, #tpu.memory_space<vmem>>
      %dma_start3A_231 = tpu.memref_squeeze %dma_start3A_230 : memref<1x128xi32, #tpu.memory_space<vmem>> -> memref<128xi32, #tpu.memory_space<vmem>>
      %dma_start3A_232 = arith.constant 0 : i32
      %dma_start3A_233 = tpu.memref_slice %arg17[%dma_start3A_232] : memref<26112xf32, #tpu.memory_space<vmem_shared>> -> memref<26112xf32, #tpu.memory_space<vmem_shared>>
      %dma_start3A_234 = tpu.memref_slice %arg18[%rem3A_152] : memref<2x!tpu.dma_semaphore, #tpu.memory_space<semaphore_mem>> -> memref<1x!tpu.dma_semaphore, #tpu.memory_space<semaphore_mem>>
      %dma_start3A_235 = tpu.memref_squeeze %dma_start3A_234 : memref<1x!tpu.dma_semaphore, #tpu.memory_space<semaphore_mem>> -> memref<!tpu.dma_semaphore, #tpu.memory_space<semaphore_mem>>
      tpu.enqueue_indirect_dma source(%arg15 : memref<128xf32, #tpu.memory_space<vmem>>) target(%dma_start3A_233 : memref<26112xf32, #tpu.memory_space<vmem_shared>>) offsets(%dma_start3A_231 : memref<128xi32, #tpu.memory_space<vmem>>) semaphore(%dma_start3A_235 : memref<!tpu.dma_semaphore, #tpu.memory_space<semaphore_mem>>) {add = true}
      %while3A_236 = arith.constant 0 : i32
      scf.yield %while3A_236 : i32
    }
    %sub3A_124 = arith.constant 1 : i32
    %sub3A_125 = arith.subi %add3A_85, %sub3A_124 : i32
    %rem3A = arith.constant 2 : i32
    %rem3A_126 = arith.remsi %sub3A_125, %rem3A : i32
    %dma_wait3A = arith.constant 0 : i32
    %dma_wait3A_127 = arith.constant 0 : i32
    %dma_wait3A_128 = tpu.memref_slice %arg9[%rem3A_126, %dma_wait3A, %dma_wait3A_127] : memref<2x128x64xf32, #tpu.memory_space<vmem>> -> memref<1x128x64xf32, #tpu.memory_space<vmem>>
    %dma_wait3A_129 = tpu.memref_squeeze %dma_wait3A_128 : memref<1x128x64xf32, #tpu.memory_space<vmem>> -> memref<128x64xf32, #tpu.memory_space<vmem>>
    %dma_wait3A_130 = arith.constant 0 : i32
    %dma_wait3A_131 = tpu.memref_slice %arg8[%rem3A_126, %dma_wait3A_130] : memref<2x128xi32, #tpu.memory_space<vmem>> -> memref<1x128xi32, #tpu.memory_space<vmem>>
    %dma_wait3A_132 = tpu.memref_squeeze %dma_wait3A_131 : memref<1x128xi32, #tpu.memory_space<vmem>> -> memref<128xi32, #tpu.memory_space<vmem>>
    %dma_wait3A_133 = arith.constant 0 : i32
    %dma_wait3A_134 = arith.constant 0 : i32
    %dma_wait3A_135 = tpu.memref_slice %arg11[%dma_wait3A_133, %dma_wait3A_134] : memref<26112x64xf32, #tpu.memory_space<vmem_shared>> -> memref<26112x64xf32, #tpu.memory_space<vmem_shared>>
    %dma_wait3A_136 = tpu.memref_slice %arg14[%rem3A_126] : memref<2x!tpu.dma_semaphore, #tpu.memory_space<semaphore_mem>> -> memref<1x!tpu.dma_semaphore, #tpu.memory_space<semaphore_mem>>
    %dma_wait3A_137 = tpu.memref_squeeze %dma_wait3A_136 : memref<1x!tpu.dma_semaphore, #tpu.memory_space<semaphore_mem>> -> memref<!tpu.dma_semaphore, #tpu.memory_space<semaphore_mem>>
    tpu.wait_indirect_dma semaphore(%dma_wait3A_137 : memref<!tpu.dma_semaphore, #tpu.memory_space<semaphore_mem>>) src(%dma_wait3A_129 : memref<128x64xf32, #tpu.memory_space<vmem>>) dst(%dma_wait3A_135 : memref<26112x64xf32, #tpu.memory_space<vmem_shared>>)
    %dma_wait3A_138 = arith.constant 0 : i32
    %dma_wait3A_139 = tpu.memref_slice %arg8[%rem3A_126, %dma_wait3A_138] : memref<2x128xi32, #tpu.memory_space<vmem>> -> memref<1x128xi32, #tpu.memory_space<vmem>>
    %dma_wait3A_140 = tpu.memref_squeeze %dma_wait3A_139 : memref<1x128xi32, #tpu.memory_space<vmem>> -> memref<128xi32, #tpu.memory_space<vmem>>
    %dma_wait3A_141 = arith.constant 0 : i32
    %dma_wait3A_142 = tpu.memref_slice %arg17[%dma_wait3A_141] : memref<26112xf32, #tpu.memory_space<vmem_shared>> -> memref<26112xf32, #tpu.memory_space<vmem_shared>>
    %dma_wait3A_143 = tpu.memref_slice %arg18[%rem3A_126] : memref<2x!tpu.dma_semaphore, #tpu.memory_space<semaphore_mem>> -> memref<1x!tpu.dma_semaphore, #tpu.memory_space<semaphore_mem>>
    %dma_wait3A_144 = tpu.memref_squeeze %dma_wait3A_143 : memref<1x!tpu.dma_semaphore, #tpu.memory_space<semaphore_mem>> -> memref<!tpu.dma_semaphore, #tpu.memory_space<semaphore_mem>>
    tpu.wait_indirect_dma semaphore(%dma_wait3A_144 : memref<!tpu.dma_semaphore, #tpu.memory_space<semaphore_mem>>) src(%arg15 : memref<128xf32, #tpu.memory_space<vmem>>) dst(%dma_wait3A_142 : memref<26112xf32, #tpu.memory_space<vmem_shared>>)
    %barrier3A_145 = arith.constant 0 : index
    tpu.barrier barrier_id(%barrier3A_145)
    %mul3A_146 = arith.constant 26112 : i32
    %mul3A_147 = arith.muli %arg0, %mul3A_146 : i32
    %add3A_148 = arith.addi %mul3A_147, %mul3A_3 : i32
    "tpu.region"() ({
      %run_scoped3A = tpu.sem_alloc : memref<!tpu.dma_semaphore, #tpu.memory_space<semaphore_mem>>
      %dma_start3A_149 = arith.constant 0 : i32
      %dma_start3A_150 = tpu.memref_slice %arg5[%add3A_148, %dma_start3A_149] : memref<52224x64xf32, #tpu.memory_space<hbm>> -> memref<1632x64xf32, #tpu.memory_space<hbm>>
      %dma_start3A_151 = arith.constant 0 : i32
      %dma_start3A_152 = tpu.memref_slice %arg11[%mul3A_3, %dma_start3A_151] : memref<26112x64xf32, #tpu.memory_space<vmem_shared>> -> memref<1632x64xf32, #tpu.memory_space<vmem_shared>>
      tpu.enqueue_dma source(%dma_start3A_152 : memref<1632x64xf32, #tpu.memory_space<vmem_shared>>) target(%dma_start3A_150 : memref<1632x64xf32, #tpu.memory_space<hbm>>) target_semaphore(%run_scoped3A : memref<!tpu.dma_semaphore, #tpu.memory_space<semaphore_mem>>)
      %dma_wait3A_153 = arith.constant 0 : i32
      %dma_wait3A_154 = tpu.memref_slice %arg5[%add3A_148, %dma_wait3A_153] : memref<52224x64xf32, #tpu.memory_space<hbm>> -> memref<1632x64xf32, #tpu.memory_space<hbm>>
      %dma_wait3A_155 = arith.constant 0 : i32
      %dma_wait3A_156 = tpu.memref_slice %arg11[%mul3A_3, %dma_wait3A_155] : memref<26112x64xf32, #tpu.memory_space<vmem_shared>> -> memref<1632x64xf32, #tpu.memory_space<vmem_shared>>
      tpu.wait_dma2 semaphore(%run_scoped3A : memref<!tpu.dma_semaphore, #tpu.memory_space<semaphore_mem>>) src(%dma_wait3A_156 : memref<1632x64xf32, #tpu.memory_space<vmem_shared>>) dst(%dma_wait3A_154 : memref<1632x64xf32, #tpu.memory_space<hbm>>)
      tpu.yield
    }) : () -> ()
    "tpu.region"() ({
      %run_scoped3A = tpu.sem_alloc : memref<!tpu.dma_semaphore, #tpu.memory_space<semaphore_mem>>
      %dma_start3A_149 = tpu.memref_slice %arg6[%add3A_148] : memref<52224xf32, #tpu.memory_space<hbm>> -> memref<1632xf32, #tpu.memory_space<hbm>>
      %dma_start3A_150 = tpu.memref_slice %arg17[%mul3A_3] : memref<26112xf32, #tpu.memory_space<vmem_shared>> -> memref<1632xf32, #tpu.memory_space<vmem_shared>>
      tpu.enqueue_dma source(%dma_start3A_150 : memref<1632xf32, #tpu.memory_space<vmem_shared>>) target(%dma_start3A_149 : memref<1632xf32, #tpu.memory_space<hbm>>) target_semaphore(%run_scoped3A : memref<!tpu.dma_semaphore, #tpu.memory_space<semaphore_mem>>)
      %dma_wait3A_151 = tpu.memref_slice %arg6[%add3A_148] : memref<52224xf32, #tpu.memory_space<hbm>> -> memref<1632xf32, #tpu.memory_space<hbm>>
      %dma_wait3A_152 = tpu.memref_slice %arg17[%mul3A_3] : memref<26112xf32, #tpu.memory_space<vmem_shared>> -> memref<1632xf32, #tpu.memory_space<vmem_shared>>
      tpu.wait_dma2 semaphore(%run_scoped3A : memref<!tpu.dma_semaphore, #tpu.memory_space<semaphore_mem>>) src(%dma_wait3A_152 : memref<1632xf32, #tpu.memory_space<vmem_shared>>) dst(%dma_wait3A_151 : memref<1632xf32, #tpu.memory_space<hbm>>)
      tpu.yield
    }) : () -> ()
    return
  }
}

#map = affine_map<(d0, d1) -> (0, 0)>
#map1 = affine_map<(d0, d1) -> (0)>
module attributes {stable_mosaic.version = 14 : i64} {
  func.func @segsum(%arg0: i32, %arg1: i32, %arg2: memref<50000x64xf32, #tpu.memory_space<hbm>>, %arg3: memref<800000xi32, #tpu.memory_space<hbm>>, %arg4: memref<800000xi32, #tpu.memory_space<hbm>>, %arg5: memref<52224x64xf32, #tpu.memory_space<hbm>>, %arg6: memref<2x128xi32, #tpu.memory_space<vmem>>, %arg7: memref<2x128xi32, #tpu.memory_space<vmem>>, %arg8: memref<2x128x64xf32, #tpu.memory_space<vmem>>, %arg9: memref<64x64xf32, #tpu.memory_space<vmem>>, %arg10: memref<26112x64xf32, #tpu.memory_space<vmem_shared>>, %arg11: memref<2x!tpu.dma_semaphore, #tpu.memory_space<semaphore_mem>>, %arg12: memref<2x!tpu.dma_semaphore, #tpu.memory_space<semaphore_mem>>, %arg13: memref<2x!tpu.dma_semaphore, #tpu.memory_space<semaphore_mem>>) attributes {dimension_semantics = [#tpu.dimension_semantics<core_parallel>, #tpu.dimension_semantics<subcore_parallel>], iteration_bounds = array<i64: 2, 16>, scalar_prefetch = 0 : i64, scratch_operands = 8 : i64, tpu.core_type = #tpu.core_type<sc_vector_subcore>, window_params = [{transform_indices = #map}, {transform_indices = #map1}, {transform_indices = #map1}, {transform_indices = #map}]} {
    %mul3A = arith.constant 25000 : i32
    %mul3A_0 = arith.muli %arg0, %mul3A : i32
    %add3A = arith.constant 25000 : i32
    %add3A_1 = arith.addi %mul3A_0, %add3A : i32
    %mul3A_2 = arith.constant 1632 : i32
    %mul3A_3 = arith.muli %arg1, %mul3A_2 : i32
    %broadcast_in_dim3A = arith.constant 0.000000e+00 : f32
    %broadcast_in_dim3A_4 = vector.broadcast %broadcast_in_dim3A : f32 to vector<16xf32>
    %iota3A = tpu.iota {dimensions = array<i32: 0>} : vector<16xi32>
    %scan3A = arith.constant 0 : i32
    %scan3A_5 = arith.constant 0 : i32
    %scan3A_6 = arith.constant 64 : i32
    %scan3A_7 = arith.addi %scan3A_5, %scan3A_6 : i32
    %scan3A_8 = arith.constant 1 : i32
    %scan3A_9 = scf.for %scan3A_128 = %scan3A_5 to %scan3A_7 step %scan3A_8 iter_args(%scan3A_129 = %scan3A) -> (i32)  : i32 {
      %swap3A = arith.index_cast %scan3A_128 : i32 to index
      %swap3A_130 = arith.constant 0 : index
      %swap3A_131 = tpu.vector_load %arg9[%swap3A, %swap3A_130] {strides = array<i32>} : memref<64x64xf32, #tpu.memory_space<vmem>>, vector<1x16xf32>,
      %swap3A_132 = vector.shape_cast %swap3A_131 : vector<1x16xf32> to vector<16xf32>
      %swap3A_133 = vector.shape_cast %broadcast_in_dim3A_4 : vector<16xf32> to vector<1x16xf32>
      tpu.vector_store %arg9[%swap3A, %swap3A_130], %swap3A_133 {strides = array<i32>} : memref<64x64xf32, #tpu.memory_space<vmem>>, vector<1x16xf32>,
      %swap3A_134 = arith.index_cast %scan3A_128 : i32 to index
      %swap3A_135 = arith.constant 16 : index
      %swap3A_136 = tpu.vector_load %arg9[%swap3A_134, %swap3A_135] {strides = array<i32>} : memref<64x64xf32, #tpu.memory_space<vmem>>, vector<1x16xf32>,
      %swap3A_137 = vector.shape_cast %swap3A_136 : vector<1x16xf32> to vector<16xf32>
      %swap3A_138 = vector.shape_cast %broadcast_in_dim3A_4 : vector<16xf32> to vector<1x16xf32>
      tpu.vector_store %arg9[%swap3A_134, %swap3A_135], %swap3A_138 {strides = array<i32>} : memref<64x64xf32, #tpu.memory_space<vmem>>, vector<1x16xf32>,
      %swap3A_139 = arith.index_cast %scan3A_128 : i32 to index
      %swap3A_140 = arith.constant 32 : index
      %swap3A_141 = tpu.vector_load %arg9[%swap3A_139, %swap3A_140] {strides = array<i32>} : memref<64x64xf32, #tpu.memory_space<vmem>>, vector<1x16xf32>,
      %swap3A_142 = vector.shape_cast %swap3A_141 : vector<1x16xf32> to vector<16xf32>
      %swap3A_143 = vector.shape_cast %broadcast_in_dim3A_4 : vector<16xf32> to vector<1x16xf32>
      tpu.vector_store %arg9[%swap3A_139, %swap3A_140], %swap3A_143 {strides = array<i32>} : memref<64x64xf32, #tpu.memory_space<vmem>>, vector<1x16xf32>,
      %swap3A_144 = arith.index_cast %scan3A_128 : i32 to index
      %swap3A_145 = arith.constant 48 : index
      %swap3A_146 = tpu.vector_load %arg9[%swap3A_144, %swap3A_145] {strides = array<i32>} : memref<64x64xf32, #tpu.memory_space<vmem>>, vector<1x16xf32>,
      %swap3A_147 = vector.shape_cast %swap3A_146 : vector<1x16xf32> to vector<16xf32>
      %swap3A_148 = vector.shape_cast %broadcast_in_dim3A_4 : vector<16xf32> to vector<1x16xf32>
      tpu.vector_store %arg9[%swap3A_144, %swap3A_145], %swap3A_148 {strides = array<i32>} : memref<64x64xf32, #tpu.memory_space<vmem>>, vector<1x16xf32>,
      %scan3A_149 = arith.constant 0 : i32
      scf.yield %scan3A_149 : i32
    }
    %scan3A_10 = arith.constant 64 : i32
    %add3A_11 = arith.constant 0 : i32
    %add3A_12 = arith.addi %mul3A_3, %add3A_11 : i32
    "tpu.region"() ({
      %run_scoped3A = tpu.sem_alloc : memref<!tpu.dma_semaphore, #tpu.memory_space<semaphore_mem>>
      %dma_start3A_128 = arith.constant 0 : i32
      %dma_start3A_129 = tpu.memref_slice %arg10[%add3A_12, %dma_start3A_128] : memref<26112x64xf32, #tpu.memory_space<vmem_shared>> -> memref<64x64xf32, #tpu.memory_space<vmem_shared>>
      %dma_start3A_130 = arith.constant 0 : i32
      %dma_start3A_131 = tpu.memref_slice %arg10[%add3A_12, %dma_start3A_130] : memref<26112x64xf32, #tpu.memory_space<vmem_shared>> -> memref<64x64xf32, #tpu.memory_space<vmem_shared>>
      tpu.enqueue_dma source(%arg9 : memref<64x64xf32, #tpu.memory_space<vmem>>) target(%dma_start3A_131 : memref<64x64xf32, #tpu.memory_space<vmem_shared>>) target_semaphore(%run_scoped3A : memref<!tpu.dma_semaphore, #tpu.memory_space<semaphore_mem>>)
      %dma_wait3A_132 = arith.constant 0 : i32
      %dma_wait3A_133 = tpu.memref_slice %arg10[%add3A_12, %dma_wait3A_132] : memref<26112x64xf32, #tpu.memory_space<vmem_shared>> -> memref<64x64xf32, #tpu.memory_space<vmem_shared>>
      %dma_wait3A_134 = arith.constant 0 : i32
      %dma_wait3A_135 = tpu.memref_slice %arg10[%add3A_12, %dma_wait3A_134] : memref<26112x64xf32, #tpu.memory_space<vmem_shared>> -> memref<64x64xf32, #tpu.memory_space<vmem_shared>>
      tpu.wait_dma2 semaphore(%run_scoped3A : memref<!tpu.dma_semaphore, #tpu.memory_space<semaphore_mem>>) src(%arg9 : memref<64x64xf32, #tpu.memory_space<vmem>>) dst(%dma_wait3A_135 : memref<64x64xf32, #tpu.memory_space<vmem_shared>>)
      tpu.yield
    }) : () -> ()
    %add3A_13 = arith.constant 64 : i32
    %add3A_14 = arith.addi %mul3A_3, %add3A_13 : i32
    "tpu.region"() ({
      %run_scoped3A = tpu.sem_alloc : memref<!tpu.dma_semaphore, #tpu.memory_space<semaphore_mem>>
      %dma_start3A_128 = arith.constant 0 : i32
      %dma_start3A_129 = tpu.memref_slice %arg10[%add3A_14, %dma_start3A_128] : memref<26112x64xf32, #tpu.memory_space<vmem_shared>> -> memref<64x64xf32, #tpu.memory_space<vmem_shared>>
      %dma_start3A_130 = arith.constant 0 : i32
      %dma_start3A_131 = tpu.memref_slice %arg10[%add3A_14, %dma_start3A_130] : memref<26112x64xf32, #tpu.memory_space<vmem_shared>> -> memref<64x64xf32, #tpu.memory_space<vmem_shared>>
      tpu.enqueue_dma source(%arg9 : memref<64x64xf32, #tpu.memory_space<vmem>>) target(%dma_start3A_131 : memref<64x64xf32, #tpu.memory_space<vmem_shared>>) target_semaphore(%run_scoped3A : memref<!tpu.dma_semaphore, #tpu.memory_space<semaphore_mem>>)
      %dma_wait3A_132 = arith.constant 0 : i32
      %dma_wait3A_133 = tpu.memref_slice %arg10[%add3A_14, %dma_wait3A_132] : memref<26112x64xf32, #tpu.memory_space<vmem_shared>> -> memref<64x64xf32, #tpu.memory_space<vmem_shared>>
      %dma_wait3A_134 = arith.constant 0 : i32
      %dma_wait3A_135 = tpu.memref_slice %arg10[%add3A_14, %dma_wait3A_134] : memref<26112x64xf32, #tpu.memory_space<vmem_shared>> -> memref<64x64xf32, #tpu.memory_space<vmem_shared>>
      tpu.wait_dma2 semaphore(%run_scoped3A : memref<!tpu.dma_semaphore, #tpu.memory_space<semaphore_mem>>) src(%arg9 : memref<64x64xf32, #tpu.memory_space<vmem>>) dst(%dma_wait3A_135 : memref<64x64xf32, #tpu.memory_space<vmem_shared>>)
      tpu.yield
    }) : () -> ()
    %add3A_15 = arith.constant 128 : i32
    %add3A_16 = arith.addi %mul3A_3, %add3A_15 : i32
    "tpu.region"() ({
      %run_scoped3A = tpu.sem_alloc : memref<!tpu.dma_semaphore, #tpu.memory_space<semaphore_mem>>
      %dma_start3A_128 = arith.constant 0 : i32
      %dma_start3A_129 = tpu.memref_slice %arg10[%add3A_16, %dma_start3A_128] : memref<26112x64xf32, #tpu.memory_space<vmem_shared>> -> memref<64x64xf32, #tpu.memory_space<vmem_shared>>
      %dma_start3A_130 = arith.constant 0 : i32
      %dma_start3A_131 = tpu.memref_slice %arg10[%add3A_16, %dma_start3A_130] : memref<26112x64xf32, #tpu.memory_space<vmem_shared>> -> memref<64x64xf32, #tpu.memory_space<vmem_shared>>
      tpu.enqueue_dma source(%arg9 : memref<64x64xf32, #tpu.memory_space<vmem>>) target(%dma_start3A_131 : memref<64x64xf32, #tpu.memory_space<vmem_shared>>) target_semaphore(%run_scoped3A : memref<!tpu.dma_semaphore, #tpu.memory_space<semaphore_mem>>)
      %dma_wait3A_132 = arith.constant 0 : i32
      %dma_wait3A_133 = tpu.memref_slice %arg10[%add3A_16, %dma_wait3A_132] : memref<26112x64xf32, #tpu.memory_space<vmem_shared>> -> memref<64x64xf32, #tpu.memory_space<vmem_shared>>
      %dma_wait3A_134 = arith.constant 0 : i32
      %dma_wait3A_135 = tpu.memref_slice %arg10[%add3A_16, %dma_wait3A_134] : memref<26112x64xf32, #tpu.memory_space<vmem_shared>> -> memref<64x64xf32, #tpu.memory_space<vmem_shared>>
      tpu.wait_dma2 semaphore(%run_scoped3A : memref<!tpu.dma_semaphore, #tpu.memory_space<semaphore_mem>>) src(%arg9 : memref<64x64xf32, #tpu.memory_space<vmem>>) dst(%dma_wait3A_135 : memref<64x64xf32, #tpu.memory_space<vmem_shared>>)
      tpu.yield
    }) : () -> ()
    %add3A_17 = arith.constant 192 : i32
    %add3A_18 = arith.addi %mul3A_3, %add3A_17 : i32
    "tpu.region"() ({
      %run_scoped3A = tpu.sem_alloc : memref<!tpu.dma_semaphore, #tpu.memory_space<semaphore_mem>>
      %dma_start3A_128 = arith.constant 0 : i32
      %dma_start3A_129 = tpu.memref_slice %arg10[%add3A_18, %dma_start3A_128] : memref<26112x64xf32, #tpu.memory_space<vmem_shared>> -> memref<64x64xf32, #tpu.memory_space<vmem_shared>>
      %dma_start3A_130 = arith.constant 0 : i32
      %dma_start3A_131 = tpu.memref_slice %arg10[%add3A_18, %dma_start3A_130] : memref<26112x64xf32, #tpu.memory_space<vmem_shared>> -> memref<64x64xf32, #tpu.memory_space<vmem_shared>>
      tpu.enqueue_dma source(%arg9 : memref<64x64xf32, #tpu.memory_space<vmem>>) target(%dma_start3A_131 : memref<64x64xf32, #tpu.memory_space<vmem_shared>>) target_semaphore(%run_scoped3A : memref<!tpu.dma_semaphore, #tpu.memory_space<semaphore_mem>>)
      %dma_wait3A_132 = arith.constant 0 : i32
      %dma_wait3A_133 = tpu.memref_slice %arg10[%add3A_18, %dma_wait3A_132] : memref<26112x64xf32, #tpu.memory_space<vmem_shared>> -> memref<64x64xf32, #tpu.memory_space<vmem_shared>>
      %dma_wait3A_134 = arith.constant 0 : i32
      %dma_wait3A_135 = tpu.memref_slice %arg10[%add3A_18, %dma_wait3A_134] : memref<26112x64xf32, #tpu.memory_space<vmem_shared>> -> memref<64x64xf32, #tpu.memory_space<vmem_shared>>
      tpu.wait_dma2 semaphore(%run_scoped3A : memref<!tpu.dma_semaphore, #tpu.memory_space<semaphore_mem>>) src(%arg9 : memref<64x64xf32, #tpu.memory_space<vmem>>) dst(%dma_wait3A_135 : memref<64x64xf32, #tpu.memory_space<vmem_shared>>)
      tpu.yield
    }) : () -> ()
    %add3A_19 = arith.constant 256 : i32
    %add3A_20 = arith.addi %mul3A_3, %add3A_19 : i32
    "tpu.region"() ({
      %run_scoped3A = tpu.sem_alloc : memref<!tpu.dma_semaphore, #tpu.memory_space<semaphore_mem>>
      %dma_start3A_128 = arith.constant 0 : i32
      %dma_start3A_129 = tpu.memref_slice %arg10[%add3A_20, %dma_start3A_128] : memref<26112x64xf32, #tpu.memory_space<vmem_shared>> -> memref<64x64xf32, #tpu.memory_space<vmem_shared>>
      %dma_start3A_130 = arith.constant 0 : i32
      %dma_start3A_131 = tpu.memref_slice %arg10[%add3A_20, %dma_start3A_130] : memref<26112x64xf32, #tpu.memory_space<vmem_shared>> -> memref<64x64xf32, #tpu.memory_space<vmem_shared>>
      tpu.enqueue_dma source(%arg9 : memref<64x64xf32, #tpu.memory_space<vmem>>) target(%dma_start3A_131 : memref<64x64xf32, #tpu.memory_space<vmem_shared>>) target_semaphore(%run_scoped3A : memref<!tpu.dma_semaphore, #tpu.memory_space<semaphore_mem>>)
      %dma_wait3A_132 = arith.constant 0 : i32
      %dma_wait3A_133 = tpu.memref_slice %arg10[%add3A_20, %dma_wait3A_132] : memref<26112x64xf32, #tpu.memory_space<vmem_shared>> -> memref<64x64xf32, #tpu.memory_space<vmem_shared>>
      %dma_wait3A_134 = arith.constant 0 : i32
      %dma_wait3A_135 = tpu.memref_slice %arg10[%add3A_20, %dma_wait3A_134] : memref<26112x64xf32, #tpu.memory_space<vmem_shared>> -> memref<64x64xf32, #tpu.memory_space<vmem_shared>>
      tpu.wait_dma2 semaphore(%run_scoped3A : memref<!tpu.dma_semaphore, #tpu.memory_space<semaphore_mem>>) src(%arg9 : memref<64x64xf32, #tpu.memory_space<vmem>>) dst(%dma_wait3A_135 : memref<64x64xf32, #tpu.memory_space<vmem_shared>>)
      tpu.yield
    }) : () -> ()
    %add3A_21 = arith.constant 320 : i32
    %add3A_22 = arith.addi %mul3A_3, %add3A_21 : i32
    "tpu.region"() ({
      %run_scoped3A = tpu.sem_alloc : memref<!tpu.dma_semaphore, #tpu.memory_space<semaphore_mem>>
      %dma_start3A_128 = arith.constant 0 : i32
      %dma_start3A_129 = tpu.memref_slice %arg10[%add3A_22, %dma_start3A_128] : memref<26112x64xf32, #tpu.memory_space<vmem_shared>> -> memref<64x64xf32, #tpu.memory_space<vmem_shared>>
      %dma_start3A_130 = arith.constant 0 : i32
      %dma_start3A_131 = tpu.memref_slice %arg10[%add3A_22, %dma_start3A_130] : memref<26112x64xf32, #tpu.memory_space<vmem_shared>> -> memref<64x64xf32, #tpu.memory_space<vmem_shared>>
      tpu.enqueue_dma source(%arg9 : memref<64x64xf32, #tpu.memory_space<vmem>>) target(%dma_start3A_131 : memref<64x64xf32, #tpu.memory_space<vmem_shared>>) target_semaphore(%run_scoped3A : memref<!tpu.dma_semaphore, #tpu.memory_space<semaphore_mem>>)
      %dma_wait3A_132 = arith.constant 0 : i32
      %dma_wait3A_133 = tpu.memref_slice %arg10[%add3A_22, %dma_wait3A_132] : memref<26112x64xf32, #tpu.memory_space<vmem_shared>> -> memref<64x64xf32, #tpu.memory_space<vmem_shared>>
      %dma_wait3A_134 = arith.constant 0 : i32
      %dma_wait3A_135 = tpu.memref_slice %arg10[%add3A_22, %dma_wait3A_134] : memref<26112x64xf32, #tpu.memory_space<vmem_shared>> -> memref<64x64xf32, #tpu.memory_space<vmem_shared>>
      tpu.wait_dma2 semaphore(%run_scoped3A : memref<!tpu.dma_semaphore, #tpu.memory_space<semaphore_mem>>) src(%arg9 : memref<64x64xf32, #tpu.memory_space<vmem>>) dst(%dma_wait3A_135 : memref<64x64xf32, #tpu.memory_space<vmem_shared>>)
      tpu.yield
    }) : () -> ()
    %add3A_23 = arith.constant 384 : i32
    %add3A_24 = arith.addi %mul3A_3, %add3A_23 : i32
    "tpu.region"() ({
      %run_scoped3A = tpu.sem_alloc : memref<!tpu.dma_semaphore, #tpu.memory_space<semaphore_mem>>
      %dma_start3A_128 = arith.constant 0 : i32
      %dma_start3A_129 = tpu.memref_slice %arg10[%add3A_24, %dma_start3A_128] : memref<26112x64xf32, #tpu.memory_space<vmem_shared>> -> memref<64x64xf32, #tpu.memory_space<vmem_shared>>
      %dma_start3A_130 = arith.constant 0 : i32
      %dma_start3A_131 = tpu.memref_slice %arg10[%add3A_24, %dma_start3A_130] : memref<26112x64xf32, #tpu.memory_space<vmem_shared>> -> memref<64x64xf32, #tpu.memory_space<vmem_shared>>
      tpu.enqueue_dma source(%arg9 : memref<64x64xf32, #tpu.memory_space<vmem>>) target(%dma_start3A_131 : memref<64x64xf32, #tpu.memory_space<vmem_shared>>) target_semaphore(%run_scoped3A : memref<!tpu.dma_semaphore, #tpu.memory_space<semaphore_mem>>)
      %dma_wait3A_132 = arith.constant 0 : i32
      %dma_wait3A_133 = tpu.memref_slice %arg10[%add3A_24, %dma_wait3A_132] : memref<26112x64xf32, #tpu.memory_space<vmem_shared>> -> memref<64x64xf32, #tpu.memory_space<vmem_shared>>
      %dma_wait3A_134 = arith.constant 0 : i32
      %dma_wait3A_135 = tpu.memref_slice %arg10[%add3A_24, %dma_wait3A_134] : memref<26112x64xf32, #tpu.memory_space<vmem_shared>> -> memref<64x64xf32, #tpu.memory_space<vmem_shared>>
      tpu.wait_dma2 semaphore(%run_scoped3A : memref<!tpu.dma_semaphore, #tpu.memory_space<semaphore_mem>>) src(%arg9 : memref<64x64xf32, #tpu.memory_space<vmem>>) dst(%dma_wait3A_135 : memref<64x64xf32, #tpu.memory_space<vmem_shared>>)
      tpu.yield
    }) : () -> ()
    %add3A_25 = arith.constant 448 : i32
    %add3A_26 = arith.addi %mul3A_3, %add3A_25 : i32
    "tpu.region"() ({
      %run_scoped3A = tpu.sem_alloc : memref<!tpu.dma_semaphore, #tpu.memory_space<semaphore_mem>>
      %dma_start3A_128 = arith.constant 0 : i32
      %dma_start3A_129 = tpu.memref_slice %arg10[%add3A_26, %dma_start3A_128] : memref<26112x64xf32, #tpu.memory_space<vmem_shared>> -> memref<64x64xf32, #tpu.memory_space<vmem_shared>>
      %dma_start3A_130 = arith.constant 0 : i32
      %dma_start3A_131 = tpu.memref_slice %arg10[%add3A_26, %dma_start3A_130] : memref<26112x64xf32, #tpu.memory_space<vmem_shared>> -> memref<64x64xf32, #tpu.memory_space<vmem_shared>>
      tpu.enqueue_dma source(%arg9 : memref<64x64xf32, #tpu.memory_space<vmem>>) target(%dma_start3A_131 : memref<64x64xf32, #tpu.memory_space<vmem_shared>>) target_semaphore(%run_scoped3A : memref<!tpu.dma_semaphore, #tpu.memory_space<semaphore_mem>>)
      %dma_wait3A_132 = arith.constant 0 : i32
      %dma_wait3A_133 = tpu.memref_slice %arg10[%add3A_26, %dma_wait3A_132] : memref<26112x64xf32, #tpu.memory_space<vmem_shared>> -> memref<64x64xf32, #tpu.memory_space<vmem_shared>>
      %dma_wait3A_134 = arith.constant 0 : i32
      %dma_wait3A_135 = tpu.memref_slice %arg10[%add3A_26, %dma_wait3A_134] : memref<26112x64xf32, #tpu.memory_space<vmem_shared>> -> memref<64x64xf32, #tpu.memory_space<vmem_shared>>
      tpu.wait_dma2 semaphore(%run_scoped3A : memref<!tpu.dma_semaphore, #tpu.memory_space<semaphore_mem>>) src(%arg9 : memref<64x64xf32, #tpu.memory_space<vmem>>) dst(%dma_wait3A_135 : memref<64x64xf32, #tpu.memory_space<vmem_shared>>)
      tpu.yield
    }) : () -> ()
    %add3A_27 = arith.constant 512 : i32
    %add3A_28 = arith.addi %mul3A_3, %add3A_27 : i32
    "tpu.region"() ({
      %run_scoped3A = tpu.sem_alloc : memref<!tpu.dma_semaphore, #tpu.memory_space<semaphore_mem>>
      %dma_start3A_128 = arith.constant 0 : i32
      %dma_start3A_129 = tpu.memref_slice %arg10[%add3A_28, %dma_start3A_128] : memref<26112x64xf32, #tpu.memory_space<vmem_shared>> -> memref<64x64xf32, #tpu.memory_space<vmem_shared>>
      %dma_start3A_130 = arith.constant 0 : i32
      %dma_start3A_131 = tpu.memref_slice %arg10[%add3A_28, %dma_start3A_130] : memref<26112x64xf32, #tpu.memory_space<vmem_shared>> -> memref<64x64xf32, #tpu.memory_space<vmem_shared>>
      tpu.enqueue_dma source(%arg9 : memref<64x64xf32, #tpu.memory_space<vmem>>) target(%dma_start3A_131 : memref<64x64xf32, #tpu.memory_space<vmem_shared>>) target_semaphore(%run_scoped3A : memref<!tpu.dma_semaphore, #tpu.memory_space<semaphore_mem>>)
      %dma_wait3A_132 = arith.constant 0 : i32
      %dma_wait3A_133 = tpu.memref_slice %arg10[%add3A_28, %dma_wait3A_132] : memref<26112x64xf32, #tpu.memory_space<vmem_shared>> -> memref<64x64xf32, #tpu.memory_space<vmem_shared>>
      %dma_wait3A_134 = arith.constant 0 : i32
      %dma_wait3A_135 = tpu.memref_slice %arg10[%add3A_28, %dma_wait3A_134] : memref<26112x64xf32, #tpu.memory_space<vmem_shared>> -> memref<64x64xf32, #tpu.memory_space<vmem_shared>>
      tpu.wait_dma2 semaphore(%run_scoped3A : memref<!tpu.dma_semaphore, #tpu.memory_space<semaphore_mem>>) src(%arg9 : memref<64x64xf32, #tpu.memory_space<vmem>>) dst(%dma_wait3A_135 : memref<64x64xf32, #tpu.memory_space<vmem_shared>>)
      tpu.yield
    }) : () -> ()
    %add3A_29 = arith.constant 576 : i32
    %add3A_30 = arith.addi %mul3A_3, %add3A_29 : i32
    "tpu.region"() ({
      %run_scoped3A = tpu.sem_alloc : memref<!tpu.dma_semaphore, #tpu.memory_space<semaphore_mem>>
      %dma_start3A_128 = arith.constant 0 : i32
      %dma_start3A_129 = tpu.memref_slice %arg10[%add3A_30, %dma_start3A_128] : memref<26112x64xf32, #tpu.memory_space<vmem_shared>> -> memref<64x64xf32, #tpu.memory_space<vmem_shared>>
      %dma_start3A_130 = arith.constant 0 : i32
      %dma_start3A_131 = tpu.memref_slice %arg10[%add3A_30, %dma_start3A_130] : memref<26112x64xf32, #tpu.memory_space<vmem_shared>> -> memref<64x64xf32, #tpu.memory_space<vmem_shared>>
      tpu.enqueue_dma source(%arg9 : memref<64x64xf32, #tpu.memory_space<vmem>>) target(%dma_start3A_131 : memref<64x64xf32, #tpu.memory_space<vmem_shared>>) target_semaphore(%run_scoped3A : memref<!tpu.dma_semaphore, #tpu.memory_space<semaphore_mem>>)
      %dma_wait3A_132 = arith.constant 0 : i32
      %dma_wait3A_133 = tpu.memref_slice %arg10[%add3A_30, %dma_wait3A_132] : memref<26112x64xf32, #tpu.memory_space<vmem_shared>> -> memref<64x64xf32, #tpu.memory_space<vmem_shared>>
      %dma_wait3A_134 = arith.constant 0 : i32
      %dma_wait3A_135 = tpu.memref_slice %arg10[%add3A_30, %dma_wait3A_134] : memref<26112x64xf32, #tpu.memory_space<vmem_shared>> -> memref<64x64xf32, #tpu.memory_space<vmem_shared>>
      tpu.wait_dma2 semaphore(%run_scoped3A : memref<!tpu.dma_semaphore, #tpu.memory_space<semaphore_mem>>) src(%arg9 : memref<64x64xf32, #tpu.memory_space<vmem>>) dst(%dma_wait3A_135 : memref<64x64xf32, #tpu.memory_space<vmem_shared>>)
      tpu.yield
    }) : () -> ()
    %add3A_31 = arith.constant 640 : i32
    %add3A_32 = arith.addi %mul3A_3, %add3A_31 : i32
    "tpu.region"() ({
      %run_scoped3A = tpu.sem_alloc : memref<!tpu.dma_semaphore, #tpu.memory_space<semaphore_mem>>
      %dma_start3A_128 = arith.constant 0 : i32
      %dma_start3A_129 = tpu.memref_slice %arg10[%add3A_32, %dma_start3A_128] : memref<26112x64xf32, #tpu.memory_space<vmem_shared>> -> memref<64x64xf32, #tpu.memory_space<vmem_shared>>
      %dma_start3A_130 = arith.constant 0 : i32
      %dma_start3A_131 = tpu.memref_slice %arg10[%add3A_32, %dma_start3A_130] : memref<26112x64xf32, #tpu.memory_space<vmem_shared>> -> memref<64x64xf32, #tpu.memory_space<vmem_shared>>
      tpu.enqueue_dma source(%arg9 : memref<64x64xf32, #tpu.memory_space<vmem>>) target(%dma_start3A_131 : memref<64x64xf32, #tpu.memory_space<vmem_shared>>) target_semaphore(%run_scoped3A : memref<!tpu.dma_semaphore, #tpu.memory_space<semaphore_mem>>)
      %dma_wait3A_132 = arith.constant 0 : i32
      %dma_wait3A_133 = tpu.memref_slice %arg10[%add3A_32, %dma_wait3A_132] : memref<26112x64xf32, #tpu.memory_space<vmem_shared>> -> memref<64x64xf32, #tpu.memory_space<vmem_shared>>
      %dma_wait3A_134 = arith.constant 0 : i32
      %dma_wait3A_135 = tpu.memref_slice %arg10[%add3A_32, %dma_wait3A_134] : memref<26112x64xf32, #tpu.memory_space<vmem_shared>> -> memref<64x64xf32, #tpu.memory_space<vmem_shared>>
      tpu.wait_dma2 semaphore(%run_scoped3A : memref<!tpu.dma_semaphore, #tpu.memory_space<semaphore_mem>>) src(%arg9 : memref<64x64xf32, #tpu.memory_space<vmem>>) dst(%dma_wait3A_135 : memref<64x64xf32, #tpu.memory_space<vmem_shared>>)
      tpu.yield
    }) : () -> ()
    %add3A_33 = arith.constant 704 : i32
    %add3A_34 = arith.addi %mul3A_3, %add3A_33 : i32
    "tpu.region"() ({
      %run_scoped3A = tpu.sem_alloc : memref<!tpu.dma_semaphore, #tpu.memory_space<semaphore_mem>>
      %dma_start3A_128 = arith.constant 0 : i32
      %dma_start3A_129 = tpu.memref_slice %arg10[%add3A_34, %dma_start3A_128] : memref<26112x64xf32, #tpu.memory_space<vmem_shared>> -> memref<64x64xf32, #tpu.memory_space<vmem_shared>>
      %dma_start3A_130 = arith.constant 0 : i32
      %dma_start3A_131 = tpu.memref_slice %arg10[%add3A_34, %dma_start3A_130] : memref<26112x64xf32, #tpu.memory_space<vmem_shared>> -> memref<64x64xf32, #tpu.memory_space<vmem_shared>>
      tpu.enqueue_dma source(%arg9 : memref<64x64xf32, #tpu.memory_space<vmem>>) target(%dma_start3A_131 : memref<64x64xf32, #tpu.memory_space<vmem_shared>>) target_semaphore(%run_scoped3A : memref<!tpu.dma_semaphore, #tpu.memory_space<semaphore_mem>>)
      %dma_wait3A_132 = arith.constant 0 : i32
      %dma_wait3A_133 = tpu.memref_slice %arg10[%add3A_34, %dma_wait3A_132] : memref<26112x64xf32, #tpu.memory_space<vmem_shared>> -> memref<64x64xf32, #tpu.memory_space<vmem_shared>>
      %dma_wait3A_134 = arith.constant 0 : i32
      %dma_wait3A_135 = tpu.memref_slice %arg10[%add3A_34, %dma_wait3A_134] : memref<26112x64xf32, #tpu.memory_space<vmem_shared>> -> memref<64x64xf32, #tpu.memory_space<vmem_shared>>
      tpu.wait_dma2 semaphore(%run_scoped3A : memref<!tpu.dma_semaphore, #tpu.memory_space<semaphore_mem>>) src(%arg9 : memref<64x64xf32, #tpu.memory_space<vmem>>) dst(%dma_wait3A_135 : memref<64x64xf32, #tpu.memory_space<vmem_shared>>)
      tpu.yield
    }) : () -> ()
    %add3A_35 = arith.constant 768 : i32
    %add3A_36 = arith.addi %mul3A_3, %add3A_35 : i32
    "tpu.region"() ({
      %run_scoped3A = tpu.sem_alloc : memref<!tpu.dma_semaphore, #tpu.memory_space<semaphore_mem>>
      %dma_start3A_128 = arith.constant 0 : i32
      %dma_start3A_129 = tpu.memref_slice %arg10[%add3A_36, %dma_start3A_128] : memref<26112x64xf32, #tpu.memory_space<vmem_shared>> -> memref<64x64xf32, #tpu.memory_space<vmem_shared>>
      %dma_start3A_130 = arith.constant 0 : i32
      %dma_start3A_131 = tpu.memref_slice %arg10[%add3A_36, %dma_start3A_130] : memref<26112x64xf32, #tpu.memory_space<vmem_shared>> -> memref<64x64xf32, #tpu.memory_space<vmem_shared>>
      tpu.enqueue_dma source(%arg9 : memref<64x64xf32, #tpu.memory_space<vmem>>) target(%dma_start3A_131 : memref<64x64xf32, #tpu.memory_space<vmem_shared>>) target_semaphore(%run_scoped3A : memref<!tpu.dma_semaphore, #tpu.memory_space<semaphore_mem>>)
      %dma_wait3A_132 = arith.constant 0 : i32
      %dma_wait3A_133 = tpu.memref_slice %arg10[%add3A_36, %dma_wait3A_132] : memref<26112x64xf32, #tpu.memory_space<vmem_shared>> -> memref<64x64xf32, #tpu.memory_space<vmem_shared>>
      %dma_wait3A_134 = arith.constant 0 : i32
      %dma_wait3A_135 = tpu.memref_slice %arg10[%add3A_36, %dma_wait3A_134] : memref<26112x64xf32, #tpu.memory_space<vmem_shared>> -> memref<64x64xf32, #tpu.memory_space<vmem_shared>>
      tpu.wait_dma2 semaphore(%run_scoped3A : memref<!tpu.dma_semaphore, #tpu.memory_space<semaphore_mem>>) src(%arg9 : memref<64x64xf32, #tpu.memory_space<vmem>>) dst(%dma_wait3A_135 : memref<64x64xf32, #tpu.memory_space<vmem_shared>>)
      tpu.yield
    }) : () -> ()
    %add3A_37 = arith.constant 832 : i32
    %add3A_38 = arith.addi %mul3A_3, %add3A_37 : i32
    "tpu.region"() ({
      %run_scoped3A = tpu.sem_alloc : memref<!tpu.dma_semaphore, #tpu.memory_space<semaphore_mem>>
      %dma_start3A_128 = arith.constant 0 : i32
      %dma_start3A_129 = tpu.memref_slice %arg10[%add3A_38, %dma_start3A_128] : memref<26112x64xf32, #tpu.memory_space<vmem_shared>> -> memref<64x64xf32, #tpu.memory_space<vmem_shared>>
      %dma_start3A_130 = arith.constant 0 : i32
      %dma_start3A_131 = tpu.memref_slice %arg10[%add3A_38, %dma_start3A_130] : memref<26112x64xf32, #tpu.memory_space<vmem_shared>> -> memref<64x64xf32, #tpu.memory_space<vmem_shared>>
      tpu.enqueue_dma source(%arg9 : memref<64x64xf32, #tpu.memory_space<vmem>>) target(%dma_start3A_131 : memref<64x64xf32, #tpu.memory_space<vmem_shared>>) target_semaphore(%run_scoped3A : memref<!tpu.dma_semaphore, #tpu.memory_space<semaphore_mem>>)
      %dma_wait3A_132 = arith.constant 0 : i32
      %dma_wait3A_133 = tpu.memref_slice %arg10[%add3A_38, %dma_wait3A_132] : memref<26112x64xf32, #tpu.memory_space<vmem_shared>> -> memref<64x64xf32, #tpu.memory_space<vmem_shared>>
      %dma_wait3A_134 = arith.constant 0 : i32
      %dma_wait3A_135 = tpu.memref_slice %arg10[%add3A_38, %dma_wait3A_134] : memref<26112x64xf32, #tpu.memory_space<vmem_shared>> -> memref<64x64xf32, #tpu.memory_space<vmem_shared>>
      tpu.wait_dma2 semaphore(%run_scoped3A : memref<!tpu.dma_semaphore, #tpu.memory_space<semaphore_mem>>) src(%arg9 : memref<64x64xf32, #tpu.memory_space<vmem>>) dst(%dma_wait3A_135 : memref<64x64xf32, #tpu.memory_space<vmem_shared>>)
      tpu.yield
    }) : () -> ()
    %add3A_39 = arith.constant 896 : i32
    %add3A_40 = arith.addi %mul3A_3, %add3A_39 : i32
    "tpu.region"() ({
      %run_scoped3A = tpu.sem_alloc : memref<!tpu.dma_semaphore, #tpu.memory_space<semaphore_mem>>
      %dma_start3A_128 = arith.constant 0 : i32
      %dma_start3A_129 = tpu.memref_slice %arg10[%add3A_40, %dma_start3A_128] : memref<26112x64xf32, #tpu.memory_space<vmem_shared>> -> memref<64x64xf32, #tpu.memory_space<vmem_shared>>
      %dma_start3A_130 = arith.constant 0 : i32
      %dma_start3A_131 = tpu.memref_slice %arg10[%add3A_40, %dma_start3A_130] : memref<26112x64xf32, #tpu.memory_space<vmem_shared>> -> memref<64x64xf32, #tpu.memory_space<vmem_shared>>
      tpu.enqueue_dma source(%arg9 : memref<64x64xf32, #tpu.memory_space<vmem>>) target(%dma_start3A_131 : memref<64x64xf32, #tpu.memory_space<vmem_shared>>) target_semaphore(%run_scoped3A : memref<!tpu.dma_semaphore, #tpu.memory_space<semaphore_mem>>)
      %dma_wait3A_132 = arith.constant 0 : i32
      %dma_wait3A_133 = tpu.memref_slice %arg10[%add3A_40, %dma_wait3A_132] : memref<26112x64xf32, #tpu.memory_space<vmem_shared>> -> memref<64x64xf32, #tpu.memory_space<vmem_shared>>
      %dma_wait3A_134 = arith.constant 0 : i32
      %dma_wait3A_135 = tpu.memref_slice %arg10[%add3A_40, %dma_wait3A_134] : memref<26112x64xf32, #tpu.memory_space<vmem_shared>> -> memref<64x64xf32, #tpu.memory_space<vmem_shared>>
      tpu.wait_dma2 semaphore(%run_scoped3A : memref<!tpu.dma_semaphore, #tpu.memory_space<semaphore_mem>>) src(%arg9 : memref<64x64xf32, #tpu.memory_space<vmem>>) dst(%dma_wait3A_135 : memref<64x64xf32, #tpu.memory_space<vmem_shared>>)
      tpu.yield
    }) : () -> ()
    %add3A_41 = arith.constant 960 : i32
    %add3A_42 = arith.addi %mul3A_3, %add3A_41 : i32
    "tpu.region"() ({
      %run_scoped3A = tpu.sem_alloc : memref<!tpu.dma_semaphore, #tpu.memory_space<semaphore_mem>>
      %dma_start3A_128 = arith.constant 0 : i32
      %dma_start3A_129 = tpu.memref_slice %arg10[%add3A_42, %dma_start3A_128] : memref<26112x64xf32, #tpu.memory_space<vmem_shared>> -> memref<64x64xf32, #tpu.memory_space<vmem_shared>>
      %dma_start3A_130 = arith.constant 0 : i32
      %dma_start3A_131 = tpu.memref_slice %arg10[%add3A_42, %dma_start3A_130] : memref<26112x64xf32, #tpu.memory_space<vmem_shared>> -> memref<64x64xf32, #tpu.memory_space<vmem_shared>>
      tpu.enqueue_dma source(%arg9 : memref<64x64xf32, #tpu.memory_space<vmem>>) target(%dma_start3A_131 : memref<64x64xf32, #tpu.memory_space<vmem_shared>>) target_semaphore(%run_scoped3A : memref<!tpu.dma_semaphore, #tpu.memory_space<semaphore_mem>>)
      %dma_wait3A_132 = arith.constant 0 : i32
      %dma_wait3A_133 = tpu.memref_slice %arg10[%add3A_42, %dma_wait3A_132] : memref<26112x64xf32, #tpu.memory_space<vmem_shared>> -> memref<64x64xf32, #tpu.memory_space<vmem_shared>>
      %dma_wait3A_134 = arith.constant 0 : i32
      %dma_wait3A_135 = tpu.memref_slice %arg10[%add3A_42, %dma_wait3A_134] : memref<26112x64xf32, #tpu.memory_space<vmem_shared>> -> memref<64x64xf32, #tpu.memory_space<vmem_shared>>
      tpu.wait_dma2 semaphore(%run_scoped3A : memref<!tpu.dma_semaphore, #tpu.memory_space<semaphore_mem>>) src(%arg9 : memref<64x64xf32, #tpu.memory_space<vmem>>) dst(%dma_wait3A_135 : memref<64x64xf32, #tpu.memory_space<vmem_shared>>)
      tpu.yield
    }) : () -> ()
    %add3A_43 = arith.constant 1024 : i32
    %add3A_44 = arith.addi %mul3A_3, %add3A_43 : i32
    "tpu.region"() ({
      %run_scoped3A = tpu.sem_alloc : memref<!tpu.dma_semaphore, #tpu.memory_space<semaphore_mem>>
      %dma_start3A_128 = arith.constant 0 : i32
      %dma_start3A_129 = tpu.memref_slice %arg10[%add3A_44, %dma_start3A_128] : memref<26112x64xf32, #tpu.memory_space<vmem_shared>> -> memref<64x64xf32, #tpu.memory_space<vmem_shared>>
      %dma_start3A_130 = arith.constant 0 : i32
      %dma_start3A_131 = tpu.memref_slice %arg10[%add3A_44, %dma_start3A_130] : memref<26112x64xf32, #tpu.memory_space<vmem_shared>> -> memref<64x64xf32, #tpu.memory_space<vmem_shared>>
      tpu.enqueue_dma source(%arg9 : memref<64x64xf32, #tpu.memory_space<vmem>>) target(%dma_start3A_131 : memref<64x64xf32, #tpu.memory_space<vmem_shared>>) target_semaphore(%run_scoped3A : memref<!tpu.dma_semaphore, #tpu.memory_space<semaphore_mem>>)
      %dma_wait3A_132 = arith.constant 0 : i32
      %dma_wait3A_133 = tpu.memref_slice %arg10[%add3A_44, %dma_wait3A_132] : memref<26112x64xf32, #tpu.memory_space<vmem_shared>> -> memref<64x64xf32, #tpu.memory_space<vmem_shared>>
      %dma_wait3A_134 = arith.constant 0 : i32
      %dma_wait3A_135 = tpu.memref_slice %arg10[%add3A_44, %dma_wait3A_134] : memref<26112x64xf32, #tpu.memory_space<vmem_shared>> -> memref<64x64xf32, #tpu.memory_space<vmem_shared>>
      tpu.wait_dma2 semaphore(%run_scoped3A : memref<!tpu.dma_semaphore, #tpu.memory_space<semaphore_mem>>) src(%arg9 : memref<64x64xf32, #tpu.memory_space<vmem>>) dst(%dma_wait3A_135 : memref<64x64xf32, #tpu.memory_space<vmem_shared>>)
      tpu.yield
    }) : () -> ()
    %add3A_45 = arith.constant 1088 : i32
    %add3A_46 = arith.addi %mul3A_3, %add3A_45 : i32
    "tpu.region"() ({
      %run_scoped3A = tpu.sem_alloc : memref<!tpu.dma_semaphore, #tpu.memory_space<semaphore_mem>>
      %dma_start3A_128 = arith.constant 0 : i32
      %dma_start3A_129 = tpu.memref_slice %arg10[%add3A_46, %dma_start3A_128] : memref<26112x64xf32, #tpu.memory_space<vmem_shared>> -> memref<64x64xf32, #tpu.memory_space<vmem_shared>>
      %dma_start3A_130 = arith.constant 0 : i32
      %dma_start3A_131 = tpu.memref_slice %arg10[%add3A_46, %dma_start3A_130] : memref<26112x64xf32, #tpu.memory_space<vmem_shared>> -> memref<64x64xf32, #tpu.memory_space<vmem_shared>>
      tpu.enqueue_dma source(%arg9 : memref<64x64xf32, #tpu.memory_space<vmem>>) target(%dma_start3A_131 : memref<64x64xf32, #tpu.memory_space<vmem_shared>>) target_semaphore(%run_scoped3A : memref<!tpu.dma_semaphore, #tpu.memory_space<semaphore_mem>>)
      %dma_wait3A_132 = arith.constant 0 : i32
      %dma_wait3A_133 = tpu.memref_slice %arg10[%add3A_46, %dma_wait3A_132] : memref<26112x64xf32, #tpu.memory_space<vmem_shared>> -> memref<64x64xf32, #tpu.memory_space<vmem_shared>>
      %dma_wait3A_134 = arith.constant 0 : i32
      %dma_wait3A_135 = tpu.memref_slice %arg10[%add3A_46, %dma_wait3A_134] : memref<26112x64xf32, #tpu.memory_space<vmem_shared>> -> memref<64x64xf32, #tpu.memory_space<vmem_shared>>
      tpu.wait_dma2 semaphore(%run_scoped3A : memref<!tpu.dma_semaphore, #tpu.memory_space<semaphore_mem>>) src(%arg9 : memref<64x64xf32, #tpu.memory_space<vmem>>) dst(%dma_wait3A_135 : memref<64x64xf32, #tpu.memory_space<vmem_shared>>)
      tpu.yield
    }) : () -> ()
    %add3A_47 = arith.constant 1152 : i32
    %add3A_48 = arith.addi %mul3A_3, %add3A_47 : i32
    "tpu.region"() ({
      %run_scoped3A = tpu.sem_alloc : memref<!tpu.dma_semaphore, #tpu.memory_space<semaphore_mem>>
      %dma_start3A_128 = arith.constant 0 : i32
      %dma_start3A_129 = tpu.memref_slice %arg10[%add3A_48, %dma_start3A_128] : memref<26112x64xf32, #tpu.memory_space<vmem_shared>> -> memref<64x64xf32, #tpu.memory_space<vmem_shared>>
      %dma_start3A_130 = arith.constant 0 : i32
      %dma_start3A_131 = tpu.memref_slice %arg10[%add3A_48, %dma_start3A_130] : memref<26112x64xf32, #tpu.memory_space<vmem_shared>> -> memref<64x64xf32, #tpu.memory_space<vmem_shared>>
      tpu.enqueue_dma source(%arg9 : memref<64x64xf32, #tpu.memory_space<vmem>>) target(%dma_start3A_131 : memref<64x64xf32, #tpu.memory_space<vmem_shared>>) target_semaphore(%run_scoped3A : memref<!tpu.dma_semaphore, #tpu.memory_space<semaphore_mem>>)
      %dma_wait3A_132 = arith.constant 0 : i32
      %dma_wait3A_133 = tpu.memref_slice %arg10[%add3A_48, %dma_wait3A_132] : memref<26112x64xf32, #tpu.memory_space<vmem_shared>> -> memref<64x64xf32, #tpu.memory_space<vmem_shared>>
      %dma_wait3A_134 = arith.constant 0 : i32
      %dma_wait3A_135 = tpu.memref_slice %arg10[%add3A_48, %dma_wait3A_134] : memref<26112x64xf32, #tpu.memory_space<vmem_shared>> -> memref<64x64xf32, #tpu.memory_space<vmem_shared>>
      tpu.wait_dma2 semaphore(%run_scoped3A : memref<!tpu.dma_semaphore, #tpu.memory_space<semaphore_mem>>) src(%arg9 : memref<64x64xf32, #tpu.memory_space<vmem>>) dst(%dma_wait3A_135 : memref<64x64xf32, #tpu.memory_space<vmem_shared>>)
      tpu.yield
    }) : () -> ()
    %add3A_49 = arith.constant 1216 : i32
    %add3A_50 = arith.addi %mul3A_3, %add3A_49 : i32
    "tpu.region"() ({
      %run_scoped3A = tpu.sem_alloc : memref<!tpu.dma_semaphore, #tpu.memory_space<semaphore_mem>>
      %dma_start3A_128 = arith.constant 0 : i32
      %dma_start3A_129 = tpu.memref_slice %arg10[%add3A_50, %dma_start3A_128] : memref<26112x64xf32, #tpu.memory_space<vmem_shared>> -> memref<64x64xf32, #tpu.memory_space<vmem_shared>>
      %dma_start3A_130 = arith.constant 0 : i32
      %dma_start3A_131 = tpu.memref_slice %arg10[%add3A_50, %dma_start3A_130] : memref<26112x64xf32, #tpu.memory_space<vmem_shared>> -> memref<64x64xf32, #tpu.memory_space<vmem_shared>>
      tpu.enqueue_dma source(%arg9 : memref<64x64xf32, #tpu.memory_space<vmem>>) target(%dma_start3A_131 : memref<64x64xf32, #tpu.memory_space<vmem_shared>>) target_semaphore(%run_scoped3A : memref<!tpu.dma_semaphore, #tpu.memory_space<semaphore_mem>>)
      %dma_wait3A_132 = arith.constant 0 : i32
      %dma_wait3A_133 = tpu.memref_slice %arg10[%add3A_50, %dma_wait3A_132] : memref<26112x64xf32, #tpu.memory_space<vmem_shared>> -> memref<64x64xf32, #tpu.memory_space<vmem_shared>>
      %dma_wait3A_134 = arith.constant 0 : i32
      %dma_wait3A_135 = tpu.memref_slice %arg10[%add3A_50, %dma_wait3A_134] : memref<26112x64xf32, #tpu.memory_space<vmem_shared>> -> memref<64x64xf32, #tpu.memory_space<vmem_shared>>
      tpu.wait_dma2 semaphore(%run_scoped3A : memref<!tpu.dma_semaphore, #tpu.memory_space<semaphore_mem>>) src(%arg9 : memref<64x64xf32, #tpu.memory_space<vmem>>) dst(%dma_wait3A_135 : memref<64x64xf32, #tpu.memory_space<vmem_shared>>)
      tpu.yield
    }) : () -> ()
    %add3A_51 = arith.constant 1280 : i32
    %add3A_52 = arith.addi %mul3A_3, %add3A_51 : i32
    "tpu.region"() ({
      %run_scoped3A = tpu.sem_alloc : memref<!tpu.dma_semaphore, #tpu.memory_space<semaphore_mem>>
      %dma_start3A_128 = arith.constant 0 : i32
      %dma_start3A_129 = tpu.memref_slice %arg10[%add3A_52, %dma_start3A_128] : memref<26112x64xf32, #tpu.memory_space<vmem_shared>> -> memref<64x64xf32, #tpu.memory_space<vmem_shared>>
      %dma_start3A_130 = arith.constant 0 : i32
      %dma_start3A_131 = tpu.memref_slice %arg10[%add3A_52, %dma_start3A_130] : memref<26112x64xf32, #tpu.memory_space<vmem_shared>> -> memref<64x64xf32, #tpu.memory_space<vmem_shared>>
      tpu.enqueue_dma source(%arg9 : memref<64x64xf32, #tpu.memory_space<vmem>>) target(%dma_start3A_131 : memref<64x64xf32, #tpu.memory_space<vmem_shared>>) target_semaphore(%run_scoped3A : memref<!tpu.dma_semaphore, #tpu.memory_space<semaphore_mem>>)
      %dma_wait3A_132 = arith.constant 0 : i32
      %dma_wait3A_133 = tpu.memref_slice %arg10[%add3A_52, %dma_wait3A_132] : memref<26112x64xf32, #tpu.memory_space<vmem_shared>> -> memref<64x64xf32, #tpu.memory_space<vmem_shared>>
      %dma_wait3A_134 = arith.constant 0 : i32
      %dma_wait3A_135 = tpu.memref_slice %arg10[%add3A_52, %dma_wait3A_134] : memref<26112x64xf32, #tpu.memory_space<vmem_shared>> -> memref<64x64xf32, #tpu.memory_space<vmem_shared>>
      tpu.wait_dma2 semaphore(%run_scoped3A : memref<!tpu.dma_semaphore, #tpu.memory_space<semaphore_mem>>) src(%arg9 : memref<64x64xf32, #tpu.memory_space<vmem>>) dst(%dma_wait3A_135 : memref<64x64xf32, #tpu.memory_space<vmem_shared>>)
      tpu.yield
    }) : () -> ()
    %add3A_53 = arith.constant 1344 : i32
    %add3A_54 = arith.addi %mul3A_3, %add3A_53 : i32
    "tpu.region"() ({
      %run_scoped3A = tpu.sem_alloc : memref<!tpu.dma_semaphore, #tpu.memory_space<semaphore_mem>>
      %dma_start3A_128 = arith.constant 0 : i32
      %dma_start3A_129 = tpu.memref_slice %arg10[%add3A_54, %dma_start3A_128] : memref<26112x64xf32, #tpu.memory_space<vmem_shared>> -> memref<64x64xf32, #tpu.memory_space<vmem_shared>>
      %dma_start3A_130 = arith.constant 0 : i32
      %dma_start3A_131 = tpu.memref_slice %arg10[%add3A_54, %dma_start3A_130] : memref<26112x64xf32, #tpu.memory_space<vmem_shared>> -> memref<64x64xf32, #tpu.memory_space<vmem_shared>>
      tpu.enqueue_dma source(%arg9 : memref<64x64xf32, #tpu.memory_space<vmem>>) target(%dma_start3A_131 : memref<64x64xf32, #tpu.memory_space<vmem_shared>>) target_semaphore(%run_scoped3A : memref<!tpu.dma_semaphore, #tpu.memory_space<semaphore_mem>>)
      %dma_wait3A_132 = arith.constant 0 : i32
      %dma_wait3A_133 = tpu.memref_slice %arg10[%add3A_54, %dma_wait3A_132] : memref<26112x64xf32, #tpu.memory_space<vmem_shared>> -> memref<64x64xf32, #tpu.memory_space<vmem_shared>>
      %dma_wait3A_134 = arith.constant 0 : i32
      %dma_wait3A_135 = tpu.memref_slice %arg10[%add3A_54, %dma_wait3A_134] : memref<26112x64xf32, #tpu.memory_space<vmem_shared>> -> memref<64x64xf32, #tpu.memory_space<vmem_shared>>
      tpu.wait_dma2 semaphore(%run_scoped3A : memref<!tpu.dma_semaphore, #tpu.memory_space<semaphore_mem>>) src(%arg9 : memref<64x64xf32, #tpu.memory_space<vmem>>) dst(%dma_wait3A_135 : memref<64x64xf32, #tpu.memory_space<vmem_shared>>)
      tpu.yield
    }) : () -> ()
    %add3A_55 = arith.constant 1408 : i32
    %add3A_56 = arith.addi %mul3A_3, %add3A_55 : i32
    "tpu.region"() ({
      %run_scoped3A = tpu.sem_alloc : memref<!tpu.dma_semaphore, #tpu.memory_space<semaphore_mem>>
      %dma_start3A_128 = arith.constant 0 : i32
      %dma_start3A_129 = tpu.memref_slice %arg10[%add3A_56, %dma_start3A_128] : memref<26112x64xf32, #tpu.memory_space<vmem_shared>> -> memref<64x64xf32, #tpu.memory_space<vmem_shared>>
      %dma_start3A_130 = arith.constant 0 : i32
      %dma_start3A_131 = tpu.memref_slice %arg10[%add3A_56, %dma_start3A_130] : memref<26112x64xf32, #tpu.memory_space<vmem_shared>> -> memref<64x64xf32, #tpu.memory_space<vmem_shared>>
      tpu.enqueue_dma source(%arg9 : memref<64x64xf32, #tpu.memory_space<vmem>>) target(%dma_start3A_131 : memref<64x64xf32, #tpu.memory_space<vmem_shared>>) target_semaphore(%run_scoped3A : memref<!tpu.dma_semaphore, #tpu.memory_space<semaphore_mem>>)
      %dma_wait3A_132 = arith.constant 0 : i32
      %dma_wait3A_133 = tpu.memref_slice %arg10[%add3A_56, %dma_wait3A_132] : memref<26112x64xf32, #tpu.memory_space<vmem_shared>> -> memref<64x64xf32, #tpu.memory_space<vmem_shared>>
      %dma_wait3A_134 = arith.constant 0 : i32
      %dma_wait3A_135 = tpu.memref_slice %arg10[%add3A_56, %dma_wait3A_134] : memref<26112x64xf32, #tpu.memory_space<vmem_shared>> -> memref<64x64xf32, #tpu.memory_space<vmem_shared>>
      tpu.wait_dma2 semaphore(%run_scoped3A : memref<!tpu.dma_semaphore, #tpu.memory_space<semaphore_mem>>) src(%arg9 : memref<64x64xf32, #tpu.memory_space<vmem>>) dst(%dma_wait3A_135 : memref<64x64xf32, #tpu.memory_space<vmem_shared>>)
      tpu.yield
    }) : () -> ()
    %add3A_57 = arith.constant 1472 : i32
    %add3A_58 = arith.addi %mul3A_3, %add3A_57 : i32
    "tpu.region"() ({
      %run_scoped3A = tpu.sem_alloc : memref<!tpu.dma_semaphore, #tpu.memory_space<semaphore_mem>>
      %dma_start3A_128 = arith.constant 0 : i32
      %dma_start3A_129 = tpu.memref_slice %arg10[%add3A_58, %dma_start3A_128] : memref<26112x64xf32, #tpu.memory_space<vmem_shared>> -> memref<64x64xf32, #tpu.memory_space<vmem_shared>>
      %dma_start3A_130 = arith.constant 0 : i32
      %dma_start3A_131 = tpu.memref_slice %arg10[%add3A_58, %dma_start3A_130] : memref<26112x64xf32, #tpu.memory_space<vmem_shared>> -> memref<64x64xf32, #tpu.memory_space<vmem_shared>>
      tpu.enqueue_dma source(%arg9 : memref<64x64xf32, #tpu.memory_space<vmem>>) target(%dma_start3A_131 : memref<64x64xf32, #tpu.memory_space<vmem_shared>>) target_semaphore(%run_scoped3A : memref<!tpu.dma_semaphore, #tpu.memory_space<semaphore_mem>>)
      %dma_wait3A_132 = arith.constant 0 : i32
      %dma_wait3A_133 = tpu.memref_slice %arg10[%add3A_58, %dma_wait3A_132] : memref<26112x64xf32, #tpu.memory_space<vmem_shared>> -> memref<64x64xf32, #tpu.memory_space<vmem_shared>>
      %dma_wait3A_134 = arith.constant 0 : i32
      %dma_wait3A_135 = tpu.memref_slice %arg10[%add3A_58, %dma_wait3A_134] : memref<26112x64xf32, #tpu.memory_space<vmem_shared>> -> memref<64x64xf32, #tpu.memory_space<vmem_shared>>
      tpu.wait_dma2 semaphore(%run_scoped3A : memref<!tpu.dma_semaphore, #tpu.memory_space<semaphore_mem>>) src(%arg9 : memref<64x64xf32, #tpu.memory_space<vmem>>) dst(%dma_wait3A_135 : memref<64x64xf32, #tpu.memory_space<vmem_shared>>)
      tpu.yield
    }) : () -> ()
    %add3A_59 = arith.constant 1536 : i32
    %add3A_60 = arith.addi %mul3A_3, %add3A_59 : i32
    "tpu.region"() ({
      %run_scoped3A = tpu.sem_alloc : memref<!tpu.dma_semaphore, #tpu.memory_space<semaphore_mem>>
      %dma_start3A_128 = arith.constant 0 : i32
      %dma_start3A_129 = tpu.memref_slice %arg10[%add3A_60, %dma_start3A_128] : memref<26112x64xf32, #tpu.memory_space<vmem_shared>> -> memref<64x64xf32, #tpu.memory_space<vmem_shared>>
      %dma_start3A_130 = arith.constant 0 : i32
      %dma_start3A_131 = tpu.memref_slice %arg10[%add3A_60, %dma_start3A_130] : memref<26112x64xf32, #tpu.memory_space<vmem_shared>> -> memref<64x64xf32, #tpu.memory_space<vmem_shared>>
      tpu.enqueue_dma source(%arg9 : memref<64x64xf32, #tpu.memory_space<vmem>>) target(%dma_start3A_131 : memref<64x64xf32, #tpu.memory_space<vmem_shared>>) target_semaphore(%run_scoped3A : memref<!tpu.dma_semaphore, #tpu.memory_space<semaphore_mem>>)
      %dma_wait3A_132 = arith.constant 0 : i32
      %dma_wait3A_133 = tpu.memref_slice %arg10[%add3A_60, %dma_wait3A_132] : memref<26112x64xf32, #tpu.memory_space<vmem_shared>> -> memref<64x64xf32, #tpu.memory_space<vmem_shared>>
      %dma_wait3A_134 = arith.constant 0 : i32
      %dma_wait3A_135 = tpu.memref_slice %arg10[%add3A_60, %dma_wait3A_134] : memref<26112x64xf32, #tpu.memory_space<vmem_shared>> -> memref<64x64xf32, #tpu.memory_space<vmem_shared>>
      tpu.wait_dma2 semaphore(%run_scoped3A : memref<!tpu.dma_semaphore, #tpu.memory_space<semaphore_mem>>) src(%arg9 : memref<64x64xf32, #tpu.memory_space<vmem>>) dst(%dma_wait3A_135 : memref<64x64xf32, #tpu.memory_space<vmem_shared>>)
      tpu.yield
    }) : () -> ()
    %add3A_61 = arith.constant 1632 : i32
    %add3A_62 = arith.addi %mul3A_3, %add3A_61 : i32
    %sub3A = arith.constant 32 : i32
    %sub3A_63 = arith.subi %add3A_62, %sub3A : i32
    "tpu.region"() ({
      %run_scoped3A = tpu.sem_alloc : memref<!tpu.dma_semaphore, #tpu.memory_space<semaphore_mem>>
      %dma_start3A_128 = arith.constant 0 : i32
      %dma_start3A_129 = arith.constant 0 : i32
      %dma_start3A_130 = tpu.memref_slice %arg9[%dma_start3A_128, %dma_start3A_129] : memref<64x64xf32, #tpu.memory_space<vmem>> -> memref<32x64xf32, #tpu.memory_space<vmem>>
      %dma_start3A_131 = arith.constant 0 : i32
      %dma_start3A_132 = tpu.memref_slice %arg10[%sub3A_63, %dma_start3A_131] : memref<26112x64xf32, #tpu.memory_space<vmem_shared>> -> memref<32x64xf32, #tpu.memory_space<vmem_shared>>
      %dma_start3A_133 = arith.constant 0 : i32
      %dma_start3A_134 = tpu.memref_slice %arg10[%sub3A_63, %dma_start3A_133] : memref<26112x64xf32, #tpu.memory_space<vmem_shared>> -> memref<32x64xf32, #tpu.memory_space<vmem_shared>>
      %dma_start3A_135 = arith.constant 0 : i32
      %dma_start3A_136 = arith.constant 0 : i32
      %dma_start3A_137 = tpu.memref_slice %arg9[%dma_start3A_135, %dma_start3A_136] : memref<64x64xf32, #tpu.memory_space<vmem>> -> memref<32x64xf32, #tpu.memory_space<vmem>>
      tpu.enqueue_dma source(%dma_start3A_137 : memref<32x64xf32, #tpu.memory_space<vmem>>) target(%dma_start3A_134 : memref<32x64xf32, #tpu.memory_space<vmem_shared>>) target_semaphore(%run_scoped3A : memref<!tpu.dma_semaphore, #tpu.memory_space<semaphore_mem>>)
      %dma_wait3A_138 = arith.constant 0 : i32
      %dma_wait3A_139 = arith.constant 0 : i32
      %dma_wait3A_140 = tpu.memref_slice %arg9[%dma_wait3A_138, %dma_wait3A_139] : memref<64x64xf32, #tpu.memory_space<vmem>> -> memref<32x64xf32, #tpu.memory_space<vmem>>
      %dma_wait3A_141 = arith.constant 0 : i32
      %dma_wait3A_142 = tpu.memref_slice %arg10[%sub3A_63, %dma_wait3A_141] : memref<26112x64xf32, #tpu.memory_space<vmem_shared>> -> memref<32x64xf32, #tpu.memory_space<vmem_shared>>
      %dma_wait3A_143 = arith.constant 0 : i32
      %dma_wait3A_144 = tpu.memref_slice %arg10[%sub3A_63, %dma_wait3A_143] : memref<26112x64xf32, #tpu.memory_space<vmem_shared>> -> memref<32x64xf32, #tpu.memory_space<vmem_shared>>
      %dma_wait3A_145 = arith.constant 0 : i32
      %dma_wait3A_146 = arith.constant 0 : i32
      %dma_wait3A_147 = tpu.memref_slice %arg9[%dma_wait3A_145, %dma_wait3A_146] : memref<64x64xf32, #tpu.memory_space<vmem>> -> memref<32x64xf32, #tpu.memory_space<vmem>>
      tpu.wait_dma2 semaphore(%run_scoped3A : memref<!tpu.dma_semaphore, #tpu.memory_space<semaphore_mem>>) src(%dma_wait3A_147 : memref<32x64xf32, #tpu.memory_space<vmem>>) dst(%dma_wait3A_144 : memref<32x64xf32, #tpu.memory_space<vmem_shared>>)
      tpu.yield
    }) : () -> ()
    %barrier3A = arith.constant 0 : index
    tpu.barrier barrier_id(%barrier3A)
    %mul3A_64 = arith.constant 390 : i32
    %mul3A_65 = arith.muli %arg1, %mul3A_64 : i32
    %min3A = arith.constant 10 : i32
    %min3A_66 = arith.minsi %arg1, %min3A : i32
    %add3A_67 = arith.addi %mul3A_65, %min3A_66 : i32
    %lt3A = arith.constant 10 : i32
    %lt3A_68 = arith.cmpi slt, %arg1, %lt3A : i32
    %jit3A = arith.constant 1 : i32
    %jit3A_69 = arith.constant 0 : i32
    %select_n3A = arith.select %lt3A_68, %jit3A, %jit3A_69 : i32
    %add3A_70 = arith.constant 390 : i32
    %add3A_71 = arith.addi %add3A_70, %select_n3A : i32
    %add3A_72 = arith.constant 0 : i32
    %add3A_73 = arith.addi %add3A_67, %add3A_72 : i32
    %mul3A_74 = arith.constant 128 : i32
    %mul3A_75 = arith.muli %add3A_73, %mul3A_74 : i32
    %dma_start3A = arith.constant 0 : i32
    %dma_start3A_76 = arith.constant 0 : i32
    %dma_start3A_77 = arith.constant 0 : i32
    %dma_start3A_78 = tpu.memref_slice %arg6[%dma_start3A, %dma_start3A_77] : memref<2x128xi32, #tpu.memory_space<vmem>> -> memref<1x128xi32, #tpu.memory_space<vmem>>
    %dma_start3A_79 = tpu.memref_squeeze %dma_start3A_78 : memref<1x128xi32, #tpu.memory_space<vmem>> -> memref<128xi32, #tpu.memory_space<vmem>>
    %dma_start3A_80 = tpu.memref_slice %arg3[%mul3A_75] : memref<800000xi32, #tpu.memory_space<hbm>> -> memref<128xi32, #tpu.memory_space<hbm>>
    %dma_start3A_81 = tpu.memref_slice %arg11[%dma_start3A_76] : memref<2x!tpu.dma_semaphore, #tpu.memory_space<semaphore_mem>> -> memref<1x!tpu.dma_semaphore, #tpu.memory_space<semaphore_mem>>
    %dma_start3A_82 = tpu.memref_squeeze %dma_start3A_81 : memref<1x!tpu.dma_semaphore, #tpu.memory_space<semaphore_mem>> -> memref<!tpu.dma_semaphore, #tpu.memory_space<semaphore_mem>>
    %dma_start3A_83 = arith.constant 0 : i32
    %dma_start3A_84 = tpu.memref_slice %arg6[%dma_start3A, %dma_start3A_83] : memref<2x128xi32, #tpu.memory_space<vmem>> -> memref<1x128xi32, #tpu.memory_space<vmem>>
    %dma_start3A_85 = tpu.memref_squeeze %dma_start3A_84 : memref<1x128xi32, #tpu.memory_space<vmem>> -> memref<128xi32, #tpu.memory_space<vmem>>
    %dma_start3A_86 = tpu.memref_slice %arg3[%mul3A_75] : memref<800000xi32, #tpu.memory_space<hbm>> -> memref<128xi32, #tpu.memory_space<hbm>>
    tpu.enqueue_dma source(%dma_start3A_86 : memref<128xi32, #tpu.memory_space<hbm>>) target(%dma_start3A_85 : memref<128xi32, #tpu.memory_space<vmem>>) target_semaphore(%dma_start3A_82 : memref<!tpu.dma_semaphore, #tpu.memory_space<semaphore_mem>>)
    %dma_start3A_87 = arith.constant 0 : i32
    %dma_start3A_88 = arith.constant 0 : i32
    %dma_start3A_89 = arith.constant 0 : i32
    %dma_start3A_90 = tpu.memref_slice %arg7[%dma_start3A_87, %dma_start3A_89] : memref<2x128xi32, #tpu.memory_space<vmem>> -> memref<1x128xi32, #tpu.memory_space<vmem>>
    %dma_start3A_91 = tpu.memref_squeeze %dma_start3A_90 : memref<1x128xi32, #tpu.memory_space<vmem>> -> memref<128xi32, #tpu.memory_space<vmem>>
    %dma_start3A_92 = tpu.memref_slice %arg4[%mul3A_75] : memref<800000xi32, #tpu.memory_space<hbm>> -> memref<128xi32, #tpu.memory_space<hbm>>
    %dma_start3A_93 = tpu.memref_slice %arg11[%dma_start3A_88] : memref<2x!tpu.dma_semaphore, #tpu.memory_space<semaphore_mem>> -> memref<1x!tpu.dma_semaphore, #tpu.memory_space<semaphore_mem>>
    %dma_start3A_94 = tpu.memref_squeeze %dma_start3A_93 : memref<1x!tpu.dma_semaphore, #tpu.memory_space<semaphore_mem>> -> memref<!tpu.dma_semaphore, #tpu.memory_space<semaphore_mem>>
    %dma_start3A_95 = arith.constant 0 : i32
    %dma_start3A_96 = tpu.memref_slice %arg7[%dma_start3A_87, %dma_start3A_95] : memref<2x128xi32, #tpu.memory_space<vmem>> -> memref<1x128xi32, #tpu.memory_space<vmem>>
    %dma_start3A_97 = tpu.memref_squeeze %dma_start3A_96 : memref<1x128xi32, #tpu.memory_space<vmem>> -> memref<128xi32, #tpu.memory_space<vmem>>
    %dma_start3A_98 = tpu.memref_slice %arg4[%mul3A_75] : memref<800000xi32, #tpu.memory_space<hbm>> -> memref<128xi32, #tpu.memory_space<hbm>>
    tpu.enqueue_dma source(%dma_start3A_98 : memref<128xi32, #tpu.memory_space<hbm>>) target(%dma_start3A_97 : memref<128xi32, #tpu.memory_space<vmem>>) target_semaphore(%dma_start3A_94 : memref<!tpu.dma_semaphore, #tpu.memory_space<semaphore_mem>>)
    %while3A = arith.constant 0 : i32
    %while3A_99 = arith.constant 0 : i32
    %while3A_100 = arith.subi %add3A_71, %while3A : i32
    %while3A_101 = arith.addi %while3A, %while3A_100 : i32
    %while3A_102 = arith.constant 1 : i32
    %while3A_103 = arith.divsi %while3A_100, %while3A_102 : i32
    %while3A_104 = arith.muli %while3A_103, %while3A_102 : i32
    %while3A_105 = arith.addi %while3A, %while3A_104 : i32
    %while3A_106 = arith.constant 1 : i32
    %while3A_107 = scf.for %while3A_128 = %while3A to %while3A_105 step %while3A_106 iter_args(%while3A_129 = %while3A_99) -> (i32)  : i32 {
      %rem3A_130 = arith.constant 2 : i32
      %rem3A_131 = arith.remsi %while3A_128, %rem3A_130 : i32
      %sub3A_132 = arith.constant 1 : i32
      %sub3A_133 = arith.subi %sub3A_132, %rem3A_131 : i32
      %add3A_134 = arith.addi %add3A_67, %while3A_128 : i32
      %mul3A_135 = arith.constant 128 : i32
      %mul3A_136 = arith.muli %add3A_134, %mul3A_135 : i32
      %dma_wait3A_137 = arith.constant 0 : i32
      %dma_wait3A_138 = tpu.memref_slice %arg6[%rem3A_131, %dma_wait3A_137] : memref<2x128xi32, #tpu.memory_space<vmem>> -> memref<1x128xi32, #tpu.memory_space<vmem>>
      %dma_wait3A_139 = tpu.memref_squeeze %dma_wait3A_138 : memref<1x128xi32, #tpu.memory_space<vmem>> -> memref<128xi32, #tpu.memory_space<vmem>>
      %dma_wait3A_140 = tpu.memref_slice %arg3[%mul3A_136] : memref<800000xi32, #tpu.memory_space<hbm>> -> memref<128xi32, #tpu.memory_space<hbm>>
      %dma_wait3A_141 = tpu.memref_slice %arg11[%rem3A_131] : memref<2x!tpu.dma_semaphore, #tpu.memory_space<semaphore_mem>> -> memref<1x!tpu.dma_semaphore, #tpu.memory_space<semaphore_mem>>
      %dma_wait3A_142 = tpu.memref_squeeze %dma_wait3A_141 : memref<1x!tpu.dma_semaphore, #tpu.memory_space<semaphore_mem>> -> memref<!tpu.dma_semaphore, #tpu.memory_space<semaphore_mem>>
      %dma_wait3A_143 = arith.constant 0 : i32
      %dma_wait3A_144 = tpu.memref_slice %arg6[%rem3A_131, %dma_wait3A_143] : memref<2x128xi32, #tpu.memory_space<vmem>> -> memref<1x128xi32, #tpu.memory_space<vmem>>
      %dma_wait3A_145 = tpu.memref_squeeze %dma_wait3A_144 : memref<1x128xi32, #tpu.memory_space<vmem>> -> memref<128xi32, #tpu.memory_space<vmem>>
      %dma_wait3A_146 = tpu.memref_slice %arg3[%mul3A_136] : memref<800000xi32, #tpu.memory_space<hbm>> -> memref<128xi32, #tpu.memory_space<hbm>>
      tpu.wait_dma2 semaphore(%dma_wait3A_142 : memref<!tpu.dma_semaphore, #tpu.memory_space<semaphore_mem>>) src(%dma_wait3A_146 : memref<128xi32, #tpu.memory_space<hbm>>) dst(%dma_wait3A_145 : memref<128xi32, #tpu.memory_space<vmem>>)
      %dma_wait3A_147 = arith.constant 0 : i32
      %dma_wait3A_148 = tpu.memref_slice %arg7[%rem3A_131, %dma_wait3A_147] : memref<2x128xi32, #tpu.memory_space<vmem>> -> memref<1x128xi32, #tpu.memory_space<vmem>>
      %dma_wait3A_149 = tpu.memref_squeeze %dma_wait3A_148 : memref<1x128xi32, #tpu.memory_space<vmem>> -> memref<128xi32, #tpu.memory_space<vmem>>
      %dma_wait3A_150 = tpu.memref_slice %arg4[%mul3A_136] : memref<800000xi32, #tpu.memory_space<hbm>> -> memref<128xi32, #tpu.memory_space<hbm>>
      %dma_wait3A_151 = tpu.memref_slice %arg11[%rem3A_131] : memref<2x!tpu.dma_semaphore, #tpu.memory_space<semaphore_mem>> -> memref<1x!tpu.dma_semaphore, #tpu.memory_space<semaphore_mem>>
      %dma_wait3A_152 = tpu.memref_squeeze %dma_wait3A_151 : memref<1x!tpu.dma_semaphore, #tpu.memory_space<semaphore_mem>> -> memref<!tpu.dma_semaphore, #tpu.memory_space<semaphore_mem>>
      %dma_wait3A_153 = arith.constant 0 : i32
      %dma_wait3A_154 = tpu.memref_slice %arg7[%rem3A_131, %dma_wait3A_153] : memref<2x128xi32, #tpu.memory_space<vmem>> -> memref<1x128xi32, #tpu.memory_space<vmem>>
      %dma_wait3A_155 = tpu.memref_squeeze %dma_wait3A_154 : memref<1x128xi32, #tpu.memory_space<vmem>> -> memref<128xi32, #tpu.memory_space<vmem>>
      %dma_wait3A_156 = tpu.memref_slice %arg4[%mul3A_136] : memref<800000xi32, #tpu.memory_space<hbm>> -> memref<128xi32, #tpu.memory_space<hbm>>
      tpu.wait_dma2 semaphore(%dma_wait3A_152 : memref<!tpu.dma_semaphore, #tpu.memory_space<semaphore_mem>>) src(%dma_wait3A_156 : memref<128xi32, #tpu.memory_space<hbm>>) dst(%dma_wait3A_155 : memref<128xi32, #tpu.memory_space<vmem>>)
      %dma_start3A_157 = arith.constant 0 : i32
      %dma_start3A_158 = arith.constant 0 : i32
      %dma_start3A_159 = tpu.memref_slice %arg8[%rem3A_131, %dma_start3A_157, %dma_start3A_158] : memref<2x128x64xf32, #tpu.memory_space<vmem>> -> memref<1x128x64xf32, #tpu.memory_space<vmem>>
      %dma_start3A_160 = tpu.memref_squeeze %dma_start3A_159 : memref<1x128x64xf32, #tpu.memory_space<vmem>> -> memref<128x64xf32, #tpu.memory_space<vmem>>
      %dma_start3A_161 = arith.constant 0 : i32
      %dma_start3A_162 = tpu.memref_slice %arg6[%rem3A_131, %dma_start3A_161] : memref<2x128xi32, #tpu.memory_space<vmem>> -> memref<1x128xi32, #tpu.memory_space<vmem>>
      %dma_start3A_163 = tpu.memref_squeeze %dma_start3A_162 : memref<1x128xi32, #tpu.memory_space<vmem>> -> memref<128xi32, #tpu.memory_space<vmem>>
      %dma_start3A_164 = arith.constant 0 : i32
      %dma_start3A_165 = arith.constant 0 : i32
      %dma_start3A_166 = tpu.memref_slice %arg2[%dma_start3A_164, %dma_start3A_165] : memref<50000x64xf32, #tpu.memory_space<hbm>> -> memref<50000x64xf32, #tpu.memory_space<hbm>>
      %dma_start3A_167 = tpu.memref_slice %arg12[%rem3A_131] : memref<2x!tpu.dma_semaphore, #tpu.memory_space<semaphore_mem>> -> memref<1x!tpu.dma_semaphore, #tpu.memory_space<semaphore_mem>>
      %dma_start3A_168 = tpu.memref_squeeze %dma_start3A_167 : memref<1x!tpu.dma_semaphore, #tpu.memory_space<semaphore_mem>> -> memref<!tpu.dma_semaphore, #tpu.memory_space<semaphore_mem>>
      tpu.enqueue_indirect_dma source(%dma_start3A_166 : memref<50000x64xf32, #tpu.memory_space<hbm>>) target(%dma_start3A_160 : memref<128x64xf32, #tpu.memory_space<vmem>>) offsets(%dma_start3A_163 : memref<128xi32, #tpu.memory_space<vmem>>) semaphore(%dma_start3A_168 : memref<!tpu.dma_semaphore, #tpu.memory_space<semaphore_mem>>)
      %ge3A = arith.constant 1 : i32
      %ge3A_169 = arith.cmpi sge, %while3A_128, %ge3A : i32
      %convert_element_type3A = arith.extui %ge3A_169 : i1 to i32
      %cond3A = arith.constant 0 : i32
      %cond3A_170 = arith.cmpi ne, %convert_element_type3A, %cond3A : i32
      scf.if %cond3A_170 {
        %dma_wait3A_209 = arith.constant 0 : i32
        %dma_wait3A_210 = arith.constant 0 : i32
        %dma_wait3A_211 = tpu.memref_slice %arg8[%sub3A_133, %dma_wait3A_209, %dma_wait3A_210] : memref<2x128x64xf32, #tpu.memory_space<vmem>> -> memref<1x128x64xf32, #tpu.memory_space<vmem>>
        %dma_wait3A_212 = tpu.memref_squeeze %dma_wait3A_211 : memref<1x128x64xf32, #tpu.memory_space<vmem>> -> memref<128x64xf32, #tpu.memory_space<vmem>>
        %dma_wait3A_213 = arith.constant 0 : i32
        %dma_wait3A_214 = tpu.memref_slice %arg7[%sub3A_133, %dma_wait3A_213] : memref<2x128xi32, #tpu.memory_space<vmem>> -> memref<1x128xi32, #tpu.memory_space<vmem>>
        %dma_wait3A_215 = tpu.memref_squeeze %dma_wait3A_214 : memref<1x128xi32, #tpu.memory_space<vmem>> -> memref<128xi32, #tpu.memory_space<vmem>>
        %dma_wait3A_216 = arith.constant 0 : i32
        %dma_wait3A_217 = arith.constant 0 : i32
        %dma_wait3A_218 = tpu.memref_slice %arg10[%dma_wait3A_216, %dma_wait3A_217] : memref<26112x64xf32, #tpu.memory_space<vmem_shared>> -> memref<26112x64xf32, #tpu.memory_space<vmem_shared>>
        %dma_wait3A_219 = tpu.memref_slice %arg13[%sub3A_133] : memref<2x!tpu.dma_semaphore, #tpu.memory_space<semaphore_mem>> -> memref<1x!tpu.dma_semaphore, #tpu.memory_space<semaphore_mem>>
        %dma_wait3A_220 = tpu.memref_squeeze %dma_wait3A_219 : memref<1x!tpu.dma_semaphore, #tpu.memory_space<semaphore_mem>> -> memref<!tpu.dma_semaphore, #tpu.memory_space<semaphore_mem>>
        tpu.wait_indirect_dma semaphore(%dma_wait3A_220 : memref<!tpu.dma_semaphore, #tpu.memory_space<semaphore_mem>>) src(%dma_wait3A_212 : memref<128x64xf32, #tpu.memory_space<vmem>>) dst(%dma_wait3A_218 : memref<26112x64xf32, #tpu.memory_space<vmem_shared>>)
      } else {
      }
      %add3A_171 = arith.constant 1 : i32
      %add3A_172 = arith.addi %while3A_128, %add3A_171 : i32
      %lt3A_173 = arith.cmpi slt, %add3A_172, %add3A_71 : i32
      %convert_element_type3A_174 = arith.extui %lt3A_173 : i1 to i32
      %cond3A_175 = arith.constant 0 : i32
      %cond3A_176 = arith.cmpi ne, %convert_element_type3A_174, %cond3A_175 : i32
      scf.if %cond3A_176 {
        %add3A_209 = arith.constant 1 : i32
        %add3A_210 = arith.addi %while3A_128, %add3A_209 : i32
        %add3A_211 = arith.addi %add3A_67, %add3A_210 : i32
        %mul3A_212 = arith.constant 128 : i32
        %mul3A_213 = arith.muli %add3A_211, %mul3A_212 : i32
        %dma_start3A_214 = arith.constant 0 : i32
        %dma_start3A_215 = tpu.memref_slice %arg6[%sub3A_133, %dma_start3A_214] : memref<2x128xi32, #tpu.memory_space<vmem>> -> memref<1x128xi32, #tpu.memory_space<vmem>>
        %dma_start3A_216 = tpu.memref_squeeze %dma_start3A_215 : memref<1x128xi32, #tpu.memory_space<vmem>> -> memref<128xi32, #tpu.memory_space<vmem>>
        %dma_start3A_217 = tpu.memref_slice %arg3[%mul3A_213] : memref<800000xi32, #tpu.memory_space<hbm>> -> memref<128xi32, #tpu.memory_space<hbm>>
        %dma_start3A_218 = tpu.memref_slice %arg11[%sub3A_133] : memref<2x!tpu.dma_semaphore, #tpu.memory_space<semaphore_mem>> -> memref<1x!tpu.dma_semaphore, #tpu.memory_space<semaphore_mem>>
        %dma_start3A_219 = tpu.memref_squeeze %dma_start3A_218 : memref<1x!tpu.dma_semaphore, #tpu.memory_space<semaphore_mem>> -> memref<!tpu.dma_semaphore, #tpu.memory_space<semaphore_mem>>
        %dma_start3A_220 = arith.constant 0 : i32
        %dma_start3A_221 = tpu.memref_slice %arg6[%sub3A_133, %dma_start3A_220] : memref<2x128xi32, #tpu.memory_space<vmem>> -> memref<1x128xi32, #tpu.memory_space<vmem>>
        %dma_start3A_222 = tpu.memref_squeeze %dma_start3A_221 : memref<1x128xi32, #tpu.memory_space<vmem>> -> memref<128xi32, #tpu.memory_space<vmem>>
        %dma_start3A_223 = tpu.memref_slice %arg3[%mul3A_213] : memref<800000xi32, #tpu.memory_space<hbm>> -> memref<128xi32, #tpu.memory_space<hbm>>
        tpu.enqueue_dma source(%dma_start3A_223 : memref<128xi32, #tpu.memory_space<hbm>>) target(%dma_start3A_222 : memref<128xi32, #tpu.memory_space<vmem>>) target_semaphore(%dma_start3A_219 : memref<!tpu.dma_semaphore, #tpu.memory_space<semaphore_mem>>)
        %dma_start3A_224 = arith.constant 0 : i32
        %dma_start3A_225 = tpu.memref_slice %arg7[%sub3A_133, %dma_start3A_224] : memref<2x128xi32, #tpu.memory_space<vmem>> -> memref<1x128xi32, #tpu.memory_space<vmem>>
        %dma_start3A_226 = tpu.memref_squeeze %dma_start3A_225 : memref<1x128xi32, #tpu.memory_space<vmem>> -> memref<128xi32, #tpu.memory_space<vmem>>
        %dma_start3A_227 = tpu.memref_slice %arg4[%mul3A_213] : memref<800000xi32, #tpu.memory_space<hbm>> -> memref<128xi32, #tpu.memory_space<hbm>>
        %dma_start3A_228 = tpu.memref_slice %arg11[%sub3A_133] : memref<2x!tpu.dma_semaphore, #tpu.memory_space<semaphore_mem>> -> memref<1x!tpu.dma_semaphore, #tpu.memory_space<semaphore_mem>>
        %dma_start3A_229 = tpu.memref_squeeze %dma_start3A_228 : memref<1x!tpu.dma_semaphore, #tpu.memory_space<semaphore_mem>> -> memref<!tpu.dma_semaphore, #tpu.memory_space<semaphore_mem>>
        %dma_start3A_230 = arith.constant 0 : i32
        %dma_start3A_231 = tpu.memref_slice %arg7[%sub3A_133, %dma_start3A_230] : memref<2x128xi32, #tpu.memory_space<vmem>> -> memref<1x128xi32, #tpu.memory_space<vmem>>
        %dma_start3A_232 = tpu.memref_squeeze %dma_start3A_231 : memref<1x128xi32, #tpu.memory_space<vmem>> -> memref<128xi32, #tpu.memory_space<vmem>>
        %dma_start3A_233 = tpu.memref_slice %arg4[%mul3A_213] : memref<800000xi32, #tpu.memory_space<hbm>> -> memref<128xi32, #tpu.memory_space<hbm>>
        tpu.enqueue_dma source(%dma_start3A_233 : memref<128xi32, #tpu.memory_space<hbm>>) target(%dma_start3A_232 : memref<128xi32, #tpu.memory_space<vmem>>) target_semaphore(%dma_start3A_229 : memref<!tpu.dma_semaphore, #tpu.memory_space<semaphore_mem>>)
      } else {
      }
      %scan3A_177 = arith.constant 0 : i32
      %scan3A_178 = arith.constant 0 : i32
      %scan3A_179 = arith.constant 8 : i32
      %scan3A_180 = arith.addi %scan3A_178, %scan3A_179 : i32
      %scan3A_181 = arith.constant 1 : i32
      %scan3A_182 = scf.for %scan3A_209 = %scan3A_178 to %scan3A_180 step %scan3A_181 iter_args(%scan3A_210 = %scan3A_177) -> (i32)  : i32 {
        %mul3A_211 = arith.constant 16 : i32
        %mul3A_212 = arith.muli %scan3A_209, %mul3A_211 : i32
        %get3A = arith.index_cast %rem3A_131 : i32 to index
        %get3A_213 = arith.index_cast %mul3A_212 : i32 to index
        %get3A_214 = tpu.vector_load %arg7[%get3A, %get3A_213] {strides = array<i32>} : memref<2x128xi32, #tpu.memory_space<vmem>>, vector<1x16xi32>,
        %get3A_215 = vector.shape_cast %get3A_214 : vector<1x16xi32> to vector<16xi32>
        %ge3A_216 = vector.broadcast %mul3A_0 : i32 to vector<16xi32>
        %ge3A_217 = arith.cmpi sge, %get3A_215, %ge3A_216 : vector<16xi32>
        %lt3A_218 = vector.broadcast %add3A_1 : i32 to vector<16xi32>
        %lt3A_219 = arith.cmpi slt, %get3A_215, %lt3A_218 : vector<16xi32>
        %and3A = arith.andi %ge3A_217, %lt3A_219 : vector<16xi1>
        %mul3A_220 = arith.constant 16 : i32
        %mul3A_221 = arith.muli %scan3A_209, %mul3A_220 : i32
        %add3A_222 = vector.broadcast %mul3A_221 : i32 to vector<16xi32>
        %add3A_223 = arith.addi %add3A_222, %iota3A : vector<16xi32>
        %and3A_224 = arith.constant 1023 : i32
        %and3A_225 = vector.broadcast %and3A_224 : i32 to vector<16xi32>
        %and3A_226 = arith.andi %add3A_223, %and3A_225 : vector<16xi32>
        %add3A_227 = arith.constant 25000 : i32
        %add3A_228 = vector.broadcast %add3A_227 : i32 to vector<16xi32>
        %add3A_229 = arith.addi %add3A_228, %and3A_226 : vector<16xi32>
        %sub3A_230 = vector.broadcast %mul3A_0 : i32 to vector<16xi32>
        %sub3A_231 = arith.subi %get3A_215, %sub3A_230 : vector<16xi32>
        %select_n3A_232 = arith.select %and3A, %sub3A_231, %add3A_229 : vector<16xi1>, vector<16xi32>
        %mul3A_233 = arith.constant 16 : i32
        %mul3A_234 = arith.muli %scan3A_209, %mul3A_233 : i32
        %swap3A = arith.index_cast %rem3A_131 : i32 to index
        %swap3A_235 = arith.index_cast %mul3A_234 : i32 to index
        %swap3A_236 = tpu.vector_load %arg7[%swap3A, %swap3A_235] {strides = array<i32>} : memref<2x128xi32, #tpu.memory_space<vmem>>, vector<1x16xi32>,
        %swap3A_237 = vector.shape_cast %swap3A_236 : vector<1x16xi32> to vector<16xi32>
        %swap3A_238 = vector.shape_cast %select_n3A_232 : vector<16xi32> to vector<1x16xi32>
        tpu.vector_store %arg7[%swap3A, %swap3A_235], %swap3A_238 {strides = array<i32>} : memref<2x128xi32, #tpu.memory_space<vmem>>, vector<1x16xi32>,
        %scan3A_239 = arith.constant 0 : i32
        scf.yield %scan3A_239 : i32
      }
      %scan3A_183 = arith.constant 8 : i32
      %dma_wait3A_184 = arith.constant 0 : i32
      %dma_wait3A_185 = arith.constant 0 : i32
      %dma_wait3A_186 = tpu.memref_slice %arg8[%rem3A_131, %dma_wait3A_184, %dma_wait3A_185] : memref<2x128x64xf32, #tpu.memory_space<vmem>> -> memref<1x128x64xf32, #tpu.memory_space<vmem>>
      %dma_wait3A_187 = tpu.memref_squeeze %dma_wait3A_186 : memref<1x128x64xf32, #tpu.memory_space<vmem>> -> memref<128x64xf32, #tpu.memory_space<vmem>>
      %dma_wait3A_188 = arith.constant 0 : i32
      %dma_wait3A_189 = tpu.memref_slice %arg6[%rem3A_131, %dma_wait3A_188] : memref<2x128xi32, #tpu.memory_space<vmem>> -> memref<1x128xi32, #tpu.memory_space<vmem>>
      %dma_wait3A_190 = tpu.memref_squeeze %dma_wait3A_189 : memref<1x128xi32, #tpu.memory_space<vmem>> -> memref<128xi32, #tpu.memory_space<vmem>>
      %dma_wait3A_191 = arith.constant 0 : i32
      %dma_wait3A_192 = arith.constant 0 : i32
      %dma_wait3A_193 = tpu.memref_slice %arg2[%dma_wait3A_191, %dma_wait3A_192] : memref<50000x64xf32, #tpu.memory_space<hbm>> -> memref<50000x64xf32, #tpu.memory_space<hbm>>
      %dma_wait3A_194 = tpu.memref_slice %arg12[%rem3A_131] : memref<2x!tpu.dma_semaphore, #tpu.memory_space<semaphore_mem>> -> memref<1x!tpu.dma_semaphore, #tpu.memory_space<semaphore_mem>>
      %dma_wait3A_195 = tpu.memref_squeeze %dma_wait3A_194 : memref<1x!tpu.dma_semaphore, #tpu.memory_space<semaphore_mem>> -> memref<!tpu.dma_semaphore, #tpu.memory_space<semaphore_mem>>
      tpu.wait_indirect_dma semaphore(%dma_wait3A_195 : memref<!tpu.dma_semaphore, #tpu.memory_space<semaphore_mem>>) src(%dma_wait3A_193 : memref<50000x64xf32, #tpu.memory_space<hbm>>) dst(%dma_wait3A_187 : memref<128x64xf32, #tpu.memory_space<vmem>>)
      %dma_start3A_196 = arith.constant 0 : i32
      %dma_start3A_197 = arith.constant 0 : i32
      %dma_start3A_198 = tpu.memref_slice %arg8[%rem3A_131, %dma_start3A_196, %dma_start3A_197] : memref<2x128x64xf32, #tpu.memory_space<vmem>> -> memref<1x128x64xf32, #tpu.memory_space<vmem>>
      %dma_start3A_199 = tpu.memref_squeeze %dma_start3A_198 : memref<1x128x64xf32, #tpu.memory_space<vmem>> -> memref<128x64xf32, #tpu.memory_space<vmem>>
      %dma_start3A_200 = arith.constant 0 : i32
      %dma_start3A_201 = tpu.memref_slice %arg7[%rem3A_131, %dma_start3A_200] : memref<2x128xi32, #tpu.memory_space<vmem>> -> memref<1x128xi32, #tpu.memory_space<vmem>>
      %dma_start3A_202 = tpu.memref_squeeze %dma_start3A_201 : memref<1x128xi32, #tpu.memory_space<vmem>> -> memref<128xi32, #tpu.memory_space<vmem>>
      %dma_start3A_203 = arith.constant 0 : i32
      %dma_start3A_204 = arith.constant 0 : i32
      %dma_start3A_205 = tpu.memref_slice %arg10[%dma_start3A_203, %dma_start3A_204] : memref<26112x64xf32, #tpu.memory_space<vmem_shared>> -> memref<26112x64xf32, #tpu.memory_space<vmem_shared>>
      %dma_start3A_206 = tpu.memref_slice %arg13[%rem3A_131] : memref<2x!tpu.dma_semaphore, #tpu.memory_space<semaphore_mem>> -> memref<1x!tpu.dma_semaphore, #tpu.memory_space<semaphore_mem>>
      %dma_start3A_207 = tpu.memref_squeeze %dma_start3A_206 : memref<1x!tpu.dma_semaphore, #tpu.memory_space<semaphore_mem>> -> memref<!tpu.dma_semaphore, #tpu.memory_space<semaphore_mem>>
      tpu.enqueue_indirect_dma source(%dma_start3A_199 : memref<128x64xf32, #tpu.memory_space<vmem>>) target(%dma_start3A_205 : memref<26112x64xf32, #tpu.memory_space<vmem_shared>>) offsets(%dma_start3A_202 : memref<128xi32, #tpu.memory_space<vmem>>) semaphore(%dma_start3A_207 : memref<!tpu.dma_semaphore, #tpu.memory_space<semaphore_mem>>) {add = true}
      %while3A_208 = arith.constant 0 : i32
      scf.yield %while3A_208 : i32
    }
    %while3A_108 = arith.constant 1 : i32
    %while3A_109 = scf.for %while3A_128 = %while3A_105 to %while3A_101 step %while3A_108 iter_args(%while3A_129 = %while3A_107) -> (i32)  : i32 {
      %rem3A_130 = arith.constant 2 : i32
      %rem3A_131 = arith.remsi %while3A_128, %rem3A_130 : i32
      %sub3A_132 = arith.constant 1 : i32
      %sub3A_133 = arith.subi %sub3A_132, %rem3A_131 : i32
      %add3A_134 = arith.addi %add3A_67, %while3A_128 : i32
      %mul3A_135 = arith.constant 128 : i32
      %mul3A_136 = arith.muli %add3A_134, %mul3A_135 : i32
      %dma_wait3A_137 = arith.constant 0 : i32
      %dma_wait3A_138 = tpu.memref_slice %arg6[%rem3A_131, %dma_wait3A_137] : memref<2x128xi32, #tpu.memory_space<vmem>> -> memref<1x128xi32, #tpu.memory_space<vmem>>
      %dma_wait3A_139 = tpu.memref_squeeze %dma_wait3A_138 : memref<1x128xi32, #tpu.memory_space<vmem>> -> memref<128xi32, #tpu.memory_space<vmem>>
      %dma_wait3A_140 = tpu.memref_slice %arg3[%mul3A_136] : memref<800000xi32, #tpu.memory_space<hbm>> -> memref<128xi32, #tpu.memory_space<hbm>>
      %dma_wait3A_141 = tpu.memref_slice %arg11[%rem3A_131] : memref<2x!tpu.dma_semaphore, #tpu.memory_space<semaphore_mem>> -> memref<1x!tpu.dma_semaphore, #tpu.memory_space<semaphore_mem>>
      %dma_wait3A_142 = tpu.memref_squeeze %dma_wait3A_141 : memref<1x!tpu.dma_semaphore, #tpu.memory_space<semaphore_mem>> -> memref<!tpu.dma_semaphore, #tpu.memory_space<semaphore_mem>>
      %dma_wait3A_143 = arith.constant 0 : i32
      %dma_wait3A_144 = tpu.memref_slice %arg6[%rem3A_131, %dma_wait3A_143] : memref<2x128xi32, #tpu.memory_space<vmem>> -> memref<1x128xi32, #tpu.memory_space<vmem>>
      %dma_wait3A_145 = tpu.memref_squeeze %dma_wait3A_144 : memref<1x128xi32, #tpu.memory_space<vmem>> -> memref<128xi32, #tpu.memory_space<vmem>>
      %dma_wait3A_146 = tpu.memref_slice %arg3[%mul3A_136] : memref<800000xi32, #tpu.memory_space<hbm>> -> memref<128xi32, #tpu.memory_space<hbm>>
      tpu.wait_dma2 semaphore(%dma_wait3A_142 : memref<!tpu.dma_semaphore, #tpu.memory_space<semaphore_mem>>) src(%dma_wait3A_146 : memref<128xi32, #tpu.memory_space<hbm>>) dst(%dma_wait3A_145 : memref<128xi32, #tpu.memory_space<vmem>>)
      %dma_wait3A_147 = arith.constant 0 : i32
      %dma_wait3A_148 = tpu.memref_slice %arg7[%rem3A_131, %dma_wait3A_147] : memref<2x128xi32, #tpu.memory_space<vmem>> -> memref<1x128xi32, #tpu.memory_space<vmem>>
      %dma_wait3A_149 = tpu.memref_squeeze %dma_wait3A_148 : memref<1x128xi32, #tpu.memory_space<vmem>> -> memref<128xi32, #tpu.memory_space<vmem>>
      %dma_wait3A_150 = tpu.memref_slice %arg4[%mul3A_136] : memref<800000xi32, #tpu.memory_space<hbm>> -> memref<128xi32, #tpu.memory_space<hbm>>
      %dma_wait3A_151 = tpu.memref_slice %arg11[%rem3A_131] : memref<2x!tpu.dma_semaphore, #tpu.memory_space<semaphore_mem>> -> memref<1x!tpu.dma_semaphore, #tpu.memory_space<semaphore_mem>>
      %dma_wait3A_152 = tpu.memref_squeeze %dma_wait3A_151 : memref<1x!tpu.dma_semaphore, #tpu.memory_space<semaphore_mem>> -> memref<!tpu.dma_semaphore, #tpu.memory_space<semaphore_mem>>
      %dma_wait3A_153 = arith.constant 0 : i32
      %dma_wait3A_154 = tpu.memref_slice %arg7[%rem3A_131, %dma_wait3A_153] : memref<2x128xi32, #tpu.memory_space<vmem>> -> memref<1x128xi32, #tpu.memory_space<vmem>>
      %dma_wait3A_155 = tpu.memref_squeeze %dma_wait3A_154 : memref<1x128xi32, #tpu.memory_space<vmem>> -> memref<128xi32, #tpu.memory_space<vmem>>
      %dma_wait3A_156 = tpu.memref_slice %arg4[%mul3A_136] : memref<800000xi32, #tpu.memory_space<hbm>> -> memref<128xi32, #tpu.memory_space<hbm>>
      tpu.wait_dma2 semaphore(%dma_wait3A_152 : memref<!tpu.dma_semaphore, #tpu.memory_space<semaphore_mem>>) src(%dma_wait3A_156 : memref<128xi32, #tpu.memory_space<hbm>>) dst(%dma_wait3A_155 : memref<128xi32, #tpu.memory_space<vmem>>)
      %dma_start3A_157 = arith.constant 0 : i32
      %dma_start3A_158 = arith.constant 0 : i32
      %dma_start3A_159 = tpu.memref_slice %arg8[%rem3A_131, %dma_start3A_157, %dma_start3A_158] : memref<2x128x64xf32, #tpu.memory_space<vmem>> -> memref<1x128x64xf32, #tpu.memory_space<vmem>>
      %dma_start3A_160 = tpu.memref_squeeze %dma_start3A_159 : memref<1x128x64xf32, #tpu.memory_space<vmem>> -> memref<128x64xf32, #tpu.memory_space<vmem>>
      %dma_start3A_161 = arith.constant 0 : i32
      %dma_start3A_162 = tpu.memref_slice %arg6[%rem3A_131, %dma_start3A_161] : memref<2x128xi32, #tpu.memory_space<vmem>> -> memref<1x128xi32, #tpu.memory_space<vmem>>
      %dma_start3A_163 = tpu.memref_squeeze %dma_start3A_162 : memref<1x128xi32, #tpu.memory_space<vmem>> -> memref<128xi32, #tpu.memory_space<vmem>>
      %dma_start3A_164 = arith.constant 0 : i32
      %dma_start3A_165 = arith.constant 0 : i32
      %dma_start3A_166 = tpu.memref_slice %arg2[%dma_start3A_164, %dma_start3A_165] : memref<50000x64xf32, #tpu.memory_space<hbm>> -> memref<50000x64xf32, #tpu.memory_space<hbm>>
      %dma_start3A_167 = tpu.memref_slice %arg12[%rem3A_131] : memref<2x!tpu.dma_semaphore, #tpu.memory_space<semaphore_mem>> -> memref<1x!tpu.dma_semaphore, #tpu.memory_space<semaphore_mem>>
      %dma_start3A_168 = tpu.memref_squeeze %dma_start3A_167 : memref<1x!tpu.dma_semaphore, #tpu.memory_space<semaphore_mem>> -> memref<!tpu.dma_semaphore, #tpu.memory_space<semaphore_mem>>
      tpu.enqueue_indirect_dma source(%dma_start3A_166 : memref<50000x64xf32, #tpu.memory_space<hbm>>) target(%dma_start3A_160 : memref<128x64xf32, #tpu.memory_space<vmem>>) offsets(%dma_start3A_163 : memref<128xi32, #tpu.memory_space<vmem>>) semaphore(%dma_start3A_168 : memref<!tpu.dma_semaphore, #tpu.memory_space<semaphore_mem>>)
      %ge3A = arith.constant 1 : i32
      %ge3A_169 = arith.cmpi sge, %while3A_128, %ge3A : i32
      %convert_element_type3A = arith.extui %ge3A_169 : i1 to i32
      %cond3A = arith.constant 0 : i32
      %cond3A_170 = arith.cmpi ne, %convert_element_type3A, %cond3A : i32
      scf.if %cond3A_170 {
        %dma_wait3A_209 = arith.constant 0 : i32
        %dma_wait3A_210 = arith.constant 0 : i32
        %dma_wait3A_211 = tpu.memref_slice %arg8[%sub3A_133, %dma_wait3A_209, %dma_wait3A_210] : memref<2x128x64xf32, #tpu.memory_space<vmem>> -> memref<1x128x64xf32, #tpu.memory_space<vmem>>
        %dma_wait3A_212 = tpu.memref_squeeze %dma_wait3A_211 : memref<1x128x64xf32, #tpu.memory_space<vmem>> -> memref<128x64xf32, #tpu.memory_space<vmem>>
        %dma_wait3A_213 = arith.constant 0 : i32
        %dma_wait3A_214 = tpu.memref_slice %arg7[%sub3A_133, %dma_wait3A_213] : memref<2x128xi32, #tpu.memory_space<vmem>> -> memref<1x128xi32, #tpu.memory_space<vmem>>
        %dma_wait3A_215 = tpu.memref_squeeze %dma_wait3A_214 : memref<1x128xi32, #tpu.memory_space<vmem>> -> memref<128xi32, #tpu.memory_space<vmem>>
        %dma_wait3A_216 = arith.constant 0 : i32
        %dma_wait3A_217 = arith.constant 0 : i32
        %dma_wait3A_218 = tpu.memref_slice %arg10[%dma_wait3A_216, %dma_wait3A_217] : memref<26112x64xf32, #tpu.memory_space<vmem_shared>> -> memref<26112x64xf32, #tpu.memory_space<vmem_shared>>
        %dma_wait3A_219 = tpu.memref_slice %arg13[%sub3A_133] : memref<2x!tpu.dma_semaphore, #tpu.memory_space<semaphore_mem>> -> memref<1x!tpu.dma_semaphore, #tpu.memory_space<semaphore_mem>>
        %dma_wait3A_220 = tpu.memref_squeeze %dma_wait3A_219 : memref<1x!tpu.dma_semaphore, #tpu.memory_space<semaphore_mem>> -> memref<!tpu.dma_semaphore, #tpu.memory_space<semaphore_mem>>
        tpu.wait_indirect_dma semaphore(%dma_wait3A_220 : memref<!tpu.dma_semaphore, #tpu.memory_space<semaphore_mem>>) src(%dma_wait3A_212 : memref<128x64xf32, #tpu.memory_space<vmem>>) dst(%dma_wait3A_218 : memref<26112x64xf32, #tpu.memory_space<vmem_shared>>)
      } else {
      }
      %add3A_171 = arith.constant 1 : i32
      %add3A_172 = arith.addi %while3A_128, %add3A_171 : i32
      %lt3A_173 = arith.cmpi slt, %add3A_172, %add3A_71 : i32
      %convert_element_type3A_174 = arith.extui %lt3A_173 : i1 to i32
      %cond3A_175 = arith.constant 0 : i32
      %cond3A_176 = arith.cmpi ne, %convert_element_type3A_174, %cond3A_175 : i32
      scf.if %cond3A_176 {
        %add3A_209 = arith.constant 1 : i32
        %add3A_210 = arith.addi %while3A_128, %add3A_209 : i32
        %add3A_211 = arith.addi %add3A_67, %add3A_210 : i32
        %mul3A_212 = arith.constant 128 : i32
        %mul3A_213 = arith.muli %add3A_211, %mul3A_212 : i32
        %dma_start3A_214 = arith.constant 0 : i32
        %dma_start3A_215 = tpu.memref_slice %arg6[%sub3A_133, %dma_start3A_214] : memref<2x128xi32, #tpu.memory_space<vmem>> -> memref<1x128xi32, #tpu.memory_space<vmem>>
        %dma_start3A_216 = tpu.memref_squeeze %dma_start3A_215 : memref<1x128xi32, #tpu.memory_space<vmem>> -> memref<128xi32, #tpu.memory_space<vmem>>
        %dma_start3A_217 = tpu.memref_slice %arg3[%mul3A_213] : memref<800000xi32, #tpu.memory_space<hbm>> -> memref<128xi32, #tpu.memory_space<hbm>>
        %dma_start3A_218 = tpu.memref_slice %arg11[%sub3A_133] : memref<2x!tpu.dma_semaphore, #tpu.memory_space<semaphore_mem>> -> memref<1x!tpu.dma_semaphore, #tpu.memory_space<semaphore_mem>>
        %dma_start3A_219 = tpu.memref_squeeze %dma_start3A_218 : memref<1x!tpu.dma_semaphore, #tpu.memory_space<semaphore_mem>> -> memref<!tpu.dma_semaphore, #tpu.memory_space<semaphore_mem>>
        %dma_start3A_220 = arith.constant 0 : i32
        %dma_start3A_221 = tpu.memref_slice %arg6[%sub3A_133, %dma_start3A_220] : memref<2x128xi32, #tpu.memory_space<vmem>> -> memref<1x128xi32, #tpu.memory_space<vmem>>
        %dma_start3A_222 = tpu.memref_squeeze %dma_start3A_221 : memref<1x128xi32, #tpu.memory_space<vmem>> -> memref<128xi32, #tpu.memory_space<vmem>>
        %dma_start3A_223 = tpu.memref_slice %arg3[%mul3A_213] : memref<800000xi32, #tpu.memory_space<hbm>> -> memref<128xi32, #tpu.memory_space<hbm>>
        tpu.enqueue_dma source(%dma_start3A_223 : memref<128xi32, #tpu.memory_space<hbm>>) target(%dma_start3A_222 : memref<128xi32, #tpu.memory_space<vmem>>) target_semaphore(%dma_start3A_219 : memref<!tpu.dma_semaphore, #tpu.memory_space<semaphore_mem>>)
        %dma_start3A_224 = arith.constant 0 : i32
        %dma_start3A_225 = tpu.memref_slice %arg7[%sub3A_133, %dma_start3A_224] : memref<2x128xi32, #tpu.memory_space<vmem>> -> memref<1x128xi32, #tpu.memory_space<vmem>>
        %dma_start3A_226 = tpu.memref_squeeze %dma_start3A_225 : memref<1x128xi32, #tpu.memory_space<vmem>> -> memref<128xi32, #tpu.memory_space<vmem>>
        %dma_start3A_227 = tpu.memref_slice %arg4[%mul3A_213] : memref<800000xi32, #tpu.memory_space<hbm>> -> memref<128xi32, #tpu.memory_space<hbm>>
        %dma_start3A_228 = tpu.memref_slice %arg11[%sub3A_133] : memref<2x!tpu.dma_semaphore, #tpu.memory_space<semaphore_mem>> -> memref<1x!tpu.dma_semaphore, #tpu.memory_space<semaphore_mem>>
        %dma_start3A_229 = tpu.memref_squeeze %dma_start3A_228 : memref<1x!tpu.dma_semaphore, #tpu.memory_space<semaphore_mem>> -> memref<!tpu.dma_semaphore, #tpu.memory_space<semaphore_mem>>
        %dma_start3A_230 = arith.constant 0 : i32
        %dma_start3A_231 = tpu.memref_slice %arg7[%sub3A_133, %dma_start3A_230] : memref<2x128xi32, #tpu.memory_space<vmem>> -> memref<1x128xi32, #tpu.memory_space<vmem>>
        %dma_start3A_232 = tpu.memref_squeeze %dma_start3A_231 : memref<1x128xi32, #tpu.memory_space<vmem>> -> memref<128xi32, #tpu.memory_space<vmem>>
        %dma_start3A_233 = tpu.memref_slice %arg4[%mul3A_213] : memref<800000xi32, #tpu.memory_space<hbm>> -> memref<128xi32, #tpu.memory_space<hbm>>
        tpu.enqueue_dma source(%dma_start3A_233 : memref<128xi32, #tpu.memory_space<hbm>>) target(%dma_start3A_232 : memref<128xi32, #tpu.memory_space<vmem>>) target_semaphore(%dma_start3A_229 : memref<!tpu.dma_semaphore, #tpu.memory_space<semaphore_mem>>)
      } else {
      }
      %scan3A_177 = arith.constant 0 : i32
      %scan3A_178 = arith.constant 0 : i32
      %scan3A_179 = arith.constant 8 : i32
      %scan3A_180 = arith.addi %scan3A_178, %scan3A_179 : i32
      %scan3A_181 = arith.constant 1 : i32
      %scan3A_182 = scf.for %scan3A_209 = %scan3A_178 to %scan3A_180 step %scan3A_181 iter_args(%scan3A_210 = %scan3A_177) -> (i32)  : i32 {
        %mul3A_211 = arith.constant 16 : i32
        %mul3A_212 = arith.muli %scan3A_209, %mul3A_211 : i32
        %get3A = arith.index_cast %rem3A_131 : i32 to index
        %get3A_213 = arith.index_cast %mul3A_212 : i32 to index
        %get3A_214 = tpu.vector_load %arg7[%get3A, %get3A_213] {strides = array<i32>} : memref<2x128xi32, #tpu.memory_space<vmem>>, vector<1x16xi32>,
        %get3A_215 = vector.shape_cast %get3A_214 : vector<1x16xi32> to vector<16xi32>
        %ge3A_216 = vector.broadcast %mul3A_0 : i32 to vector<16xi32>
        %ge3A_217 = arith.cmpi sge, %get3A_215, %ge3A_216 : vector<16xi32>
        %lt3A_218 = vector.broadcast %add3A_1 : i32 to vector<16xi32>
        %lt3A_219 = arith.cmpi slt, %get3A_215, %lt3A_218 : vector<16xi32>
        %and3A = arith.andi %ge3A_217, %lt3A_219 : vector<16xi1>
        %mul3A_220 = arith.constant 16 : i32
        %mul3A_221 = arith.muli %scan3A_209, %mul3A_220 : i32
        %add3A_222 = vector.broadcast %mul3A_221 : i32 to vector<16xi32>
        %add3A_223 = arith.addi %add3A_222, %iota3A : vector<16xi32>
        %and3A_224 = arith.constant 1023 : i32
        %and3A_225 = vector.broadcast %and3A_224 : i32 to vector<16xi32>
        %and3A_226 = arith.andi %add3A_223, %and3A_225 : vector<16xi32>
        %add3A_227 = arith.constant 25000 : i32
        %add3A_228 = vector.broadcast %add3A_227 : i32 to vector<16xi32>
        %add3A_229 = arith.addi %add3A_228, %and3A_226 : vector<16xi32>
        %sub3A_230 = vector.broadcast %mul3A_0 : i32 to vector<16xi32>
        %sub3A_231 = arith.subi %get3A_215, %sub3A_230 : vector<16xi32>
        %select_n3A_232 = arith.select %and3A, %sub3A_231, %add3A_229 : vector<16xi1>, vector<16xi32>
        %mul3A_233 = arith.constant 16 : i32
        %mul3A_234 = arith.muli %scan3A_209, %mul3A_233 : i32
        %swap3A = arith.index_cast %rem3A_131 : i32 to index
        %swap3A_235 = arith.index_cast %mul3A_234 : i32 to index
        %swap3A_236 = tpu.vector_load %arg7[%swap3A, %swap3A_235] {strides = array<i32>} : memref<2x128xi32, #tpu.memory_space<vmem>>, vector<1x16xi32>,
        %swap3A_237 = vector.shape_cast %swap3A_236 : vector<1x16xi32> to vector<16xi32>
        %swap3A_238 = vector.shape_cast %select_n3A_232 : vector<16xi32> to vector<1x16xi32>
        tpu.vector_store %arg7[%swap3A, %swap3A_235], %swap3A_238 {strides = array<i32>} : memref<2x128xi32, #tpu.memory_space<vmem>>, vector<1x16xi32>,
        %scan3A_239 = arith.constant 0 : i32
        scf.yield %scan3A_239 : i32
      }
      %scan3A_183 = arith.constant 8 : i32
      %dma_wait3A_184 = arith.constant 0 : i32
      %dma_wait3A_185 = arith.constant 0 : i32
      %dma_wait3A_186 = tpu.memref_slice %arg8[%rem3A_131, %dma_wait3A_184, %dma_wait3A_185] : memref<2x128x64xf32, #tpu.memory_space<vmem>> -> memref<1x128x64xf32, #tpu.memory_space<vmem>>
      %dma_wait3A_187 = tpu.memref_squeeze %dma_wait3A_186 : memref<1x128x64xf32, #tpu.memory_space<vmem>> -> memref<128x64xf32, #tpu.memory_space<vmem>>
      %dma_wait3A_188 = arith.constant 0 : i32
      %dma_wait3A_189 = tpu.memref_slice %arg6[%rem3A_131, %dma_wait3A_188] : memref<2x128xi32, #tpu.memory_space<vmem>> -> memref<1x128xi32, #tpu.memory_space<vmem>>
      %dma_wait3A_190 = tpu.memref_squeeze %dma_wait3A_189 : memref<1x128xi32, #tpu.memory_space<vmem>> -> memref<128xi32, #tpu.memory_space<vmem>>
      %dma_wait3A_191 = arith.constant 0 : i32
      %dma_wait3A_192 = arith.constant 0 : i32
      %dma_wait3A_193 = tpu.memref_slice %arg2[%dma_wait3A_191, %dma_wait3A_192] : memref<50000x64xf32, #tpu.memory_space<hbm>> -> memref<50000x64xf32, #tpu.memory_space<hbm>>
      %dma_wait3A_194 = tpu.memref_slice %arg12[%rem3A_131] : memref<2x!tpu.dma_semaphore, #tpu.memory_space<semaphore_mem>> -> memref<1x!tpu.dma_semaphore, #tpu.memory_space<semaphore_mem>>
      %dma_wait3A_195 = tpu.memref_squeeze %dma_wait3A_194 : memref<1x!tpu.dma_semaphore, #tpu.memory_space<semaphore_mem>> -> memref<!tpu.dma_semaphore, #tpu.memory_space<semaphore_mem>>
      tpu.wait_indirect_dma semaphore(%dma_wait3A_195 : memref<!tpu.dma_semaphore, #tpu.memory_space<semaphore_mem>>) src(%dma_wait3A_193 : memref<50000x64xf32, #tpu.memory_space<hbm>>) dst(%dma_wait3A_187 : memref<128x64xf32, #tpu.memory_space<vmem>>)
      %dma_start3A_196 = arith.constant 0 : i32
      %dma_start3A_197 = arith.constant 0 : i32
      %dma_start3A_198 = tpu.memref_slice %arg8[%rem3A_131, %dma_start3A_196, %dma_start3A_197] : memref<2x128x64xf32, #tpu.memory_space<vmem>> -> memref<1x128x64xf32, #tpu.memory_space<vmem>>
      %dma_start3A_199 = tpu.memref_squeeze %dma_start3A_198 : memref<1x128x64xf32, #tpu.memory_space<vmem>> -> memref<128x64xf32, #tpu.memory_space<vmem>>
      %dma_start3A_200 = arith.constant 0 : i32
      %dma_start3A_201 = tpu.memref_slice %arg7[%rem3A_131, %dma_start3A_200] : memref<2x128xi32, #tpu.memory_space<vmem>> -> memref<1x128xi32, #tpu.memory_space<vmem>>
      %dma_start3A_202 = tpu.memref_squeeze %dma_start3A_201 : memref<1x128xi32, #tpu.memory_space<vmem>> -> memref<128xi32, #tpu.memory_space<vmem>>
      %dma_start3A_203 = arith.constant 0 : i32
      %dma_start3A_204 = arith.constant 0 : i32
      %dma_start3A_205 = tpu.memref_slice %arg10[%dma_start3A_203, %dma_start3A_204] : memref<26112x64xf32, #tpu.memory_space<vmem_shared>> -> memref<26112x64xf32, #tpu.memory_space<vmem_shared>>
      %dma_start3A_206 = tpu.memref_slice %arg13[%rem3A_131] : memref<2x!tpu.dma_semaphore, #tpu.memory_space<semaphore_mem>> -> memref<1x!tpu.dma_semaphore, #tpu.memory_space<semaphore_mem>>
      %dma_start3A_207 = tpu.memref_squeeze %dma_start3A_206 : memref<1x!tpu.dma_semaphore, #tpu.memory_space<semaphore_mem>> -> memref<!tpu.dma_semaphore, #tpu.memory_space<semaphore_mem>>
      tpu.enqueue_indirect_dma source(%dma_start3A_199 : memref<128x64xf32, #tpu.memory_space<vmem>>) target(%dma_start3A_205 : memref<26112x64xf32, #tpu.memory_space<vmem_shared>>) offsets(%dma_start3A_202 : memref<128xi32, #tpu.memory_space<vmem>>) semaphore(%dma_start3A_207 : memref<!tpu.dma_semaphore, #tpu.memory_space<semaphore_mem>>) {add = true}
      %while3A_208 = arith.constant 0 : i32
      scf.yield %while3A_208 : i32
    }
    %sub3A_110 = arith.constant 1 : i32
    %sub3A_111 = arith.subi %add3A_71, %sub3A_110 : i32
    %rem3A = arith.constant 2 : i32
    %rem3A_112 = arith.remsi %sub3A_111, %rem3A : i32
    %dma_wait3A = arith.constant 0 : i32
    %dma_wait3A_113 = arith.constant 0 : i32
    %dma_wait3A_114 = tpu.memref_slice %arg8[%rem3A_112, %dma_wait3A, %dma_wait3A_113] : memref<2x128x64xf32, #tpu.memory_space<vmem>> -> memref<1x128x64xf32, #tpu.memory_space<vmem>>
    %dma_wait3A_115 = tpu.memref_squeeze %dma_wait3A_114 : memref<1x128x64xf32, #tpu.memory_space<vmem>> -> memref<128x64xf32, #tpu.memory_space<vmem>>
    %dma_wait3A_116 = arith.constant 0 : i32
    %dma_wait3A_117 = tpu.memref_slice %arg7[%rem3A_112, %dma_wait3A_116] : memref<2x128xi32, #tpu.memory_space<vmem>> -> memref<1x128xi32, #tpu.memory_space<vmem>>
    %dma_wait3A_118 = tpu.memref_squeeze %dma_wait3A_117 : memref<1x128xi32, #tpu.memory_space<vmem>> -> memref<128xi32, #tpu.memory_space<vmem>>
    %dma_wait3A_119 = arith.constant 0 : i32
    %dma_wait3A_120 = arith.constant 0 : i32
    %dma_wait3A_121 = tpu.memref_slice %arg10[%dma_wait3A_119, %dma_wait3A_120] : memref<26112x64xf32, #tpu.memory_space<vmem_shared>> -> memref<26112x64xf32, #tpu.memory_space<vmem_shared>>
    %dma_wait3A_122 = tpu.memref_slice %arg13[%rem3A_112] : memref<2x!tpu.dma_semaphore, #tpu.memory_space<semaphore_mem>> -> memref<1x!tpu.dma_semaphore, #tpu.memory_space<semaphore_mem>>
    %dma_wait3A_123 = tpu.memref_squeeze %dma_wait3A_122 : memref<1x!tpu.dma_semaphore, #tpu.memory_space<semaphore_mem>> -> memref<!tpu.dma_semaphore, #tpu.memory_space<semaphore_mem>>
    tpu.wait_indirect_dma semaphore(%dma_wait3A_123 : memref<!tpu.dma_semaphore, #tpu.memory_space<semaphore_mem>>) src(%dma_wait3A_115 : memref<128x64xf32, #tpu.memory_space<vmem>>) dst(%dma_wait3A_121 : memref<26112x64xf32, #tpu.memory_space<vmem_shared>>)
    %barrier3A_124 = arith.constant 0 : index
    tpu.barrier barrier_id(%barrier3A_124)
    %mul3A_125 = arith.constant 26112 : i32
    %mul3A_126 = arith.muli %arg0, %mul3A_125 : i32
    %add3A_127 = arith.addi %mul3A_126, %mul3A_3 : i32
    "tpu.region"() ({
      %run_scoped3A = tpu.sem_alloc : memref<!tpu.dma_semaphore, #tpu.memory_space<semaphore_mem>>
      %dma_start3A_128 = arith.constant 0 : i32
      %dma_start3A_129 = tpu.memref_slice %arg5[%add3A_127, %dma_start3A_128] : memref<52224x64xf32, #tpu.memory_space<hbm>> -> memref<1632x64xf32, #tpu.memory_space<hbm>>
      %dma_start3A_130 = arith.constant 0 : i32
      %dma_start3A_131 = tpu.memref_slice %arg10[%mul3A_3, %dma_start3A_130] : memref<26112x64xf32, #tpu.memory_space<vmem_shared>> -> memref<1632x64xf32, #tpu.memory_space<vmem_shared>>
      tpu.enqueue_dma source(%dma_start3A_131 : memref<1632x64xf32, #tpu.memory_space<vmem_shared>>) target(%dma_start3A_129 : memref<1632x64xf32, #tpu.memory_space<hbm>>) target_semaphore(%run_scoped3A : memref<!tpu.dma_semaphore, #tpu.memory_space<semaphore_mem>>)
      %dma_wait3A_132 = arith.constant 0 : i32
      %dma_wait3A_133 = tpu.memref_slice %arg5[%add3A_127, %dma_wait3A_132] : memref<52224x64xf32, #tpu.memory_space<hbm>> -> memref<1632x64xf32, #tpu.memory_space<hbm>>
      %dma_wait3A_134 = arith.constant 0 : i32
      %dma_wait3A_135 = tpu.memref_slice %arg10[%mul3A_3, %dma_wait3A_134] : memref<26112x64xf32, #tpu.memory_space<vmem_shared>> -> memref<1632x64xf32, #tpu.memory_space<vmem_shared>>
      tpu.wait_dma2 semaphore(%run_scoped3A : memref<!tpu.dma_semaphore, #tpu.memory_space<semaphore_mem>>) src(%dma_wait3A_135 : memref<1632x64xf32, #tpu.memory_space<vmem_shared>>) dst(%dma_wait3A_133 : memref<1632x64xf32, #tpu.memory_space<hbm>>)
      tpu.yield
    }) : () -> ()
    return
  }
}

module attributes {stable_mosaic.version = 14 : i64} {
  func.func @_fusion_body(%arg0: i32, %arg1: memref<2000x64xf32, #tpu.memory_space<vmem>>, %arg2: memref<2000x64xf32, #tpu.memory_space<vmem>>, %arg3: memref<2000x32xf32, #tpu.memory_space<vmem>>, %arg4: memref<64x64xf32, #tpu.memory_space<vmem>>, %arg5: memref<64x64xf32, #tpu.memory_space<vmem>>, %arg6: memref<32x64xf32, #tpu.memory_space<vmem>>, %arg7: memref<1x64xf32, #tpu.memory_space<vmem>>, %arg8: memref<2000x64xf32, #tpu.memory_space<vmem>>) attributes {dimension_semantics = [#tpu.dimension_semantics<arbitrary>], iteration_bounds = array<i64: 20>, scalar_prefetch = 0 : i64, scratch_operands = 0 : i64, tpu.core_type = #tpu.core_type<tc>, window_params = [{transform_indices = @transform_0, window_bounds = array<i64: 2000, 64>}, {transform_indices = @transform_1, window_bounds = array<i64: 2000, 64>}, {transform_indices = @transform_2, window_bounds = array<i64: 2000, 32>}, {pipeline_mode = #tpu.pipeline_mode<synchronous>, transform_indices = @transform_3, window_bounds = array<i64: 64, 64>}, {pipeline_mode = #tpu.pipeline_mode<synchronous>, transform_indices = @transform_4, window_bounds = array<i64: 64, 64>}, {pipeline_mode = #tpu.pipeline_mode<synchronous>, transform_indices = @transform_5, window_bounds = array<i64: 32, 64>}, {pipeline_mode = #tpu.pipeline_mode<synchronous>, transform_indices = @transform_6, window_bounds = array<i64: 1, 64>}, {transform_indices = @transform_7, window_bounds = array<i64: 2000, 64>}]} {
    %get3A = arith.constant 0 : index
    %get3A_0 = arith.constant 0 : index
    %get3A_1 = vector.load %arg1[%get3A, %get3A_0] : memref<2000x64xf32, #tpu.memory_space<vmem>>, vector<2000x64xf32>
    %get3A_2 = arith.constant 0 : index
    %get3A_3 = arith.constant 0 : index
    %get3A_4 = vector.load %arg4[%get3A_2, %get3A_3] : memref<64x64xf32, #tpu.memory_space<vmem>>, vector<64x64xf32>
    %dot_general3A = arith.constant dense<0.000000e+00> : vector<2000x64xf32>
    %dot_general3A_5 = tpu.matmul %get3A_1, %get3A_4, %dot_general3A {dimension_numbers = #tpu.dot_dimension_numbers<[1], [0], [0], [1], [0, 0, 1, 1], [], []>, transpose_lhs_hint = false} : vector<2000x64xf32>, vector<64x64xf32>, vector<2000x64xf32> -> vector<2000x64xf32>
    %get3A_6 = arith.constant 0 : index
    %get3A_7 = arith.constant 0 : index
    %get3A_8 = vector.load %arg2[%get3A_6, %get3A_7] : memref<2000x64xf32, #tpu.memory_space<vmem>>, vector<2000x64xf32>
    %get3A_9 = arith.constant 0 : index
    %get3A_10 = arith.constant 0 : index
    %get3A_11 = vector.load %arg5[%get3A_9, %get3A_10] : memref<64x64xf32, #tpu.memory_space<vmem>>, vector<64x64xf32>
    %dot_general3A_12 = arith.constant dense<0.000000e+00> : vector<2000x64xf32>
    %dot_general3A_13 = tpu.matmul %get3A_8, %get3A_11, %dot_general3A_12 {dimension_numbers = #tpu.dot_dimension_numbers<[1], [0], [0], [1], [0, 0, 1, 1], [], []>, transpose_lhs_hint = false} : vector<2000x64xf32>, vector<64x64xf32>, vector<2000x64xf32> -> vector<2000x64xf32>
    %add3A = arith.addf %dot_general3A_5, %dot_general3A_13 : vector<2000x64xf32>
    %get3A_14 = arith.constant 0 : index
    %get3A_15 = arith.constant 0 : index
    %get3A_16 = vector.load %arg3[%get3A_14, %get3A_15] : memref<2000x32xf32, #tpu.memory_space<vmem>>, vector<2000x32xf32>
    %get3A_17 = arith.constant 0 : index
    %get3A_18 = arith.constant 0 : index
    %get3A_19 = vector.load %arg6[%get3A_17, %get3A_18] : memref<32x64xf32, #tpu.memory_space<vmem>>, vector<32x64xf32>
    %dot_general3A_20 = arith.constant dense<0.000000e+00> : vector<2000x64xf32>
    %dot_general3A_21 = tpu.matmul %get3A_16, %get3A_19, %dot_general3A_20 {dimension_numbers = #tpu.dot_dimension_numbers<[1], [0], [0], [1], [0, 0, 1, 1], [], []>, transpose_lhs_hint = false} : vector<2000x32xf32>, vector<32x64xf32>, vector<2000x64xf32> -> vector<2000x64xf32>
    %add3A_22 = arith.addf %add3A, %dot_general3A_21 : vector<2000x64xf32>
    %get3A_23 = arith.constant 0 : index
    %get3A_24 = arith.constant 0 : index
    %get3A_25 = vector.load %arg7[%get3A_23, %get3A_24] : memref<1x64xf32, #tpu.memory_space<vmem>>, vector<1x64xf32>
    %add3A_26 = vector.broadcast %get3A_25 : vector<1x64xf32> to vector<2000x64xf32>
    %add3A_27 = arith.addf %add3A_22, %add3A_26 : vector<2000x64xf32>
    %swap3A = arith.constant 0 : index
    %swap3A_28 = arith.constant 0 : index
    %swap3A_29 = vector.load %arg8[%swap3A, %swap3A_28] : memref<2000x64xf32, #tpu.memory_space<vmem>>, vector<2000x64xf32>
    tpu.vector_store %arg8[%swap3A, %swap3A_28], %add3A_27 {strides = array<i32>} : memref<2000x64xf32, #tpu.memory_space<vmem>>, vector<2000x64xf32>,
    return
  }
  func.func @transform_0(%arg0: i32) -> (i32, i32) {
    %c0_i32 = arith.constant 0 : i32
    %c0_i32_0 = arith.constant 0 : i32
    return %arg0, %c0_i32 : i32, i32
  }
  func.func @transform_1(%arg0: i32) -> (i32, i32) {
    %c0_i32 = arith.constant 0 : i32
    %c0_i32_0 = arith.constant 0 : i32
    return %arg0, %c0_i32 : i32, i32
  }
  func.func @transform_2(%arg0: i32) -> (i32, i32) {
    %c0_i32 = arith.constant 0 : i32
    %c0_i32_0 = arith.constant 0 : i32
    return %arg0, %c0_i32 : i32, i32
  }
  func.func @transform_3(%arg0: i32) -> (i32, i32) {
    %c0_i32 = arith.constant 0 : i32
    %c0_i32_0 = arith.constant 0 : i32
    %c0_i32_1 = arith.constant 0 : i32
    return %c0_i32, %c0_i32_0 : i32, i32
  }
  func.func @transform_4(%arg0: i32) -> (i32, i32) {
    %c0_i32 = arith.constant 0 : i32
    %c0_i32_0 = arith.constant 0 : i32
    %c0_i32_1 = arith.constant 0 : i32
    return %c0_i32, %c0_i32_0 : i32, i32
  }
  func.func @transform_5(%arg0: i32) -> (i32, i32) {
    %c0_i32 = arith.constant 0 : i32
    %c0_i32_0 = arith.constant 0 : i32
    %c0_i32_1 = arith.constant 0 : i32
    return %c0_i32, %c0_i32_0 : i32, i32
  }
  func.func @transform_6(%arg0: i32) -> (i32, i32) {
    %c0_i32 = arith.constant 0 : i32
    %c0_i32_0 = arith.constant 0 : i32
    %c0_i32_1 = arith.constant 0 : i32
    return %c0_i32, %c0_i32_0 : i32, i32
  }
  func.func @transform_7(%arg0: i32) -> (i32, i32) {
    %c0_i32 = arith.constant 0 : i32
    %c0_i32_0 = arith.constant 0 : i32
    return %arg0, %c0_i32 : i32, i32
  }
}

module attributes {stable_mosaic.version = 14 : i64} {
  func.func @_sage_body(%arg0: i32, %arg1: memref<2000x64xf32, #tpu.memory_space<vmem>>, %arg2: memref<2000x1xf32, #tpu.memory_space<vmem>>, %arg3: memref<2000x64xf32, #tpu.memory_space<vmem>>, %arg4: memref<64x128xf32, #tpu.memory_space<vmem>>, %arg5: memref<64x128xf32, #tpu.memory_space<vmem>>, %arg6: memref<1x128xf32, #tpu.memory_space<vmem>>, %arg7: memref<2000x128xf32, #tpu.memory_space<vmem>>, %arg8: memref<1x128xf32, #tpu.memory_space<vmem>>, %arg9: memref<1x128xf32, #tpu.memory_space<vmem>>) attributes {dimension_semantics = [#tpu.dimension_semantics<arbitrary>], iteration_bounds = array<i64: 25>, scalar_prefetch = 0 : i64, scratch_operands = 0 : i64, tpu.core_type = #tpu.core_type<tc>, window_params = [{transform_indices = @transform_0, window_bounds = array<i64: 2000, 64>}, {transform_indices = @transform_1, window_bounds = array<i64: 2000, 1>}, {transform_indices = @transform_2, window_bounds = array<i64: 2000, 64>}, {pipeline_mode = #tpu.pipeline_mode<synchronous>, transform_indices = @transform_3, window_bounds = array<i64: 64, 128>}, {pipeline_mode = #tpu.pipeline_mode<synchronous>, transform_indices = @transform_4, window_bounds = array<i64: 64, 128>}, {pipeline_mode = #tpu.pipeline_mode<synchronous>, transform_indices = @transform_5, window_bounds = array<i64: 1, 128>}, {transform_indices = @transform_6, window_bounds = array<i64: 2000, 128>}, {pipeline_mode = #tpu.pipeline_mode<synchronous>, transform_indices = @transform_7, window_bounds = array<i64: 1, 128>}, {pipeline_mode = #tpu.pipeline_mode<synchronous>, transform_indices = @transform_8, window_bounds = array<i64: 1, 128>}]} {
    %get3A = arith.constant 0 : index
    %get3A_0 = arith.constant 0 : index
    %get3A_1 = vector.load %arg1[%get3A, %get3A_0] : memref<2000x64xf32, #tpu.memory_space<vmem>>, vector<2000x64xf32>
    %get3A_2 = arith.constant 0 : index
    %get3A_3 = arith.constant 0 : index
    %get3A_4 = vector.load %arg2[%get3A_2, %get3A_3] : memref<2000x1xf32, #tpu.memory_space<vmem>>, vector<2000x1xf32>
    %max3A = arith.constant 1.000000e+00 : f32
    %max3A_5 = vector.broadcast %max3A : f32 to vector<2000x1xf32>
    %max3A_6 = arith.maximumf %get3A_4, %max3A_5 : vector<2000x1xf32>
    %div3A = vector.broadcast %max3A_6 : vector<2000x1xf32> to vector<2000x64xf32>
    %div3A_7 = arith.divf %get3A_1, %div3A : vector<2000x64xf32>
    %get3A_8 = arith.constant 0 : index
    %get3A_9 = arith.constant 0 : index
    %get3A_10 = vector.load %arg4[%get3A_8, %get3A_9] : memref<64x128xf32, #tpu.memory_space<vmem>>, vector<64x128xf32>
    %dot_general3A = arith.constant dense<0.000000e+00> : vector<2000x128xf32>
    %dot_general3A_11 = tpu.matmul %div3A_7, %get3A_10, %dot_general3A {dimension_numbers = #tpu.dot_dimension_numbers<[1], [0], [0], [1], [0, 0, 1, 1], [], []>, transpose_lhs_hint = false} : vector<2000x64xf32>, vector<64x128xf32>, vector<2000x128xf32> -> vector<2000x128xf32>
    %get3A_12 = arith.constant 0 : index
    %get3A_13 = arith.constant 0 : index
    %get3A_14 = vector.load %arg3[%get3A_12, %get3A_13] : memref<2000x64xf32, #tpu.memory_space<vmem>>, vector<2000x64xf32>
    %get3A_15 = arith.constant 0 : index
    %get3A_16 = arith.constant 0 : index
    %get3A_17 = vector.load %arg5[%get3A_15, %get3A_16] : memref<64x128xf32, #tpu.memory_space<vmem>>, vector<64x128xf32>
    %dot_general3A_18 = arith.constant dense<0.000000e+00> : vector<2000x128xf32>
    %dot_general3A_19 = tpu.matmul %get3A_14, %get3A_17, %dot_general3A_18 {dimension_numbers = #tpu.dot_dimension_numbers<[1], [0], [0], [1], [0, 0, 1, 1], [], []>, transpose_lhs_hint = false} : vector<2000x64xf32>, vector<64x128xf32>, vector<2000x128xf32> -> vector<2000x128xf32>
    %add3A = arith.addf %dot_general3A_11, %dot_general3A_19 : vector<2000x128xf32>
    %get3A_20 = arith.constant 0 : index
    %get3A_21 = arith.constant 0 : index
    %get3A_22 = vector.load %arg6[%get3A_20, %get3A_21] : memref<1x128xf32, #tpu.memory_space<vmem>>, vector<1x128xf32>
    %add3A_23 = vector.broadcast %get3A_22 : vector<1x128xf32> to vector<2000x128xf32>
    %add3A_24 = arith.addf %add3A, %add3A_23 : vector<2000x128xf32>
    %swap3A = arith.constant 0 : index
    %swap3A_25 = arith.constant 0 : index
    %swap3A_26 = vector.load %arg7[%swap3A, %swap3A_25] : memref<2000x128xf32, #tpu.memory_space<vmem>>, vector<2000x128xf32>
    tpu.vector_store %arg7[%swap3A, %swap3A_25], %add3A_24 {strides = array<i32>} : memref<2000x128xf32, #tpu.memory_space<vmem>>, vector<2000x128xf32>,
    %eq3A = arith.constant 0 : i32
    %eq3A_27 = arith.cmpi eq, %arg0, %eq3A : i32
    %convert_element_type3A = arith.extui %eq3A_27 : i1 to i32
    %cond3A = arith.constant 0 : i32
    %cond3A_28 = arith.cmpi ne, %convert_element_type3A, %cond3A : i32
    scf.if %cond3A_28 {
      %broadcast_in_dim3A_47 = arith.constant 0.000000e+00 : f32
      %broadcast_in_dim3A_48 = vector.broadcast %broadcast_in_dim3A_47 : f32 to vector<1x128xf32>
      %swap3A_49 = arith.constant 0 : index
      %swap3A_50 = arith.constant 0 : index
      %swap3A_51 = vector.load %arg8[%swap3A_49, %swap3A_50] : memref<1x128xf32, #tpu.memory_space<vmem>>, vector<1x128xf32>
      tpu.vector_store %arg8[%swap3A_49, %swap3A_50], %broadcast_in_dim3A_48 {strides = array<i32>} : memref<1x128xf32, #tpu.memory_space<vmem>>, vector<1x128xf32>,
      %broadcast_in_dim3A_52 = arith.constant 0.000000e+00 : f32
      %broadcast_in_dim3A_53 = vector.broadcast %broadcast_in_dim3A_52 : f32 to vector<1x128xf32>
      %swap3A_54 = arith.constant 0 : index
      %swap3A_55 = arith.constant 0 : index
      %swap3A_56 = vector.load %arg9[%swap3A_54, %swap3A_55] : memref<1x128xf32, #tpu.memory_space<vmem>>, vector<1x128xf32>
      tpu.vector_store %arg9[%swap3A_54, %swap3A_55], %broadcast_in_dim3A_53 {strides = array<i32>} : memref<1x128xf32, #tpu.memory_space<vmem>>, vector<1x128xf32>,
    } else {
    }
    %get3A_29 = arith.constant 0 : index
    %get3A_30 = arith.constant 0 : index
    %get3A_31 = vector.load %arg8[%get3A_29, %get3A_30] : memref<1x128xf32, #tpu.memory_space<vmem>>, vector<1x128xf32>
    %reduce_sum3A = arith.constant dense<0.000000e+00> : vector<128xf32>
    %reduce_sum3A_32 = vector.multi_reduction <add>, %add3A_24, %reduce_sum3A [0] : vector<2000x128xf32> to vector<128xf32>
    %broadcast_in_dim3A = vector.shape_cast %reduce_sum3A_32 : vector<128xf32> to vector<1x128xf32>
    %add3A_33 = arith.addf %get3A_31, %broadcast_in_dim3A : vector<1x128xf32>
    %swap3A_34 = arith.constant 0 : index
    %swap3A_35 = arith.constant 0 : index
    %swap3A_36 = vector.load %arg8[%swap3A_34, %swap3A_35] : memref<1x128xf32, #tpu.memory_space<vmem>>, vector<1x128xf32>
    tpu.vector_store %arg8[%swap3A_34, %swap3A_35], %add3A_33 {strides = array<i32>} : memref<1x128xf32, #tpu.memory_space<vmem>>, vector<1x128xf32>,
    %get3A_37 = arith.constant 0 : index
    %get3A_38 = arith.constant 0 : index
    %get3A_39 = vector.load %arg9[%get3A_37, %get3A_38] : memref<1x128xf32, #tpu.memory_space<vmem>>, vector<1x128xf32>
    %mul3A = arith.mulf %add3A_24, %add3A_24 : vector<2000x128xf32>
    %reduce_sum3A_40 = arith.constant dense<0.000000e+00> : vector<128xf32>
    %reduce_sum3A_41 = vector.multi_reduction <add>, %mul3A, %reduce_sum3A_40 [0] : vector<2000x128xf32> to vector<128xf32>
    %broadcast_in_dim3A_42 = vector.shape_cast %reduce_sum3A_41 : vector<128xf32> to vector<1x128xf32>
    %add3A_43 = arith.addf %get3A_39, %broadcast_in_dim3A_42 : vector<1x128xf32>
    %swap3A_44 = arith.constant 0 : index
    %swap3A_45 = arith.constant 0 : index
    %swap3A_46 = vector.load %arg9[%swap3A_44, %swap3A_45] : memref<1x128xf32, #tpu.memory_space<vmem>>, vector<1x128xf32>
    tpu.vector_store %arg9[%swap3A_44, %swap3A_45], %add3A_43 {strides = array<i32>} : memref<1x128xf32, #tpu.memory_space<vmem>>, vector<1x128xf32>,
    return
  }
  func.func @transform_0(%arg0: i32) -> (i32, i32) {
    %c0_i32 = arith.constant 0 : i32
    %c0_i32_0 = arith.constant 0 : i32
    return %arg0, %c0_i32 : i32, i32
  }
  func.func @transform_1(%arg0: i32) -> (i32, i32) {
    %c0_i32 = arith.constant 0 : i32
    %c0_i32_0 = arith.constant 0 : i32
    return %arg0, %c0_i32 : i32, i32
  }
  func.func @transform_2(%arg0: i32) -> (i32, i32) {
    %c0_i32 = arith.constant 0 : i32
    %c0_i32_0 = arith.constant 0 : i32
    return %arg0, %c0_i32 : i32, i32
  }
  func.func @transform_3(%arg0: i32) -> (i32, i32) {
    %c0_i32 = arith.constant 0 : i32
    %c0_i32_0 = arith.constant 0 : i32
    %c0_i32_1 = arith.constant 0 : i32
    return %c0_i32, %c0_i32_0 : i32, i32
  }
  func.func @transform_4(%arg0: i32) -> (i32, i32) {
    %c0_i32 = arith.constant 0 : i32
    %c0_i32_0 = arith.constant 0 : i32
    %c0_i32_1 = arith.constant 0 : i32
    return %c0_i32, %c0_i32_0 : i32, i32
  }
  func.func @transform_5(%arg0: i32) -> (i32, i32) {
    %c0_i32 = arith.constant 0 : i32
    %c0_i32_0 = arith.constant 0 : i32
    %c0_i32_1 = arith.constant 0 : i32
    return %c0_i32, %c0_i32_0 : i32, i32
  }
  func.func @transform_6(%arg0: i32) -> (i32, i32) {
    %c0_i32 = arith.constant 0 : i32
    %c0_i32_0 = arith.constant 0 : i32
    return %arg0, %c0_i32 : i32, i32
  }
  func.func @transform_7(%arg0: i32) -> (i32, i32) {
    %c0_i32 = arith.constant 0 : i32
    %c0_i32_0 = arith.constant 0 : i32
    %c0_i32_1 = arith.constant 0 : i32
    return %c0_i32, %c0_i32_0 : i32, i32
  }
  func.func @transform_8(%arg0: i32) -> (i32, i32) {
    %c0_i32 = arith.constant 0 : i32
    %c0_i32_0 = arith.constant 0 : i32
    %c0_i32_1 = arith.constant 0 : i32
    return %c0_i32, %c0_i32_0 : i32, i32
  }
}

module attributes {stable_mosaic.version = 14 : i64} {
  func.func @_mid_body(%arg0: i32, %arg1: memref<2000x128xf32, #tpu.memory_space<vmem>>, %arg2: memref<1x128xf32, #tpu.memory_space<vmem>>, %arg3: memref<1x128xf32, #tpu.memory_space<vmem>>, %arg4: memref<128x64xf32, #tpu.memory_space<vmem>>, %arg5: memref<128x64xf32, #tpu.memory_space<vmem>>, %arg6: memref<1x64xf32, #tpu.memory_space<vmem>>, %arg7: memref<2000x64xf32, #tpu.memory_space<vmem>>, %arg8: memref<2000x64xf32, #tpu.memory_space<vmem>>) attributes {dimension_semantics = [#tpu.dimension_semantics<arbitrary>], iteration_bounds = array<i64: 25>, scalar_prefetch = 0 : i64, scratch_operands = 0 : i64, tpu.core_type = #tpu.core_type<tc>, window_params = [{transform_indices = @transform_0, window_bounds = array<i64: 2000, 128>}, {pipeline_mode = #tpu.pipeline_mode<synchronous>, transform_indices = @transform_1, window_bounds = array<i64: 1, 128>}, {pipeline_mode = #tpu.pipeline_mode<synchronous>, transform_indices = @transform_2, window_bounds = array<i64: 1, 128>}, {pipeline_mode = #tpu.pipeline_mode<synchronous>, transform_indices = @transform_3, window_bounds = array<i64: 128, 64>}, {pipeline_mode = #tpu.pipeline_mode<synchronous>, transform_indices = @transform_4, window_bounds = array<i64: 128, 64>}, {pipeline_mode = #tpu.pipeline_mode<synchronous>, transform_indices = @transform_5, window_bounds = array<i64: 1, 64>}, {transform_indices = @transform_6, window_bounds = array<i64: 2000, 64>}, {transform_indices = @transform_7, window_bounds = array<i64: 2000, 64>}]} {
    %get3A = arith.constant 0 : index
    %get3A_0 = arith.constant 0 : index
    %get3A_1 = vector.load %arg1[%get3A, %get3A_0] : memref<2000x128xf32, #tpu.memory_space<vmem>>, vector<2000x128xf32>
    %get3A_2 = arith.constant 0 : index
    %get3A_3 = arith.constant 0 : index
    %get3A_4 = vector.load %arg2[%get3A_2, %get3A_3] : memref<1x128xf32, #tpu.memory_space<vmem>>, vector<1x128xf32>
    %mul3A = vector.broadcast %get3A_4 : vector<1x128xf32> to vector<2000x128xf32>
    %mul3A_5 = arith.mulf %get3A_1, %mul3A : vector<2000x128xf32>
    %get3A_6 = arith.constant 0 : index
    %get3A_7 = arith.constant 0 : index
    %get3A_8 = vector.load %arg3[%get3A_6, %get3A_7] : memref<1x128xf32, #tpu.memory_space<vmem>>, vector<1x128xf32>
    %add3A = vector.broadcast %get3A_8 : vector<1x128xf32> to vector<2000x128xf32>
    %add3A_9 = arith.addf %mul3A_5, %add3A : vector<2000x128xf32>
    %gt3A = arith.constant 0.000000e+00 : f32
    %gt3A_10 = vector.broadcast %gt3A : f32 to vector<2000x128xf32>
    %gt3A_11 = arith.cmpf ogt, %add3A_9, %gt3A_10 : vector<2000x128xf32>
    %mul3A_12 = arith.constant 2.000000e-01 : f32
    %mul3A_13 = vector.broadcast %mul3A_12 : f32 to vector<2000x128xf32>
    %mul3A_14 = arith.mulf %mul3A_13, %add3A_9 : vector<2000x128xf32>
    %select_n3A = arith.select %gt3A_11, %add3A_9, %mul3A_14 : vector<2000x128xi1>, vector<2000x128xf32>
    %get3A_15 = arith.constant 0 : index
    %get3A_16 = arith.constant 0 : index
    %get3A_17 = vector.load %arg4[%get3A_15, %get3A_16] : memref<128x64xf32, #tpu.memory_space<vmem>>, vector<128x64xf32>
    %dot_general3A = arith.constant dense<0.000000e+00> : vector<2000x64xf32>
    %dot_general3A_18 = tpu.matmul %select_n3A, %get3A_17, %dot_general3A {dimension_numbers = #tpu.dot_dimension_numbers<[1], [0], [0], [1], [0, 0, 1, 1], [], []>, transpose_lhs_hint = false} : vector<2000x128xf32>, vector<128x64xf32>, vector<2000x64xf32> -> vector<2000x64xf32>
    %swap3A = arith.constant 0 : index
    %swap3A_19 = arith.constant 0 : index
    %swap3A_20 = vector.load %arg7[%swap3A, %swap3A_19] : memref<2000x64xf32, #tpu.memory_space<vmem>>, vector<2000x64xf32>
    tpu.vector_store %arg7[%swap3A, %swap3A_19], %dot_general3A_18 {strides = array<i32>} : memref<2000x64xf32, #tpu.memory_space<vmem>>, vector<2000x64xf32>,
    %get3A_21 = arith.constant 0 : index
    %get3A_22 = arith.constant 0 : index
    %get3A_23 = vector.load %arg5[%get3A_21, %get3A_22] : memref<128x64xf32, #tpu.memory_space<vmem>>, vector<128x64xf32>
    %dot_general3A_24 = arith.constant dense<0.000000e+00> : vector<2000x64xf32>
    %dot_general3A_25 = tpu.matmul %select_n3A, %get3A_23, %dot_general3A_24 {dimension_numbers = #tpu.dot_dimension_numbers<[1], [0], [0], [1], [0, 0, 1, 1], [], []>, transpose_lhs_hint = false} : vector<2000x128xf32>, vector<128x64xf32>, vector<2000x64xf32> -> vector<2000x64xf32>
    %get3A_26 = arith.constant 0 : index
    %get3A_27 = arith.constant 0 : index
    %get3A_28 = vector.load %arg6[%get3A_26, %get3A_27] : memref<1x64xf32, #tpu.memory_space<vmem>>, vector<1x64xf32>
    %add3A_29 = vector.broadcast %get3A_28 : vector<1x64xf32> to vector<2000x64xf32>
    %add3A_30 = arith.addf %dot_general3A_25, %add3A_29 : vector<2000x64xf32>
    %swap3A_31 = arith.constant 0 : index
    %swap3A_32 = arith.constant 0 : index
    %swap3A_33 = vector.load %arg8[%swap3A_31, %swap3A_32] : memref<2000x64xf32, #tpu.memory_space<vmem>>, vector<2000x64xf32>
    tpu.vector_store %arg8[%swap3A_31, %swap3A_32], %add3A_30 {strides = array<i32>} : memref<2000x64xf32, #tpu.memory_space<vmem>>, vector<2000x64xf32>,
    return
  }
  func.func @transform_0(%arg0: i32) -> (i32, i32) {
    %c0_i32 = arith.constant 0 : i32
    %c0_i32_0 = arith.constant 0 : i32
    return %arg0, %c0_i32 : i32, i32
  }
  func.func @transform_1(%arg0: i32) -> (i32, i32) {
    %c0_i32 = arith.constant 0 : i32
    %c0_i32_0 = arith.constant 0 : i32
    %c0_i32_1 = arith.constant 0 : i32
    return %c0_i32, %c0_i32_0 : i32, i32
  }
  func.func @transform_2(%arg0: i32) -> (i32, i32) {
    %c0_i32 = arith.constant 0 : i32
    %c0_i32_0 = arith.constant 0 : i32
    %c0_i32_1 = arith.constant 0 : i32
    return %c0_i32, %c0_i32_0 : i32, i32
  }
  func.func @transform_3(%arg0: i32) -> (i32, i32) {
    %c0_i32 = arith.constant 0 : i32
    %c0_i32_0 = arith.constant 0 : i32
    %c0_i32_1 = arith.constant 0 : i32
    return %c0_i32, %c0_i32_0 : i32, i32
  }
  func.func @transform_4(%arg0: i32) -> (i32, i32) {
    %c0_i32 = arith.constant 0 : i32
    %c0_i32_0 = arith.constant 0 : i32
    %c0_i32_1 = arith.constant 0 : i32
    return %c0_i32, %c0_i32_0 : i32, i32
  }
  func.func @transform_5(%arg0: i32) -> (i32, i32) {
    %c0_i32 = arith.constant 0 : i32
    %c0_i32_0 = arith.constant 0 : i32
    %c0_i32_1 = arith.constant 0 : i32
    return %c0_i32, %c0_i32_0 : i32, i32
  }
  func.func @transform_6(%arg0: i32) -> (i32, i32) {
    %c0_i32 = arith.constant 0 : i32
    %c0_i32_0 = arith.constant 0 : i32
    return %arg0, %c0_i32 : i32, i32
  }
  func.func @transform_7(%arg0: i32) -> (i32, i32) {
    %c0_i32 = arith.constant 0 : i32
    %c0_i32_0 = arith.constant 0 : i32
    return %arg0, %c0_i32 : i32, i32
  }
}

module attributes {stable_mosaic.version = 14 : i64} {
  func.func @_l1_body(%arg0: i32, %arg1: memref<2000x64xf32, #tpu.memory_space<vmem>>, %arg2: memref<2000x1xf32, #tpu.memory_space<vmem>>, %arg3: memref<2000x64xf32, #tpu.memory_space<vmem>>, %arg4: memref<2000x64xf32, #tpu.memory_space<vmem>>, %arg5: memref<1x64xf32, #tpu.memory_space<vmem>>, %arg6: memref<1x64xf32, #tpu.memory_space<vmem>>) attributes {dimension_semantics = [#tpu.dimension_semantics<arbitrary>], iteration_bounds = array<i64: 25>, scalar_prefetch = 0 : i64, scratch_operands = 0 : i64, tpu.core_type = #tpu.core_type<tc>, window_params = [{transform_indices = @transform_0, window_bounds = array<i64: 2000, 64>}, {transform_indices = @transform_1, window_bounds = array<i64: 2000, 1>}, {transform_indices = @transform_2, window_bounds = array<i64: 2000, 64>}, {transform_indices = @transform_3, window_bounds = array<i64: 2000, 64>}, {pipeline_mode = #tpu.pipeline_mode<synchronous>, transform_indices = @transform_4, window_bounds = array<i64: 1, 64>}, {pipeline_mode = #tpu.pipeline_mode<synchronous>, transform_indices = @transform_5, window_bounds = array<i64: 1, 64>}]} {
    %get3A = arith.constant 0 : index
    %get3A_0 = arith.constant 0 : index
    %get3A_1 = vector.load %arg1[%get3A, %get3A_0] : memref<2000x64xf32, #tpu.memory_space<vmem>>, vector<2000x64xf32>
    %get3A_2 = arith.constant 0 : index
    %get3A_3 = arith.constant 0 : index
    %get3A_4 = vector.load %arg2[%get3A_2, %get3A_3] : memref<2000x1xf32, #tpu.memory_space<vmem>>, vector<2000x1xf32>
    %max3A = arith.constant 1.000000e+00 : f32
    %max3A_5 = vector.broadcast %max3A : f32 to vector<2000x1xf32>
    %max3A_6 = arith.maximumf %get3A_4, %max3A_5 : vector<2000x1xf32>
    %div3A = vector.broadcast %max3A_6 : vector<2000x1xf32> to vector<2000x64xf32>
    %div3A_7 = arith.divf %get3A_1, %div3A : vector<2000x64xf32>
    %get3A_8 = arith.constant 0 : index
    %get3A_9 = arith.constant 0 : index
    %get3A_10 = vector.load %arg3[%get3A_8, %get3A_9] : memref<2000x64xf32, #tpu.memory_space<vmem>>, vector<2000x64xf32>
    %add3A = arith.addf %div3A_7, %get3A_10 : vector<2000x64xf32>
    %swap3A = arith.constant 0 : index
    %swap3A_11 = arith.constant 0 : index
    %swap3A_12 = vector.load %arg4[%swap3A, %swap3A_11] : memref<2000x64xf32, #tpu.memory_space<vmem>>, vector<2000x64xf32>
    tpu.vector_store %arg4[%swap3A, %swap3A_11], %add3A {strides = array<i32>} : memref<2000x64xf32, #tpu.memory_space<vmem>>, vector<2000x64xf32>,
    %eq3A = arith.constant 0 : i32
    %eq3A_13 = arith.cmpi eq, %arg0, %eq3A : i32
    %convert_element_type3A = arith.extui %eq3A_13 : i1 to i32
    %cond3A = arith.constant 0 : i32
    %cond3A_14 = arith.cmpi ne, %convert_element_type3A, %cond3A : i32
    scf.if %cond3A_14 {
      %broadcast_in_dim3A_33 = arith.constant 0.000000e+00 : f32
      %broadcast_in_dim3A_34 = vector.broadcast %broadcast_in_dim3A_33 : f32 to vector<1x64xf32>
      %swap3A_35 = arith.constant 0 : index
      %swap3A_36 = arith.constant 0 : index
      %swap3A_37 = vector.load %arg5[%swap3A_35, %swap3A_36] : memref<1x64xf32, #tpu.memory_space<vmem>>, vector<1x64xf32>
      tpu.vector_store %arg5[%swap3A_35, %swap3A_36], %broadcast_in_dim3A_34 {strides = array<i32>} : memref<1x64xf32, #tpu.memory_space<vmem>>, vector<1x64xf32>,
      %broadcast_in_dim3A_38 = arith.constant 0.000000e+00 : f32
      %broadcast_in_dim3A_39 = vector.broadcast %broadcast_in_dim3A_38 : f32 to vector<1x64xf32>
      %swap3A_40 = arith.constant 0 : index
      %swap3A_41 = arith.constant 0 : index
      %swap3A_42 = vector.load %arg6[%swap3A_40, %swap3A_41] : memref<1x64xf32, #tpu.memory_space<vmem>>, vector<1x64xf32>
      tpu.vector_store %arg6[%swap3A_40, %swap3A_41], %broadcast_in_dim3A_39 {strides = array<i32>} : memref<1x64xf32, #tpu.memory_space<vmem>>, vector<1x64xf32>,
    } else {
    }
    %get3A_15 = arith.constant 0 : index
    %get3A_16 = arith.constant 0 : index
    %get3A_17 = vector.load %arg5[%get3A_15, %get3A_16] : memref<1x64xf32, #tpu.memory_space<vmem>>, vector<1x64xf32>
    %reduce_sum3A = arith.constant dense<0.000000e+00> : vector<64xf32>
    %reduce_sum3A_18 = vector.multi_reduction <add>, %add3A, %reduce_sum3A [0] : vector<2000x64xf32> to vector<64xf32>
    %broadcast_in_dim3A = vector.shape_cast %reduce_sum3A_18 : vector<64xf32> to vector<1x64xf32>
    %add3A_19 = arith.addf %get3A_17, %broadcast_in_dim3A : vector<1x64xf32>
    %swap3A_20 = arith.constant 0 : index
    %swap3A_21 = arith.constant 0 : index
    %swap3A_22 = vector.load %arg5[%swap3A_20, %swap3A_21] : memref<1x64xf32, #tpu.memory_space<vmem>>, vector<1x64xf32>
    tpu.vector_store %arg5[%swap3A_20, %swap3A_21], %add3A_19 {strides = array<i32>} : memref<1x64xf32, #tpu.memory_space<vmem>>, vector<1x64xf32>,
    %get3A_23 = arith.constant 0 : index
    %get3A_24 = arith.constant 0 : index
    %get3A_25 = vector.load %arg6[%get3A_23, %get3A_24] : memref<1x64xf32, #tpu.memory_space<vmem>>, vector<1x64xf32>
    %mul3A = arith.mulf %add3A, %add3A : vector<2000x64xf32>
    %reduce_sum3A_26 = arith.constant dense<0.000000e+00> : vector<64xf32>
    %reduce_sum3A_27 = vector.multi_reduction <add>, %mul3A, %reduce_sum3A_26 [0] : vector<2000x64xf32> to vector<64xf32>
    %broadcast_in_dim3A_28 = vector.shape_cast %reduce_sum3A_27 : vector<64xf32> to vector<1x64xf32>
    %add3A_29 = arith.addf %get3A_25, %broadcast_in_dim3A_28 : vector<1x64xf32>
    %swap3A_30 = arith.constant 0 : index
    %swap3A_31 = arith.constant 0 : index
    %swap3A_32 = vector.load %arg6[%swap3A_30, %swap3A_31] : memref<1x64xf32, #tpu.memory_space<vmem>>, vector<1x64xf32>
    tpu.vector_store %arg6[%swap3A_30, %swap3A_31], %add3A_29 {strides = array<i32>} : memref<1x64xf32, #tpu.memory_space<vmem>>, vector<1x64xf32>,
    return
  }
  func.func @transform_0(%arg0: i32) -> (i32, i32) {
    %c0_i32 = arith.constant 0 : i32
    %c0_i32_0 = arith.constant 0 : i32
    return %arg0, %c0_i32 : i32, i32
  }
  func.func @transform_1(%arg0: i32) -> (i32, i32) {
    %c0_i32 = arith.constant 0 : i32
    %c0_i32_0 = arith.constant 0 : i32
    return %arg0, %c0_i32 : i32, i32
  }
  func.func @transform_2(%arg0: i32) -> (i32, i32) {
    %c0_i32 = arith.constant 0 : i32
    %c0_i32_0 = arith.constant 0 : i32
    return %arg0, %c0_i32 : i32, i32
  }
  func.func @transform_3(%arg0: i32) -> (i32, i32) {
    %c0_i32 = arith.constant 0 : i32
    %c0_i32_0 = arith.constant 0 : i32
    return %arg0, %c0_i32 : i32, i32
  }
  func.func @transform_4(%arg0: i32) -> (i32, i32) {
    %c0_i32 = arith.constant 0 : i32
    %c0_i32_0 = arith.constant 0 : i32
    %c0_i32_1 = arith.constant 0 : i32
    return %c0_i32, %c0_i32_0 : i32, i32
  }
  func.func @transform_5(%arg0: i32) -> (i32, i32) {
    %c0_i32 = arith.constant 0 : i32
    %c0_i32_0 = arith.constant 0 : i32
    %c0_i32_1 = arith.constant 0 : i32
    return %c0_i32, %c0_i32_0 : i32, i32
  }
}

module attributes {stable_mosaic.version = 14 : i64} {
  func.func @_final_body(%arg0: i32, %arg1: memref<2000x64xf32, #tpu.memory_space<vmem>>, %arg2: memref<2000x64xf32, #tpu.memory_space<vmem>>, %arg3: memref<1x64xf32, #tpu.memory_space<vmem>>, %arg4: memref<1x64xf32, #tpu.memory_space<vmem>>, %arg5: memref<2000x64xf32, #tpu.memory_space<vmem>>) attributes {dimension_semantics = [#tpu.dimension_semantics<arbitrary>], iteration_bounds = array<i64: 25>, scalar_prefetch = 0 : i64, scratch_operands = 0 : i64, tpu.core_type = #tpu.core_type<tc>, window_params = [{transform_indices = @transform_0, window_bounds = array<i64: 2000, 64>}, {transform_indices = @transform_1, window_bounds = array<i64: 2000, 64>}, {pipeline_mode = #tpu.pipeline_mode<synchronous>, transform_indices = @transform_2, window_bounds = array<i64: 1, 64>}, {pipeline_mode = #tpu.pipeline_mode<synchronous>, transform_indices = @transform_3, window_bounds = array<i64: 1, 64>}, {transform_indices = @transform_4, window_bounds = array<i64: 2000, 64>}]} {
    %get3A = arith.constant 0 : index
    %get3A_0 = arith.constant 0 : index
    %get3A_1 = vector.load %arg1[%get3A, %get3A_0] : memref<2000x64xf32, #tpu.memory_space<vmem>>, vector<2000x64xf32>
    %get3A_2 = arith.constant 0 : index
    %get3A_3 = arith.constant 0 : index
    %get3A_4 = vector.load %arg2[%get3A_2, %get3A_3] : memref<2000x64xf32, #tpu.memory_space<vmem>>, vector<2000x64xf32>
    %get3A_5 = arith.constant 0 : index
    %get3A_6 = arith.constant 0 : index
    %get3A_7 = vector.load %arg3[%get3A_5, %get3A_6] : memref<1x64xf32, #tpu.memory_space<vmem>>, vector<1x64xf32>
    %mul3A = vector.broadcast %get3A_7 : vector<1x64xf32> to vector<2000x64xf32>
    %mul3A_8 = arith.mulf %get3A_4, %mul3A : vector<2000x64xf32>
    %add3A = arith.addf %get3A_1, %mul3A_8 : vector<2000x64xf32>
    %get3A_9 = arith.constant 0 : index
    %get3A_10 = arith.constant 0 : index
    %get3A_11 = vector.load %arg4[%get3A_9, %get3A_10] : memref<1x64xf32, #tpu.memory_space<vmem>>, vector<1x64xf32>
    %add3A_12 = vector.broadcast %get3A_11 : vector<1x64xf32> to vector<2000x64xf32>
    %add3A_13 = arith.addf %add3A, %add3A_12 : vector<2000x64xf32>
    %swap3A = arith.constant 0 : index
    %swap3A_14 = arith.constant 0 : index
    %swap3A_15 = vector.load %arg5[%swap3A, %swap3A_14] : memref<2000x64xf32, #tpu.memory_space<vmem>>, vector<2000x64xf32>
    tpu.vector_store %arg5[%swap3A, %swap3A_14], %add3A_13 {strides = array<i32>} : memref<2000x64xf32, #tpu.memory_space<vmem>>, vector<2000x64xf32>,
    return
  }
  func.func @transform_0(%arg0: i32) -> (i32, i32) {
    %c0_i32 = arith.constant 0 : i32
    %c0_i32_0 = arith.constant 0 : i32
    return %arg0, %c0_i32 : i32, i32
  }
  func.func @transform_1(%arg0: i32) -> (i32, i32) {
    %c0_i32 = arith.constant 0 : i32
    %c0_i32_0 = arith.constant 0 : i32
    return %arg0, %c0_i32 : i32, i32
  }
  func.func @transform_2(%arg0: i32) -> (i32, i32) {
    %c0_i32 = arith.constant 0 : i32
    %c0_i32_0 = arith.constant 0 : i32
    %c0_i32_1 = arith.constant 0 : i32
    return %c0_i32, %c0_i32_0 : i32, i32
  }
  func.func @transform_3(%arg0: i32) -> (i32, i32) {
    %c0_i32 = arith.constant 0 : i32
    %c0_i32_0 = arith.constant 0 : i32
    %c0_i32_1 = arith.constant 0 : i32
    return %c0_i32, %c0_i32_0 : i32, i32
  }
  func.func @transform_4(%arg0: i32) -> (i32, i32) {
    %c0_i32 = arith.constant 0 : i32
    %c0_i32_0 = arith.constant 0 : i32
    return %arg0, %c0_i32 : i32, i32
  }
}

</mosaic_0001>

<sc_bundles>
// kernel: kernel.12.cloned.1.call-start
scs
__scs_entry_jumppad:
0x0: {  	(pc) =	sbr.rel $0x88, $3  }
0x1: {  	(tag) =	ssettag $0x0;
	lr =	simm.s32 $0x1  }
0x2: {  	[smem:$0x3F90] =	sst lr;
	_ =	strace $0xD0000000  }
0x3: {  	_ = 	snop  }
0x4: {  	_ = 	snop  }
0x5: {  	_ = 	snop  }
0x6: {  	_ = 	snop  }
0x7: {  	_ = 	snop  }
__scs_overlays_trampoline_lowered:
0x8: {  	[smem:$0x3F9F] =	sst s0  }
0x9: {  	[smem:$0x3FA0] =	sst s1  }
0xa: {  	[smem:$0x3FA1] =	sst s2  }
0xb: {  	[smem:$0x3FA2] =	sst s3  }
0xc: {  	[smem:$0x3FA3] =	sst s4  }
0xd: {  	[smem:$0x3FA4] =	sst s5  }
0xe: {  	[smem:$0x3FA5] =	sst s6  }
0xf: {  	[smem:$0x3FA6] =	sst s7  }
0x10: {  	[smem:$0x3FA7] =	sst s8  }
0x11: {  	[smem:$0x3FA8] =	sst s9;
	s0 =	simm.s32 @!p0 $0x0  }
0x12: {  	s1 =	sld [smem:$0x3F8E];
	s0 =	simm.s32 @p0 $0x1  }
0x13: {  	[smem:$0x3FA9] =	sst s0;
	s0 =	simm.s32 @!p1 $0x0  }
0x14: {  	s2 =	sld [smem:$0x3F8D];
	s0 =	simm.s32 @p1 $0x1  }
0x15: {  	[smem:$0x3FAA] =	sst s0;
	s0 =	simm.s32 @!p2 $0x0  }
0x16: {  	s3 =	sld [smem:$0x3FDB];
	s0 =	simm.s32 @p2 $0x1  }
0x17: {  	s4 =	simm.s32 $0x1BF5;
	[smem:$0x3FAC] =	sst s0  }
0x18: {  	s0 =	sld [smem:$0x3F8F];
	_ =	swait.ge [sflag:s4], $0x0  }
0x19: {  	s7 =	sld [smem:$0x3F90]  }
0x1a: {  	s8 =	sadd.s32 $0xFFFFE003, lr  }
0x1b: {  	s9 =	sadd.s32 $0xFFFFFEF7, lr;
	s5 =	simm.s32 $0xFFFFFFFF;
	p2 =	slt.u32 s8, $0xFFFFF086  }
0x1c: {  	p1 =	slt.u32 s9, $0xF7A;
	s5 =	simm.s32 @!p2 $0x0  }
0x1d: {  	s5 =	simm.s32 @p1 $0x1;
	p0 =	seq.s32 s7, s2  }
0x1e: {  	s7 =	smul.u32 @!p0 $0xF7A, s2;
	p2 =	seq.s32 @!p0 s5, $0x0  }
0x1f: {  	s9 =	smul.u32 $0xF7A, s1;
	s8 =	simm.s32 @!p0 $0x1BF5;
	p2 =	por !p2, p0  }
0x20: {  	[sflag:s8] =	ssyncset.s32 @!p0 $0xFFFFF086;
	s6 =	sadd.s32 @!p0 s3, s7;
	s7 =	simm.s32 @!p0 $0x108  }
0x21: {  	s3 =	sadd.s32 s3, s9;
	s6 =	sadd.s32 @!p0 $0x88, s6;
	s7 =	simm.s32 @p2 $0x1082  }
0x22: {  	[simem:s7], [sflag:s8] =	dma.local @!p0 [hbm:s6], $0xF7A  }
0x23: {  	s9 =	sor.u32 $0xD0000000, s2;
	s6 =	simm.s32 $0x108;
	_ =	swait.ge @!p0 [sflag:s8], $0x0  }
0x24: {  	s3 =	sadd.s32 $0x88, s3;
	s6 =	simm.s32 @!p1 $0x1082;
	[sflag:s4] =	ssyncset.s32 $0xFFFFF086  }
0x25: {  	[simem:s6], [sflag:s4] =	dma.local [hbm:s3], $0xF7A  }
0x26: {  	[smem:$0x3F90] =	sst s1;
	(tag) =	ssettag s2;
	_ =	strace s9  }
0x27: {  	s1 =	sld [smem:$0x3FA0]  }
0x28: {  	s2 =	sld [smem:$0x3FA1]  }
0x29: {  	s4 =	sld [smem:$0x3FA3]  }
0x2a: {  	p0 =	seq.s32 s5, $0x0;
	s5 =	sld [smem:$0x3FA4]  }
0x2b: {  	s6 =	sld [smem:$0x3FA5]  }
0x2c: {  	s7 =	sld [smem:$0x3FA6]  }
0x2d: {  	s3 =	simm.s32 $0x108;
	s8 =	sld [smem:$0x3FA7]  }
0x2e: {  	s3 =	simm.s32 @!p0 $0x1082;
	s9 =	sld [smem:$0x3FA8]  }
0x2f: {  	lr =	sadd.s32 s0, s3;
	s0 =	sld [smem:$0x3F9F]  }
0x30: {  	s3 =	sld [smem:$0x3FA2]  }
0x31: {  	[smem:$0x3FAB] =	sst s10  }
0x32: {  	s10 =	sld [smem:$0x3FA9];
	_ =	sdelay $0x3  }
0x33: {  	p0 =	seq.s32 s10, $0x1;
	s10 =	sld [smem:$0x3FAB];
	_ =	sdelay $0x3  }
0x34: {  	[smem:$0x3FAB] =	sst s10  }
0x35: {  	s10 =	sld [smem:$0x3FAA];
	_ =	sdelay $0x3  }
0x36: {  	p1 =	seq.s32 s10, $0x1;
	s10 =	sld [smem:$0x3FAB];
	_ =	sdelay $0x3  }
0x37: {  	[smem:$0x3FAB] =	sst s10  }
0x38: {  	s10 =	sld [smem:$0x3FAC]  }
0x39: {  	_ = 	snop;
	(pc) =	sbr.ind lr, $3  }
0x3a: {  	_ = 	snop  }
0x3b: {  	_ = 	snop  }
0x3c: {  	p2 =	seq.s32 s10, $0x1;
	s10 =	sld [smem:$0x3FAB]  }
0x3d: {  	_ =	shalt  }
0x3e: {  	_ =	shalt  }
0x3f: {  	_ =	shalt  }
0x40: {  	_ =	shalt  }
0x41: {  	_ =	shalt  }
0x42: {  	_ =	shalt  }
0x43: {  	_ =	shalt  }
0x44: {  	_ =	shalt  }
0x45: {  	_ =	shalt  }
0x46: {  	_ =	shalt  }
0x47: {  	_ =	shalt  }
0x48: {  	_ =	shalt  }
0x49: {  	_ =	shalt  }
0x4a: {  	_ =	shalt  }
0x4b: {  	_ =	shalt  }
0x4c: {  	_ =	shalt  }
0x4d: {  	_ =	shalt  }
0x4e: {  	_ =	shalt  }
0x4f: {  	_ =	shalt  }
0x50: {  	_ =	shalt  }
0x51: {  	_ =	shalt  }
0x52: {  	_ =	shalt  }
0x53: {  	_ =	shalt  }
0x54: {  	_ =	shalt  }
0x55: {  	_ =	shalt  }
0x56: {  	_ =	shalt  }
0x57: {  	_ =	shalt  }
0x58: {  	_ =	shalt  }
0x59: {  	_ =	shalt  }
0x5a: {  	_ =	shalt  }
0x5b: {  	_ =	shalt  }
0x5c: {  	_ =	shalt  }
0x5d: {  	_ =	shalt  }
0x5e: {  	_ =	shalt  }
0x5f: {  	_ =	shalt  }
0x60: {  	_ =	shalt  }
0x61: {  	_ =	shalt  }
0x62: {  	_ =	shalt  }
0x63: {  	_ =	shalt  }
0x64: {  	_ =	shalt  }
0x65: {  	_ =	shalt  }
0x66: {  	_ =	shalt  }
0x67: {  	_ =	shalt  }
0x68: {  	_ =	shalt  }
0x69: {  	_ =	shalt  }
0x6a: {  	_ =	shalt  }
0x6b: {  	_ =	shalt  }
0x6c: {  	_ =	shalt  }
0x6d: {  	_ =	shalt  }
0x6e: {  	_ =	shalt  }
0x6f: {  	_ =	shalt  }
0x70: {  	_ =	shalt  }
0x71: {  	_ =	shalt  }
0x72: {  	_ =	shalt  }
0x73: {  	_ =	shalt  }
0x74: {  	_ =	shalt  }
0x75: {  	_ =	shalt  }
0x76: {  	_ =	shalt  }
0x77: {  	_ =	shalt  }
0x78: {  	_ =	shalt  }
0x79: {  	_ =	shalt  }
0x7a: {  	_ =	shalt  }
0x7b: {  	_ =	shalt  }
0x7c: {  	_ =	shalt  }
0x7d: {  	_ =	shalt  }
0x7e: {  	_ =	shalt  }
0x7f: {  	_ =	shalt  }
0x80: {  	_ =	shalt  }
0x81: {  	_ =	shalt  }
0x82: {  	_ =	shalt  }
0x83: {  	_ =	shalt  }
0x84: {  	_ =	shalt  }
0x85: {  	_ =	shalt  }
0x86: {  	_ =	shalt  }
0x87: {  	_ =	shalt  }
.Lfunc_end0:
.L_simem_size_0:
called_computation.1_lowered:
.L_overlay_start_0:
0x88: {  	s2 =	sld [smem:$0x3FD9]  }
0x89: {  	s3 =	sld [smem:$0x3FFE];
	_ =	sdelay $0x1  }
0x8a: {  	s1 =	srdreg.scid  }
0x8b: {  	s0 =	sand.u32 $0x1, s1  }
0x8c: {  	s17 =	sshll.u32 s0, $0xA;
	s2 =	sadd.s32 s3, s2  }
0x8d: {  	s2 =	sadd.s32 s2, s17  }
0x8e: {  	[smem:$0x3FB7] =	sst s2  }
0x8f: {  	_ = 	snop  }
0x90: {  	s2 =	sld [smem:$0x3FD0];
	(tm) =	ssettm $0x1  }
0x91: {  	s18 =	sld [smem:$0x3FFB];
	_ =	sdelay $0x3  }
0x92: {  	_ =	strace s18  }
0x93: {  	s3 =	sld [smem:$0x3FFC];
	_ =	sdelay $0x3  }
0x94: {  	_ =	strace s3  }
0x95: {  	s3 =	sld [smem:$0x3FFD];
	_ =	sdelay $0x3  }
0x96: {  	_ =	strace s3  }
0x97: {  	_ =	strace $0x8FFFFFFF  }
0x98: {  	s19 =	sld [smem:$0x3FDB];
	_ =	sdelay $0x1  }
0x99: {  	s4 =	simm.s32 $_scs_section_size  }
0x9a: {  	s5 =	simm.s32 $_size__tile_overlayer_lowered;
	s6 =	simm.s32 $_tile_overlayer_lowered  }
0x9b: {  	s22 =	simm.s32 $0x1BFF;
	s21 =	sshll.u32 s6, $0x1;
	s3 =	sadd.s32 s4, s19  }
0x9c: {  	s7 =	simm.s32 $0x0;
	s20 =	sshll.u32 s5, $0x1;
	s5 =	sadd.s32 s21, s3  }
0x9d: {  	[timem:s7], [sflag:s22] =	dma.local [hbm:s5], s20  }
0x9e: {  	_ =	swait.ge [sflag:s22], s20  }
0x9f: {  	s4 =	ssub.s32 $0x0, s20;
	[sflag:s22] =	ssyncset.done $0x0  }
0xa0: {  	[sflag:s22] =	ssyncadd.s32 s4;
	_ =	sdelay $0x1  }
0xa1: {  	s23 =	simm.s32 $0x1B8B  }
0xa2: {  	_ =	swait.ge [sflag:s23], $0x1  }
0xa3: {  	[sflag:s23] =	ssyncset.done $0x0  }
0xa4: {  	s25 =	simm.s32 $0x1B8E;
	s24 =	sld [smem:$0x3FFE];
	[sflag:s23] =	ssyncadd.s32 $0xFFFFFFFF  }
0xa5: {  	s26 =	simm.s32 $execute0_lowered;
	[smem:$0x3FD2] =	sst s25  }
0xa6: {  	s5 =	sshll.u32 s26, $0x1;
	_ =	strace $0x80000049;
	[dreg:$0x1] =	wrdreg $0xFFFFFFFF  }
0xa7: {  	s28 =	simm.s32 $_size_execute0_lowered;
	s3 =	sadd.s32 s3, s5;
	[dreg:$0x0] =	wrdreg $0x0  }
0xa8: {  	s5 =	sshll.u32 s28, $0x1;
	[dreg:$0x2] =	wrdreg s3  }
0xa9: {  	[dreg:$0x3] =	wrdreg s5  }
0xaa: {  	[dreg:$0x4] =	wrdreg $0xC0  }
0xab: {  	_ =	task [dreg:s7], $0x5FFFF  }
0xac: {  	[dreg:$0x1] =	wrdreg $0xFFFFFFFF  }
0xad: {  	[dreg:$0x0] =	wrdreg $0x60  }
0xae: {  	[dreg:$0x2] =	wrdreg s2  }
0xaf: {  	[dreg:$0x3] =	wrdreg s24  }
0xb0: {  	[dreg:$0x4] =	wrdreg $0x52000  }
0xb1: {  	[dreg:$0x5] =	wrdreg $0x9  }
0xb2: {  	_ =	task.clear_ibuf [dreg:s7], $0x6FFFF;
	_ =	strace $0x90000049  }
0xb3: {  	s29 =	simm.s32 $0x9;
	_ =	strace $0x8000004B  }
0xb4: {  	_ =	swait.ge [sflag:s29], $0x1  }
0xb5: {  	[sflag:s29] =	ssyncadd.s32 $0xFFFFFFFF  }
0xb6: {  	_ =	strace $0x9000004B  }
0xb7: {  	_ =	sfence  }
0xb8: {  	s30 =	sld [smem:$0x0];
	_ =	sdelay $0x2  }
0xb9: {  	s31 =	sshll.u32 s1, $0xD;
	s1 =	sshrl.u32 s1, $0x2  }
0xba: {  	s3 =	sand.u32 $0x4000, s31;
	s1 =	sadd.s32 s1, s30  }
0xbb: {  	s0 =	sor.u32 s3, s0;
	s1 =	sshll.u32 s1, $0x11  }
0xbc: {  	s0 =	sor.u32 s1, s0  }
0xbd: {  	s0 =	sadd.s32 $0x8F2B, s0  }
0xbe: {  	[sflag:s0] =	ssyncadd.remote.s32 $0x1  }
0xbf: {  	_ =	sfence.sel $0xFFFF  }
0xc0: {  	[dreg:$0x0] =	wrdreg $0xFFFFFFFF;
	(pc) =	sbr.abs _section_cstart, $3  }
0xc1: {  	[dreg:$0x1] =	wrdreg $0xFFFFFFFF  }
0xc2: {  	_ =	task.clear_ibuf [dreg:s7], $0x2FFFF;
	_ =	strace $0x9FFFFFFF  }
0xc3: {  	(tm) =	ssettm $0x7FFFFFFF  }
tec
execute0_lowered:
.L_overlay_start_1:
0x0: {  	(tag) =	ssettag $0x1  }
0x1: {  	s1 =	rddreg [dreg:$0x0]  }
0x2: {  	s0 =	rddreg [dreg:$0x1]  }
0x3: {  	s3 =	rddreg [dreg:$0x2];
	s10 =	stileid.u32  }
0x4: {  	s2 =	srdreg.scid;
	s7 =	smul.u32 $0x3300, s10  }
0x5: {  	s4 =	simm.s32 $0x0;
	s2 =	sand.u32 $0x1, s2;
	s9 =	smul.u32 $0x66000, s10  }
0x6: {  	[smem:$0x7FF] =	sst s4;
	s5 =	sadd.s32 $0x1DA00, s0;
	s17 =	smul.u32 $0x186, s10  }
0x7: {  	s6 =	sadd.s32 $0x5200, s0;
	s20 =	smin.u32 s10, $0xA;
	s8 =	smul.u32 $0x33000, s2  }
0x8: {  	_ =	strace $0x8000004A;
	s26 =	ssub.s32 $0x2, s2;
	s17 =	sadd.s32 s20, s17  }
0x9: {  	s29 =	sshrl.u32 s26, $0x1;
	s7 =	sadd.s32 s7, s8;
	s8 =	sshll.u32 s17, $0x4  }
0xa: {  	s28 =	sshrl.u32 s9, $0x2;
	s30 =	ssub.s32 s26, s29;
	s21 =	sadd.s32 s5, s8  }
0xb: {  	s0 =	sadd.s32 s7, s0;
	s8 =	sadd.s32 s6, s8;
	[dreg:$0xd] =	wrdreg s21  }
0xc: {  	s7 =	sadd.s32 s28, s3;
	s22 =	smax.u32 s30, $0x1;
	[dreg:$0xe] =	wrdreg s8  }
0xd: {  	s31 =	sadd.s32 $0x1000, s7;
	[dreg:$0x10] =	wrdreg s22  }
0xe: {  	s9 =	sadd.s32 $0x2000, s7;
	[dreg:$0x4] =	wrdreg s31  }
0xf: {  	s11 =	sadd.s32 $0x3000, s7;
	[dreg:$0x5] =	wrdreg s9  }
0x10: {  	s12 =	sadd.s32 $0x4000, s7;
	[dreg:$0x6] =	wrdreg s11  }
0x11: {  	s14 =	sadd.s32 $0x5000, s7;
	[dreg:$0x7] =	wrdreg s12  }
0x12: {  	s15 =	sadd.s32 $0x6000, s7;
	[dreg:$0x8] =	wrdreg s14  }
0x13: {  	s18 =	sadd.s32 $0x7000, s7;
	[dreg:$0x9] =	wrdreg s15  }
0x14: {  	s13 =	smul.u32 $0x61A8, s2;
	s19 =	sadd.s32 $0x8000, s7;
	[dreg:$0xa] =	wrdreg s18  }
0x15: {  	p0 =	sgt.u32 s10, $0x9;
	s0 =	sadd.s32 $0x21EA00, s0;
	[dreg:$0xb] =	wrdreg s19  }
0x16: {  	s16 =	sadd.s32 $0x61A8, s13;
	s23 =	sadd.s32 $0xA000, s7;
	[dreg:$0xf] =	wrdreg s0  }
0x17: {  	v1 =	vmov s16;
	s16 =	simm.s32 $0x7;
	s24 =	sadd.s32 $0xB000, s7;
	[dreg:$0x11] =	wrdreg s23  }
0x18: {  	s25 =	sadd.s32 $0xC000, s7;
	s26 =	sadd.s32 $0xD000, s7;
	[dreg:$0x12] =	wrdreg s24  }
0x19: {  	s28 =	sadd.s32 $0xE000, s7;
	s29 =	sadd.s32 $0xF000, s7;
	[dreg:$0x13] =	wrdreg s25  }
0x1a: {  	s30 =	sadd.s32 $0x10000, s7;
	s2 =	sadd.s32 $0x12000, s7;
	[dreg:$0x14] =	wrdreg s26  }
0x1b: {  	s8 =	sadd.s32 $0x13000, s7;
	s10 =	sadd.s32 $0x15000, s7;
	[dreg:$0x15] =	wrdreg s28  }
0x1c: {  	v0 =	vmov s13;
	s13 =	sadd.s32 $0x18000, s7;
	s11 =	sadd.s32 $0x9000, s7;
	[dreg:$0x16] =	wrdreg s29  }
0x1d: {  	s18 =	simm.s32 $0x186;
	s9 =	simm.s32 $0x1;
	[dreg:$0x17] =	wrdreg s30  }
0x1e: {  	s31 =	sadd.s32 $0x11000, s7;
	s12 =	sadd.s32 $0x17000, s7;
	s14 =	sadd.s32 $0x19000, s7  }
0x1f: {  	s15 =	simm.s32 $0x4200;
	s19 =	simm.s32 $0x80;
	[dreg:$0xc] =	wrdreg s11  }
0x20: {  	v3 =	vlaneseq.u32;
	s18 =	simm.s32 @!p0 $0x187;
	s9 =	simm.s32 @!p0 $0x0;
	[dreg:$0x18] =	wrdreg s31  }
0x21: {  	v2 =	vimm.f32 $0.0e+00;
	v3 =	vadd.s32 $0x61A8, v3;
	s11 =	sadd.s32 $0x16000, s7;
	s21 =	sadd.s32 $0x5, s9;
	s9 =	sadd.s32 $0x14000, s7  }
.LBB2_1:
0x22: {  	s22 =	simm.s32 $0x100;
	s20 =	simm.s32 $0x0  }
.LBB2_2:
0x23: {  	p0 =	sne.s32 s22, $0x3F00;
	[tilespmem:s20+$0x4230] =	vst v2;
	s23 =	smov.u32 s22;
	s22 =	sadd.s32 $0x100, s22  }
.Ltmp0:
0x24: {  	[tilespmem:s20+$0x4220] =	vst v2;
	(pc) =	sbr.rel @p0 .LBB2_2-.Ltmp0, $3  }
0x25: {  	[tilespmem:s20+$0x4200] =	vst v2  }
0x26: {  	[tilespmem:s20+$0x4210] =	vst v2;
	_ =	sdelay $0x1  }
0x27: {  	s20 =	sshra.s32 s23, $0x2  }
0x28: {  	[tilespmem:s20+$0x4230] =	vst v2  }
0x29: {  	[tilespmem:s20+$0x4220] =	vst v2  }
0x2a: {  	[tilespmem:s20+$0x4200] =	vst v2  }
0x2b: {  	[tilespmem:s20+$0x4210] =	vst v2  }
0x2c: {  	[spmem:s7] =	stream.linear.scatter [tilespmem:s15], [sflag:$0x7], $0x1000, $0x38;
	[tilespmem:$0x1EA00] =	vst v63  }
0x2d: {  	_ =	swait.ge [sflag:s16], $0x1000  }
0x2e: {  	[sflag:s16] =	ssyncset.done $0x0  }
0x2f: {  	s0 =	rddreg [dreg:$0x4];
	[sflag:s16] =	ssyncadd.s32 $0xFFFFF000  }
0x30: {  	[spmem:s0] =	stream.linear.scatter [tilespmem:s15], [sflag:$0x7], $0x1000, $0x38;
	[tilespmem:$0x1EA00] =	vst v63  }
0x31: {  	_ =	swait.ge [sflag:s16], $0x1000  }
0x32: {  	[sflag:s16] =	ssyncset.done $0x0  }
0x33: {  	s23 =	rddreg [dreg:$0x5];
	[sflag:s16] =	ssyncadd.s32 $0xFFFFF000  }
0x34: {  	[spmem:s23] =	stream.linear.scatter [tilespmem:s15], [sflag:$0x7], $0x1000, $0x38;
	[tilespmem:$0x1EA00] =	vst v63  }
0x35: {  	_ =	swait.ge [sflag:s16], $0x1000  }
0x36: {  	[sflag:s16] =	ssyncset.done $0x0  }
0x37: {  	s24 =	rddreg [dreg:$0x6];
	[sflag:s16] =	ssyncadd.s32 $0xFFFFF000  }
0x38: {  	[spmem:s24] =	stream.linear.scatter [tilespmem:s15], [sflag:$0x7], $0x1000, $0x38;
	[tilespmem:$0x1EA00] =	vst v63  }
0x39: {  	_ =	swait.ge [sflag:s16], $0x1000  }
0x3a: {  	[sflag:s16] =	ssyncset.done $0x0  }
0x3b: {  	s25 =	rddreg [dreg:$0x7];
	[sflag:s16] =	ssyncadd.s32 $0xFFFFF000  }
0x3c: {  	[spmem:s25] =	stream.linear.scatter [tilespmem:s15], [sflag:$0x7], $0x1000, $0x38;
	[tilespmem:$0x1EA00] =	vst v63  }
0x3d: {  	_ =	swait.ge [sflag:s16], $0x1000  }
0x3e: {  	[sflag:s16] =	ssyncset.done $0x0  }
0x3f: {  	s26 =	rddreg [dreg:$0x8];
	[sflag:s16] =	ssyncadd.s32 $0xFFFFF000  }
0x40: {  	[spmem:s26] =	stream.linear.scatter [tilespmem:s15], [sflag:$0x7], $0x1000, $0x38;
	[tilespmem:$0x1EA00] =	vst v63  }
0x41: {  	_ =	swait.ge [sflag:s16], $0x1000  }
0x42: {  	[sflag:s16] =	ssyncset.done $0x0  }
0x43: {  	s28 =	rddreg [dreg:$0x9];
	[sflag:s16] =	ssyncadd.s32 $0xFFFFF000  }
0x44: {  	[spmem:s28] =	stream.linear.scatter [tilespmem:s15], [sflag:$0x7], $0x1000, $0x38;
	[tilespmem:$0x1EA00] =	vst v63  }
0x45: {  	_ =	swait.ge [sflag:s16], $0x1000  }
0x46: {  	[sflag:s16] =	ssyncset.done $0x0  }
0x47: {  	s29 =	rddreg [dreg:$0xa];
	[sflag:s16] =	ssyncadd.s32 $0xFFFFF000  }
0x48: {  	[spmem:s29] =	stream.linear.scatter [tilespmem:s15], [sflag:$0x7], $0x1000, $0x38;
	[tilespmem:$0x1EA00] =	vst v63  }
0x49: {  	_ =	swait.ge [sflag:s16], $0x1000  }
0x4a: {  	[sflag:s16] =	ssyncset.done $0x0  }
0x4b: {  	s30 =	rddreg [dreg:$0xb];
	[sflag:s16] =	ssyncadd.s32 $0xFFFFF000  }
0x4c: {  	[spmem:s30] =	stream.linear.scatter [tilespmem:s15], [sflag:$0x7], $0x1000, $0x38;
	[tilespmem:$0x1EA00] =	vst v63  }
0x4d: {  	_ =	swait.ge [sflag:s16], $0x1000  }
0x4e: {  	[sflag:s16] =	ssyncset.done $0x0  }
0x4f: {  	s31 =	rddreg [dreg:$0xc];
	[sflag:s16] =	ssyncadd.s32 $0xFFFFF000  }
0x50: {  	[spmem:s31] =	stream.linear.scatter [tilespmem:s15], [sflag:$0x7], $0x1000, $0x38;
	[tilespmem:$0x1EA00] =	vst v63  }
0x51: {  	_ =	swait.ge [sflag:s16], $0x1000  }
0x52: {  	[sflag:s16] =	ssyncset.done $0x0  }
0x53: {  	s20 =	rddreg [dreg:$0x11];
	[sflag:s16] =	ssyncadd.s32 $0xFFFFF000  }
0x54: {  	[spmem:s20] =	stream.linear.scatter [tilespmem:s15], [sflag:$0x7], $0x1000, $0x38;
	[tilespmem:$0x1EA00] =	vst v63  }
0x55: {  	_ =	swait.ge [sflag:s16], $0x1000  }
0x56: {  	[sflag:s16] =	ssyncset.done $0x0  }
0x57: {  	s22 =	rddreg [dreg:$0x12];
	[sflag:s16] =	ssyncadd.s32 $0xFFFFF000  }
0x58: {  	[spmem:s22] =	stream.linear.scatter [tilespmem:s15], [sflag:$0x7], $0x1000, $0x38;
	[tilespmem:$0x1EA00] =	vst v63  }
0x59: {  	_ =	swait.ge [sflag:s16], $0x1000  }
0x5a: {  	[sflag:s16] =	ssyncset.done $0x0  }
0x5b: {  	s23 =	rddreg [dreg:$0x13];
	[sflag:s16] =	ssyncadd.s32 $0xFFFFF000  }
0x5c: {  	[spmem:s23] =	stream.linear.scatter [tilespmem:s15], [sflag:$0x7], $0x1000, $0x38;
	[tilespmem:$0x1EA00] =	vst v63  }
0x5d: {  	_ =	swait.ge [sflag:s16], $0x1000  }
0x5e: {  	[sflag:s16] =	ssyncset.done $0x0  }
0x5f: {  	s24 =	rddreg [dreg:$0x14];
	[sflag:s16] =	ssyncadd.s32 $0xFFFFF000  }
0x60: {  	[spmem:s24] =	stream.linear.scatter [tilespmem:s15], [sflag:$0x7], $0x1000, $0x38;
	[tilespmem:$0x1EA00] =	vst v63  }
0x61: {  	_ =	swait.ge [sflag:s16], $0x1000  }
0x62: {  	[sflag:s16] =	ssyncset.done $0x0  }
0x63: {  	s25 =	rddreg [dreg:$0x15];
	[sflag:s16] =	ssyncadd.s32 $0xFFFFF000  }
0x64: {  	[spmem:s25] =	stream.linear.scatter [tilespmem:s15], [sflag:$0x7], $0x1000, $0x38;
	[tilespmem:$0x1EA00] =	vst v63  }
0x65: {  	_ =	swait.ge [sflag:s16], $0x1000  }
0x66: {  	[sflag:s16] =	ssyncset.done $0x0  }
0x67: {  	s26 =	rddreg [dreg:$0x16];
	[sflag:s16] =	ssyncadd.s32 $0xFFFFF000  }
0x68: {  	[spmem:s26] =	stream.linear.scatter [tilespmem:s15], [sflag:$0x7], $0x1000, $0x38;
	[tilespmem:$0x1EA00] =	vst v63  }
0x69: {  	_ =	swait.ge [sflag:s16], $0x1000  }
0x6a: {  	[sflag:s16] =	ssyncset.done $0x0  }
0x6b: {  	s28 =	rddreg [dreg:$0x17];
	[sflag:s16] =	ssyncadd.s32 $0xFFFFF000  }
0x6c: {  	[spmem:s28] =	stream.linear.scatter [tilespmem:s15], [sflag:$0x7], $0x1000, $0x38;
	[tilespmem:$0x1EA00] =	vst v63  }
0x6d: {  	_ =	swait.ge [sflag:s16], $0x1000  }
0x6e: {  	[sflag:s16] =	ssyncset.done $0x0  }
0x6f: {  	s29 =	rddreg [dreg:$0x18];
	[sflag:s16] =	ssyncadd.s32 $0xFFFFF000  }
0x70: {  	[spmem:s29] =	stream.linear.scatter [tilespmem:s15], [sflag:$0x7], $0x1000, $0x38;
	[tilespmem:$0x1EA00] =	vst v63  }
0x71: {  	_ =	swait.ge [sflag:s16], $0x1000  }
0x72: {  	[sflag:s16] =	ssyncset.done $0x0  }
0x73: {  	[sflag:s16] =	ssyncadd.s32 $0xFFFFF000  }
0x74: {  	[spmem:s2] =	stream.linear.scatter [tilespmem:s15], [sflag:$0x7], $0x1000, $0x38;
	[tilespmem:$0x1EA00] =	vst v63  }
0x75: {  	_ =	swait.ge [sflag:s16], $0x1000  }
0x76: {  	[sflag:s16] =	ssyncset.done $0x0  }
0x77: {  	[sflag:s16] =	ssyncadd.s32 $0xFFFFF000  }
0x78: {  	[spmem:s8] =	stream.linear.scatter [tilespmem:s15], [sflag:$0x7], $0x1000, $0x38;
	[tilespmem:$0x1EA00] =	vst v63  }
0x79: {  	_ =	swait.ge [sflag:s16], $0x1000  }
0x7a: {  	[sflag:s16] =	ssyncset.done $0x0  }
0x7b: {  	[sflag:s16] =	ssyncadd.s32 $0xFFFFF000  }
0x7c: {  	[spmem:s9] =	stream.linear.scatter [tilespmem:s15], [sflag:$0x7], $0x1000, $0x38;
	[tilespmem:$0x1EA00] =	vst v63  }
0x7d: {  	_ =	swait.ge [sflag:s16], $0x1000  }
0x7e: {  	[sflag:s16] =	ssyncset.done $0x0  }
0x7f: {  	[sflag:s16] =	ssyncadd.s32 $0xFFFFF000  }
0x80: {  	[spmem:s10] =	stream.linear.scatter [tilespmem:s15], [sflag:$0x7], $0x1000, $0x38;
	[tilespmem:$0x1EA00] =	vst v63  }
0x81: {  	_ =	swait.ge [sflag:s16], $0x1000  }
0x82: {  	[sflag:s16] =	ssyncset.done $0x0  }
0x83: {  	[sflag:s16] =	ssyncadd.s32 $0xFFFFF000  }
0x84: {  	[spmem:s11] =	stream.linear.scatter [tilespmem:s15], [sflag:$0x7], $0x1000, $0x38;
	[tilespmem:$0x1EA00] =	vst v63  }
0x85: {  	_ =	swait.ge [sflag:s16], $0x1000  }
0x86: {  	[sflag:s16] =	ssyncset.done $0x0  }
0x87: {  	[sflag:s16] =	ssyncadd.s32 $0xFFFFF000  }
0x88: {  	[spmem:s12] =	stream.linear.scatter [tilespmem:s15], [sflag:$0x7], $0x1000, $0x38;
	[tilespmem:$0x1EA00] =	vst v63  }
0x89: {  	_ =	swait.ge [sflag:s16], $0x1000  }
0x8a: {  	[sflag:s16] =	ssyncset.done $0x0  }
0x8b: {  	[sflag:s16] =	ssyncadd.s32 $0xFFFFF000  }
0x8c: {  	[spmem:s13] =	stream.linear.scatter [tilespmem:s15], [sflag:$0x7], $0x1000, $0x38;
	[tilespmem:$0x1EA00] =	vst v63  }
0x8d: {  	_ =	swait.ge [sflag:s16], $0x1000  }
0x8e: {  	[sflag:s16] =	ssyncset.done $0x0  }
0x8f: {  	[sflag:s16] =	ssyncadd.s32 $0xFFFFF000  }
0x90: {  	[spmem:s14] =	stream.linear.scatter [tilespmem:s15], [sflag:$0x7], $0x800, $0x38;
	[tilespmem:$0x1EA00] =	vst v63  }
0x91: {  	_ =	swait.ge [sflag:s16], $0x800  }
0x92: {  	[sflag:s16] =	ssyncset.done $0x0  }
0x93: {  	[sflag:s16] =	ssyncadd.s32 $0xFFFFF800  }
0x94: {  	[bflag:$0x0] =	sbarrier.arrive $0xFFFF  }
0x95: {  	s20 =	simm.s32 $0x0;
	s30 =	rddreg [dreg:$0xd]  }
0x96: {  	[tilespmem:s20], [sflag:$0x1] =	stream.linear.gather [hbm4b:s30+s20], $0x80, $0x38;
	[tilespmem:$0x1EA00] =	vst v63  }
0x97: {  	p0 =	por $0x0, $0x0;
	s22 =	simm.s32 $0x100;
	s31 =	rddreg [dreg:$0xe]  }
0x98: {  	[tilespmem:s22], [sflag:$0x1] =	stream.linear.gather [hbm4b:s31+s20], $0x80, $0x38;
	[tilespmem:$0x1EA00] =	vst v63  }
.LBB2_4:
0x99: {  	s22 =	sand.u32 $0x1, s20  }
0x9a: {  	s23 =	sadd.s32 $0x1, s22  }
0x9b: {  	_ =	swait.ge [sflag:s23], $0x80  }
0x9c: {  	p2 =	seq.s32 s20, $0x0;
	[sflag:s23] =	ssyncset.done $0x0  }
0x9d: {  	s20 =	sadd.s32 $0x1, s20;
	s25 =	sshll.u32 s22, $0x7;
	[sflag:s23] =	ssyncadd.s32 $0xFFFFFF80  }
0x9e: {  	s24 =	sshll.u32 s22, $0xD;
	s26 =	sxor.u32 $0x1, s22;
	_ =	swait.ge [sflag:s23], $0x80  }
0x9f: {  	p1 =	sge.u32 s20, s18;
	s28 =	sadd.s32 @!p2 $0x5, s26;
	[sflag:s23] =	ssyncset.done $0x0  }
0xa0: {  	[sflag:s23] =	ssyncadd.s32 $0xFFFFFF80;
	s23 =	sor.u32 $0x200, s24;
	s24 =	sadd.s32 $0x3, s22  }
0xa1: {  	[tilespmem:s23], [sflag:s24] =	stream.indirect.gather [hbm4b:s1+s19], $0x40, s25, s19, $0xb8;
	[tilespmem:$0x1EA00] =	vst v63  }
0xa2: {  	s29 =	sadd.s32 @!p1 s17, s20;
	s30 =	sadd.s32 @!p1 $0x1, s26;
	_ =	swait.ge @!p2 [sflag:s28], $0x2000  }
0xa3: {  	s26 =	sshll.u32 @!p1 s26, $0x7;
	s29 =	sshll.u32 @!p1 s29, $0x4;
	[sflag:s28] =	ssyncset.done @!p2 $0x0  }
0xa4: {  	s29 =	sand.u32 @!p1 $0x1FFFFFF0, s29;
	[sflag:s28] =	ssyncadd.s32 @!p2 $0xFFFFE000;
	s28 =	simm.s32 $0x1  }
0xa5: {  	s0 =	simm.s32 @!p1 $0x0;
	s31 =	sadd.s32 @!p1 s5, s29;
	s28 =	simm.s32 @!p0 $0x0  }
0xa6: {  	[tilespmem:s26], [sflag:s30] =	stream.linear.gather @!p1 [hbm4b:s31+s0], $0x80, $0x38;
	[tilespmem:$0x1EA00] =	vst v63  }
0xa7: {  	s29 =	sadd.s32 @!p1 s6, s29;
	s26 =	sor.u32 @!p1 $0x100, s26;
	s28 =	sshll.u32 s28, $0x7  }
0xa8: {  	[tilespmem:s26], [sflag:s30] =	stream.linear.gather @!p1 [hbm4b:s29+s0], $0x80, $0x38;
	[tilespmem:$0x1EA00] =	vst v63  }
0xa9: {  	s26 =	sor.u32 $0x100, s28  }
0xaa: {  	s25 =	sor.u32 $0x100, s25;
	s29 =	simm.s32 $0x10;
	s28 =	simm.s32 $0x0;
	v4 =	vld [tilespmem:s26+$0x0]  }
.LBB2_5:
0xab: {  	p1 =	sne.s32 s29, $0x70;
	_ =	sdelay $0x3  }
.Ltmp1:
0xac: {  	vm0 =	vge.s32 v4, v0;
	vm1 =	vlt.s32 v4, v1;
	(pc) =	sbr.rel @p1 .LBB2_5-.Ltmp1, $4  }
0xad: {  	v5 =	vadd.s32 s28, v3;
	s28 =	smov.u32 s29;
	v4 =	vsub.s32 v4, v0;
	vm0 =	vmand vm0, vm1  }
0xae: {  	v4 =	vsel vm0, v4, v5  }
0xaf: {  	[tilespmem:s26+$0x0] =	vst v4;
	s26 =	sadd.s32 $0x10, s26  }
0xb0: {  	s29 =	sadd.s32 $0x10, s29;
	v4 =	vld [tilespmem:s26+$0x0]  }
0xb1: {  	_ =	sdelay $0x3  }
0xb2: {  	vm0 =	vge.s32 v4, v0;
	vm1 =	vlt.s32 v4, v1  }
0xb3: {  	v5 =	vadd.s32 s28, v3;
	v4 =	vsub.s32 v4, v0;
	vm0 =	vmand vm0, vm1  }
0xb4: {  	p1 =	sne.s32 s20, s18;
	v4 =	vsel vm0, v4, v5  }
.Ltmp2:
0xb5: {  	[tilespmem:s26+$0x0] =	vst v4;
	(pc) =	sbr.rel @p1 .LBB2_4-.Ltmp2, $4  }
0xb6: {  	_ =	swait.ge [sflag:s24], $0x2000  }
0xb7: {  	[sflag:s24] =	ssyncset.done $0x0  }
0xb8: {  	s0 =	sadd.s32 $0x5, s22;
	p0 =	por !p0, !p0;
	[sflag:s24] =	ssyncadd.s32 $0xFFFFE000  }
0xb9: {  	[spmem:s3] =	stream.indirect.scatter.add.f32 [tilespmem:s23], [sflag:s0], $0x40, s25, s19, $0xb8;
	[tilespmem:$0x1EA00] =	vst v63  }
0xba: {  	_ =	swait.ge [sflag:s21], $0x2000  }
0xbb: {  	[sflag:s21] =	ssyncset.done $0x0  }
0xbc: {  	s0 =	stileid.u32;
	[sflag:s21] =	ssyncadd.s32 $0xFFFFE000  }
0xbd: {  	s0 =	sshll.u32 s0, $0x6;
	[bflag:$0x0] =	sbarrier.arrive $0xFFFF  }
0xbe: {  	s20 =	sshrl.u32 s7, $0x3;
	s0 =	sor.u32 $0x1C07, s0;
	s22 =	rddreg [dreg:$0xf]  }
0xbf: {  	[hbm:s22], [sflag:s0] =	dma.local [spmem:s20], $0x3300  }
0xc0: {  	_ =	swait.ge [sflag:s16], $0x3300  }
0xc1: {  	s4 =	sadd.s32 $0x1, s4;
	s31 =	rddreg [dreg:$0x10]  }
0xc2: {  	p0 =	sne.s32 s4, s31  }
.Ltmp3:
0xc3: {  	_ = 	snop;
	(pc) =	sbr.rel @p0 .LBB2_1-.Ltmp3, $3  }
0xc4: {  	_ =	sdelay $0x1  }
0xc5: {  	[sflag:s16] =	ssyncset.done $0x0  }
0xc6: {  	[sflag:s16] =	ssyncadd.s32 $0xFFFFCD00  }
0xc7: {  	_ =	sfence.sel $0x180000  }
0xc8: {  	[bflag:$0x0] =	sbarrier.arrive $0xFFFF  }
0xc9: {  	_ =	strace $0x9000004A  }
0xca: {  	s0 =	stileid.u32;
	[bflag:$0x2] =	sbarrier.arrive $0xFFFF  }
0xcb: {  	p0 =	sne.s32 s0, $0x0;
	s0 =	rddreg [dreg:$0x3]  }
0xcc: {  	s0 =	sadd.s32 @!p0 $0x100000, s0  }
0xcd: {  	[sflag:s0] =	ssyncadd.tile.s32 @!p0 $0x1;
	_ =	shalt  }
.Lfunc_end2:
_tile_overlayer_lowered:
.L_overlay_start_2:
0xce: {  	(tag) =	ssettag $0x2  }
0xcf: {  	s0 =	rddreg [dreg:$0x0];
	s2 =	stileid.u32  }
0xd0: {  	s1 =	rddreg [dreg:$0x1];
	p0 =	sne.s32 s2, $0x0  }
0xd1: {  	s3 =	rddreg [dreg:$0x2];
	[bflag:$0x3] =	sbarrier.arrive $0xFFFF;
	s2 =	simm.s32 @!p0 $0x1C07  }
0xd2: {  	[timem:s3], [sflag:s2] =	dma.local @!p0 [hbm:s0], s1  }
0xd3: {  	s0 =	simm.s32 @!p0 $0x7  }
0xd4: {  	_ =	swait.ge @!p0 [sflag:s0], s1  }
0xd5: {  	s1 =	ssub.s32 @!p0 $0x0, s1;
	[sflag:s0] =	ssyncset.done @!p0 $0x0  }
0xd6: {  	[sflag:s0] =	ssyncadd.s32 @!p0 s1  }
0xd7: {  	[bflag:$0x3] =	sbarrier.arrive $0xFFFF  }
0xd8: {  	_ =	shalt  }

// kernel: kernel.9.cloned.1.call-start
scs
__scs_entry_jumppad:
0x0: {  	(pc) =	sbr.rel $0x88, $3  }
0x1: {  	(tag) =	ssettag $0x0;
	lr =	simm.s32 $0x1  }
0x2: {  	[smem:$0x3F90] =	sst lr;
	_ =	strace $0xD0000000  }
0x3: {  	_ = 	snop  }
0x4: {  	_ = 	snop  }
0x5: {  	_ = 	snop  }
0x6: {  	_ = 	snop  }
0x7: {  	_ = 	snop  }
__scs_overlays_trampoline_lowered:
0x8: {  	[smem:$0x3F9F] =	sst s0  }
0x9: {  	[smem:$0x3FA0] =	sst s1  }
0xa: {  	[smem:$0x3FA1] =	sst s2  }
0xb: {  	[smem:$0x3FA2] =	sst s3  }
0xc: {  	[smem:$0x3FA3] =	sst s4  }
0xd: {  	[smem:$0x3FA4] =	sst s5  }
0xe: {  	[smem:$0x3FA5] =	sst s6  }
0xf: {  	[smem:$0x3FA6] =	sst s7  }
0x10: {  	[smem:$0x3FA7] =	sst s8  }
0x11: {  	[smem:$0x3FA8] =	sst s9;
	s0 =	simm.s32 @!p0 $0x0  }
0x12: {  	s1 =	sld [smem:$0x3F8E];
	s0 =	simm.s32 @p0 $0x1  }
0x13: {  	[smem:$0x3FA9] =	sst s0;
	s0 =	simm.s32 @!p1 $0x0  }
0x14: {  	s2 =	sld [smem:$0x3F8D];
	s0 =	simm.s32 @p1 $0x1  }
0x15: {  	[smem:$0x3FAA] =	sst s0;
	s0 =	simm.s32 @!p2 $0x0  }
0x16: {  	s3 =	sld [smem:$0x3FDB];
	s0 =	simm.s32 @p2 $0x1  }
0x17: {  	s4 =	simm.s32 $0x1BF5;
	[smem:$0x3FAC] =	sst s0  }
0x18: {  	s0 =	sld [smem:$0x3F8F];
	_ =	swait.ge [sflag:s4], $0x0  }
0x19: {  	s7 =	sld [smem:$0x3F90]  }
0x1a: {  	s8 =	sadd.s32 $0xFFFFE003, lr  }
0x1b: {  	s9 =	sadd.s32 $0xFFFFFEF7, lr;
	s5 =	simm.s32 $0xFFFFFFFF;
	p2 =	slt.u32 s8, $0xFFFFF086  }
0x1c: {  	p1 =	slt.u32 s9, $0xF7A;
	s5 =	simm.s32 @!p2 $0x0  }
0x1d: {  	s5 =	simm.s32 @p1 $0x1;
	p0 =	seq.s32 s7, s2  }
0x1e: {  	s7 =	smul.u32 @!p0 $0xF7A, s2;
	p2 =	seq.s32 @!p0 s5, $0x0  }
0x1f: {  	s9 =	smul.u32 $0xF7A, s1;
	s8 =	simm.s32 @!p0 $0x1BF5;
	p2 =	por !p2, p0  }
0x20: {  	[sflag:s8] =	ssyncset.s32 @!p0 $0xFFFFF086;
	s6 =	sadd.s32 @!p0 s3, s7;
	s7 =	simm.s32 @!p0 $0x108  }
0x21: {  	s3 =	sadd.s32 s3, s9;
	s6 =	sadd.s32 @!p0 $0x88, s6;
	s7 =	simm.s32 @p2 $0x1082  }
0x22: {  	[simem:s7], [sflag:s8] =	dma.local @!p0 [hbm:s6], $0xF7A  }
0x23: {  	s9 =	sor.u32 $0xD0000000, s2;
	s6 =	simm.s32 $0x108;
	_ =	swait.ge @!p0 [sflag:s8], $0x0  }
0x24: {  	s3 =	sadd.s32 $0x88, s3;
	s6 =	simm.s32 @!p1 $0x1082;
	[sflag:s4] =	ssyncset.s32 $0xFFFFF086  }
0x25: {  	[simem:s6], [sflag:s4] =	dma.local [hbm:s3], $0xF7A  }
0x26: {  	[smem:$0x3F90] =	sst s1;
	(tag) =	ssettag s2;
	_ =	strace s9  }
0x27: {  	s1 =	sld [smem:$0x3FA0]  }
0x28: {  	s2 =	sld [smem:$0x3FA1]  }
0x29: {  	s4 =	sld [smem:$0x3FA3]  }
0x2a: {  	p0 =	seq.s32 s5, $0x0;
	s5 =	sld [smem:$0x3FA4]  }
0x2b: {  	s6 =	sld [smem:$0x3FA5]  }
0x2c: {  	s7 =	sld [smem:$0x3FA6]  }
0x2d: {  	s3 =	simm.s32 $0x108;
	s8 =	sld [smem:$0x3FA7]  }
0x2e: {  	s3 =	simm.s32 @!p0 $0x1082;
	s9 =	sld [smem:$0x3FA8]  }
0x2f: {  	lr =	sadd.s32 s0, s3;
	s0 =	sld [smem:$0x3F9F]  }
0x30: {  	s3 =	sld [smem:$0x3FA2]  }
0x31: {  	[smem:$0x3FAB] =	sst s10  }
0x32: {  	s10 =	sld [smem:$0x3FA9];
	_ =	sdelay $0x3  }
0x33: {  	p0 =	seq.s32 s10, $0x1;
	s10 =	sld [smem:$0x3FAB];
	_ =	sdelay $0x3  }
0x34: {  	[smem:$0x3FAB] =	sst s10  }
0x35: {  	s10 =	sld [smem:$0x3FAA];
	_ =	sdelay $0x3  }
0x36: {  	p1 =	seq.s32 s10, $0x1;
	s10 =	sld [smem:$0x3FAB];
	_ =	sdelay $0x3  }
0x37: {  	[smem:$0x3FAB] =	sst s10  }
0x38: {  	s10 =	sld [smem:$0x3FAC]  }
0x39: {  	_ = 	snop;
	(pc) =	sbr.ind lr, $3  }
0x3a: {  	_ = 	snop  }
0x3b: {  	_ = 	snop  }
0x3c: {  	p2 =	seq.s32 s10, $0x1;
	s10 =	sld [smem:$0x3FAB]  }
0x3d: {  	_ =	shalt  }
0x3e: {  	_ =	shalt  }
0x3f: {  	_ =	shalt  }
0x40: {  	_ =	shalt  }
0x41: {  	_ =	shalt  }
0x42: {  	_ =	shalt  }
0x43: {  	_ =	shalt  }
0x44: {  	_ =	shalt  }
0x45: {  	_ =	shalt  }
0x46: {  	_ =	shalt  }
0x47: {  	_ =	shalt  }
0x48: {  	_ =	shalt  }
0x49: {  	_ =	shalt  }
0x4a: {  	_ =	shalt  }
0x4b: {  	_ =	shalt  }
0x4c: {  	_ =	shalt  }
0x4d: {  	_ =	shalt  }
0x4e: {  	_ =	shalt  }
0x4f: {  	_ =	shalt  }
0x50: {  	_ =	shalt  }
0x51: {  	_ =	shalt  }
0x52: {  	_ =	shalt  }
0x53: {  	_ =	shalt  }
0x54: {  	_ =	shalt  }
0x55: {  	_ =	shalt  }
0x56: {  	_ =	shalt  }
0x57: {  	_ =	shalt  }
0x58: {  	_ =	shalt  }
0x59: {  	_ =	shalt  }
0x5a: {  	_ =	shalt  }
0x5b: {  	_ =	shalt  }
0x5c: {  	_ =	shalt  }
0x5d: {  	_ =	shalt  }
0x5e: {  	_ =	shalt  }
0x5f: {  	_ =	shalt  }
0x60: {  	_ =	shalt  }
0x61: {  	_ =	shalt  }
0x62: {  	_ =	shalt  }
0x63: {  	_ =	shalt  }
0x64: {  	_ =	shalt  }
0x65: {  	_ =	shalt  }
0x66: {  	_ =	shalt  }
0x67: {  	_ =	shalt  }
0x68: {  	_ =	shalt  }
0x69: {  	_ =	shalt  }
0x6a: {  	_ =	shalt  }
0x6b: {  	_ =	shalt  }
0x6c: {  	_ =	shalt  }
0x6d: {  	_ =	shalt  }
0x6e: {  	_ =	shalt  }
0x6f: {  	_ =	shalt  }
0x70: {  	_ =	shalt  }
0x71: {  	_ =	shalt  }
0x72: {  	_ =	shalt  }
0x73: {  	_ =	shalt  }
0x74: {  	_ =	shalt  }
0x75: {  	_ =	shalt  }
0x76: {  	_ =	shalt  }
0x77: {  	_ =	shalt  }
0x78: {  	_ =	shalt  }
0x79: {  	_ =	shalt  }
0x7a: {  	_ =	shalt  }
0x7b: {  	_ =	shalt  }
0x7c: {  	_ =	shalt  }
0x7d: {  	_ =	shalt  }
0x7e: {  	_ =	shalt  }
0x7f: {  	_ =	shalt  }
0x80: {  	_ =	shalt  }
0x81: {  	_ =	shalt  }
0x82: {  	_ =	shalt  }
0x83: {  	_ =	shalt  }
0x84: {  	_ =	shalt  }
0x85: {  	_ =	shalt  }
0x86: {  	_ =	shalt  }
0x87: {  	_ =	shalt  }
.Lfunc_end0:
.L_simem_size_0:
called_computation_lowered:
.L_overlay_start_0:
0x88: {  	s2 =	sld [smem:$0x3FD9]  }
0x89: {  	s3 =	sld [smem:$0x3FFE];
	_ =	sdelay $0x1  }
0x8a: {  	s1 =	srdreg.scid  }
0x8b: {  	s0 =	sand.u32 $0x1, s1  }
0x8c: {  	s17 =	sshll.u32 s0, $0xA;
	s2 =	sadd.s32 s3, s2  }
0x8d: {  	s2 =	sadd.s32 s2, s17  }
0x8e: {  	[smem:$0x3FB7] =	sst s2  }
0x8f: {  	_ = 	snop  }
0x90: {  	s2 =	sld [smem:$0x3FD0];
	(tm) =	ssettm $0x1  }
0x91: {  	s18 =	sld [smem:$0x3FFB];
	_ =	sdelay $0x3  }
0x92: {  	_ =	strace s18  }
0x93: {  	s3 =	sld [smem:$0x3FFC];
	_ =	sdelay $0x3  }
0x94: {  	_ =	strace s3  }
0x95: {  	s3 =	sld [smem:$0x3FFD];
	_ =	sdelay $0x3  }
0x96: {  	_ =	strace s3  }
0x97: {  	_ =	strace $0x8FFFFFFF  }
0x98: {  	s19 =	sld [smem:$0x3FDB];
	_ =	sdelay $0x1  }
0x99: {  	s4 =	simm.s32 $_scs_section_size  }
0x9a: {  	s5 =	simm.s32 $_size__tile_overlayer_lowered;
	s6 =	simm.s32 $_tile_overlayer_lowered  }
0x9b: {  	s22 =	simm.s32 $0x1BFF;
	s21 =	sshll.u32 s6, $0x1;
	s3 =	sadd.s32 s4, s19  }
0x9c: {  	s7 =	simm.s32 $0x0;
	s20 =	sshll.u32 s5, $0x1;
	s5 =	sadd.s32 s21, s3  }
0x9d: {  	[timem:s7], [sflag:s22] =	dma.local [hbm:s5], s20  }
0x9e: {  	_ =	swait.ge [sflag:s22], s20  }
0x9f: {  	s4 =	ssub.s32 $0x0, s20;
	[sflag:s22] =	ssyncset.done $0x0  }
0xa0: {  	[sflag:s22] =	ssyncadd.s32 s4;
	_ =	sdelay $0x1  }
0xa1: {  	s23 =	simm.s32 $0x1B8B  }
0xa2: {  	_ =	swait.ge [sflag:s23], $0x1  }
0xa3: {  	[sflag:s23] =	ssyncset.done $0x0  }
0xa4: {  	s25 =	simm.s32 $0x1B8E;
	s24 =	sld [smem:$0x3FFE];
	[sflag:s23] =	ssyncadd.s32 $0xFFFFFFFF  }
0xa5: {  	s26 =	simm.s32 $execute0_lowered;
	[smem:$0x3FD2] =	sst s25  }
0xa6: {  	s5 =	sshll.u32 s26, $0x1;
	_ =	strace $0x80000046;
	[dreg:$0x1] =	wrdreg $0xFFFFFFFF  }
0xa7: {  	s28 =	simm.s32 $_size_execute0_lowered;
	s3 =	sadd.s32 s3, s5;
	[dreg:$0x0] =	wrdreg $0x0  }
0xa8: {  	s5 =	sshll.u32 s28, $0x1;
	[dreg:$0x2] =	wrdreg s3  }
0xa9: {  	[dreg:$0x3] =	wrdreg s5  }
0xaa: {  	[dreg:$0x4] =	wrdreg $0xC0  }
0xab: {  	_ =	task [dreg:s7], $0x5FFFF  }
0xac: {  	[dreg:$0x1] =	wrdreg $0xFFFFFFFF  }
0xad: {  	[dreg:$0x0] =	wrdreg $0x60  }
0xae: {  	[dreg:$0x2] =	wrdreg s2  }
0xaf: {  	[dreg:$0x3] =	wrdreg s24  }
0xb0: {  	[dreg:$0x4] =	wrdreg $0x52000  }
0xb1: {  	[dreg:$0x5] =	wrdreg $0x1F0E00  }
0xb2: {  	[dreg:$0x6] =	wrdreg $0x9  }
0xb3: {  	_ =	task.clear_ibuf [dreg:s7], $0x7FFFF;
	_ =	strace $0x90000046  }
0xb4: {  	s29 =	simm.s32 $0x9;
	_ =	strace $0x80000048  }
0xb5: {  	_ =	swait.ge [sflag:s29], $0x1  }
0xb6: {  	[sflag:s29] =	ssyncadd.s32 $0xFFFFFFFF  }
0xb7: {  	_ =	strace $0x90000048  }
0xb8: {  	_ =	sfence  }
0xb9: {  	s30 =	sld [smem:$0x0];
	_ =	sdelay $0x2  }
0xba: {  	s31 =	sshll.u32 s1, $0xD;
	s1 =	sshrl.u32 s1, $0x2  }
0xbb: {  	s3 =	sand.u32 $0x4000, s31;
	s1 =	sadd.s32 s1, s30  }
0xbc: {  	s0 =	sor.u32 s3, s0;
	s1 =	sshll.u32 s1, $0x11  }
0xbd: {  	s0 =	sor.u32 s1, s0  }
0xbe: {  	s0 =	sadd.s32 $0x8F2B, s0  }
0xbf: {  	[sflag:s0] =	ssyncadd.remote.s32 $0x1  }
0xc0: {  	_ =	sfence.sel $0xFFFF  }
0xc1: {  	[dreg:$0x0] =	wrdreg $0xFFFFFFFF;
	(pc) =	sbr.abs _section_cstart, $3  }
0xc2: {  	[dreg:$0x1] =	wrdreg $0xFFFFFFFF  }
0xc3: {  	_ =	task.clear_ibuf [dreg:s7], $0x2FFFF;
	_ =	strace $0x9FFFFFFF  }
0xc4: {  	(tm) =	ssettm $0x7FFFFFFF  }
0xc5: {  	_ =	shalt  }
tec
execute0_lowered:
.L_overlay_start_1:
0x0: {  	(tag) =	ssettag $0x1  }
0x1: {  	s1 =	rddreg [dreg:$0x0]  }
0x2: {  	s0 =	rddreg [dreg:$0x1];
	s2 =	srdreg.scid  }
0x3: {  	s16 =	stileid.u32;
	s3 =	rddreg [dreg:$0x2]  }
0x4: {  	s4 =	rddreg [dreg:$0x3];
	s9 =	smul.u32 $0x660, s16  }
0x5: {  	s5 =	simm.s32 $0x0;
	s2 =	sand.u32 $0x1, s2;
	s11 =	smul.u32 $0x66000, s16  }
0x6: {  	[smem:$0x7FF] =	sst s5;
	s6 =	smul.u32 $0x6600, s2;
	s12 =	ssub.s32 $0x2, s2  }
0x7: {  	s7 =	sadd.s32 $0x5200, s0;
	s18 =	sshrl.u32 s12, $0x1;
	s11 =	sshrl.u32 s11, $0x2  }
0x8: {  	s8 =	sadd.s32 s9, s6;
	s6 =	sadd.s32 $0x1DA00, s0;
	s12 =	ssub.s32 s12, s18  }
0x9: {  	s10 =	sshll.u32 s8, $0x3;
	s8 =	sshrl.u32 s8, $0x3;
	s26 =	smax.u32 s12, $0x1  }
0xa: {  	s10 =	sadd.s32 s10, s0;
	s0 =	sadd.s32 s8, s0;
	s8 =	sadd.s32 s11, s3  }
0xb: {  	_ =	strace $0x80000047;
	[dreg:$0xe] =	wrdreg s26;
	s11 =	sadd.s32 $0x1000, s8  }
0xc: {  	s19 =	sadd.s32 $0x2000, s8;
	[dreg:$0x5] =	wrdreg s11  }
0xd: {  	s13 =	sadd.s32 $0x3000, s8;
	[dreg:$0x6] =	wrdreg s19  }
0xe: {  	s21 =	sadd.s32 $0x4000, s8;
	[dreg:$0x7] =	wrdreg s13  }
0xf: {  	s14 =	sadd.s32 $0x5000, s8;
	[dreg:$0x8] =	wrdreg s21  }
0x10: {  	s24 =	sadd.s32 $0xFB200, s10;
	[dreg:$0x9] =	wrdreg s14  }
0x11: {  	s0 =	sadd.s32 $0xF9800, s0;
	[dreg:$0xc] =	wrdreg s24  }
0x12: {  	s30 =	sadd.s32 $0x6000, s8;
	[dreg:$0xd] =	wrdreg s0  }
0x13: {  	s28 =	simm.s32 $0x80;
	s31 =	sadd.s32 $0x7000, s8;
	[dreg:$0xf] =	wrdreg s30  }
0x14: {  	s29 =	simm.s32 $0x1EA00;
	s10 =	sadd.s32 $0x9000, s8;
	[dreg:$0x10] =	wrdreg s31  }
0x15: {  	s20 =	smul.u32 $0x186, s16;
	s12 =	sadd.s32 $0xB000, s8;
	[dreg:$0x12] =	wrdreg s10  }
0x16: {  	s22 =	smin.u32 s16, $0xA;
	s17 =	sadd.s32 $0xD000, s8;
	[dreg:$0x14] =	wrdreg s12  }
0x17: {  	p0 =	sgt.u32 s16, $0x9;
	s18 =	sadd.s32 $0xE000, s8;
	[dreg:$0x16] =	wrdreg s17  }
0x18: {  	s15 =	sadd.s32 s22, s20;
	s22 =	sadd.s32 $0x10000, s8;
	[dreg:$0x17] =	wrdreg s18  }
0x19: {  	s16 =	simm.s32 $0x186;
	s26 =	sadd.s32 $0x13000, s8;
	[dreg:$0x19] =	wrdreg s22  }
0x1a: {  	s2 =	smul.u32 $0x61A8, s2;
	s13 =	sadd.s32 $0xC000, s8;
	[dreg:$0x1c] =	wrdreg s26  }
0x1b: {  	s16 =	simm.s32 @!p0 $0x187;
	s21 =	sadd.s32 $0xF000, s8;
	[dreg:$0x15] =	wrdreg s13  }
0x1c: {  	s25 =	sadd.s32 $0x61A8, s2;
	s24 =	sadd.s32 $0x12000, s8;
	[dreg:$0x18] =	wrdreg s21  }
0x1d: {  	v1 =	vmov s25;
	s25 =	simm.s32 $0x4200;
	s30 =	sadd.s32 $0x14000, s8;
	[dreg:$0x1b] =	wrdreg s24  }
0x1e: {  	s11 =	sshll.u32 s15, $0x4;
	s31 =	sadd.s32 $0x15000, s8;
	[dreg:$0x1d] =	wrdreg s30  }
0x1f: {  	s14 =	sadd.s32 s9, s4;
	s23 =	sadd.s32 s6, s11;
	[dreg:$0x1e] =	wrdreg s31  }
0x20: {  	s9 =	simm.s32 $0x1;
	s11 =	sadd.s32 s7, s11;
	[dreg:$0xa] =	wrdreg s23  }
0x21: {  	s22 =	sadd.s32 $0x17000, s8;
	s9 =	simm.s32 @!p0 $0x0;
	[dreg:$0xb] =	wrdreg s11  }
0x22: {  	s19 =	sadd.s32 $0x5, s9;
	s20 =	sadd.s32 $0x7, s9;
	s9 =	sadd.s32 $0x8000, s8  }
0x23: {  	s26 =	simm.s32 $0x9;
	s11 =	sadd.s32 $0xA000, s8;
	[dreg:$0x11] =	wrdreg s9  }
0x24: {  	v4 =	vlaneseq.u32;
	v2 =	vimm.f32 $0.0e+00;
	s21 =	sadd.s32 $0x16000, s8;
	s23 =	sadd.s32 $0x11000, s8;
	[dreg:$0x13] =	wrdreg s11  }
0x25: {  	v3 =	vimm.f32 $1.000000000e+00;
	v4 =	vadd.s32 $0x61A8, v4;
	v0 =	vmov s2;
	s24 =	sadd.s32 $0x19000, s8;
	[dreg:$0x1a] =	wrdreg s23;
	s23 =	sadd.s32 $0x18000, s8  }
.LBB2_1:
0x26: {  	s2 =	simm.s32 $0x100;
	s0 =	simm.s32 $0x0  }
.LBB2_2:
0x27: {  	p0 =	sne.s32 s2, $0x3F00;
	[tilespmem:s0+$0x4230] =	vst v2;
	s9 =	smov.u32 s2;
	s2 =	sadd.s32 $0x100, s2  }
.Ltmp0:
0x28: {  	[tilespmem:s0+$0x4220] =	vst v2;
	(pc) =	sbr.rel @p0 .LBB2_2-.Ltmp0, $3  }
0x29: {  	[tilespmem:s0+$0x4200] =	vst v2  }
0x2a: {  	[tilespmem:s0+$0x4210] =	vst v2;
	_ =	sdelay $0x1  }
0x2b: {  	s0 =	sshra.s32 s9, $0x2  }
0x2c: {  	[tilespmem:s0+$0x4230] =	vst v2  }
0x2d: {  	[tilespmem:s0+$0x4220] =	vst v2  }
0x2e: {  	[tilespmem:s0+$0x4200] =	vst v2  }
0x2f: {  	[tilespmem:s0+$0x4210] =	vst v2  }
0x30: {  	[spmem:s8] =	stream.linear.scatter [tilespmem:s25], [sflag:$0x9], $0x1000, $0x38;
	[tilespmem:$0x1F740] =	vst v63  }
0x31: {  	_ =	swait.ge [sflag:s26], $0x1000  }
0x32: {  	[sflag:s26] =	ssyncset.done $0x0  }
0x33: {  	s31 =	rddreg [dreg:$0x5];
	[sflag:s26] =	ssyncadd.s32 $0xFFFFF000  }
0x34: {  	[spmem:s31] =	stream.linear.scatter [tilespmem:s25], [sflag:$0x9], $0x1000, $0x38;
	[tilespmem:$0x1F740] =	vst v63  }
0x35: {  	_ =	swait.ge [sflag:s26], $0x1000  }
0x36: {  	[sflag:s26] =	ssyncset.done $0x0  }
0x37: {  	s2 =	rddreg [dreg:$0x6];
	[sflag:s26] =	ssyncadd.s32 $0xFFFFF000  }
0x38: {  	[spmem:s2] =	stream.linear.scatter [tilespmem:s25], [sflag:$0x9], $0x1000, $0x38;
	[tilespmem:$0x1F740] =	vst v63  }
0x39: {  	_ =	swait.ge [sflag:s26], $0x1000  }
0x3a: {  	[sflag:s26] =	ssyncset.done $0x0  }
0x3b: {  	s9 =	rddreg [dreg:$0x7];
	[sflag:s26] =	ssyncadd.s32 $0xFFFFF000  }
0x3c: {  	[spmem:s9] =	stream.linear.scatter [tilespmem:s25], [sflag:$0x9], $0x1000, $0x38;
	[tilespmem:$0x1F740] =	vst v63  }
0x3d: {  	_ =	swait.ge [sflag:s26], $0x1000  }
0x3e: {  	[sflag:s26] =	ssyncset.done $0x0  }
0x3f: {  	s10 =	rddreg [dreg:$0x8];
	[sflag:s26] =	ssyncadd.s32 $0xFFFFF000  }
0x40: {  	[spmem:s10] =	stream.linear.scatter [tilespmem:s25], [sflag:$0x9], $0x1000, $0x38;
	[tilespmem:$0x1F740] =	vst v63  }
0x41: {  	_ =	swait.ge [sflag:s26], $0x1000  }
0x42: {  	[sflag:s26] =	ssyncset.done $0x0  }
0x43: {  	s11 =	rddreg [dreg:$0x9];
	[sflag:s26] =	ssyncadd.s32 $0xFFFFF000  }
0x44: {  	[spmem:s11] =	stream.linear.scatter [tilespmem:s25], [sflag:$0x9], $0x1000, $0x38;
	[tilespmem:$0x1F740] =	vst v63  }
0x45: {  	_ =	swait.ge [sflag:s26], $0x1000  }
0x46: {  	[sflag:s26] =	ssyncset.done $0x0  }
0x47: {  	s12 =	rddreg [dreg:$0xf];
	[sflag:s26] =	ssyncadd.s32 $0xFFFFF000  }
0x48: {  	[spmem:s12] =	stream.linear.scatter [tilespmem:s25], [sflag:$0x9], $0x1000, $0x38;
	[tilespmem:$0x1F740] =	vst v63  }
0x49: {  	_ =	swait.ge [sflag:s26], $0x1000  }
0x4a: {  	[sflag:s26] =	ssyncset.done $0x0  }
0x4b: {  	s13 =	rddreg [dreg:$0x10];
	[sflag:s26] =	ssyncadd.s32 $0xFFFFF000  }
0x4c: {  	[spmem:s13] =	stream.linear.scatter [tilespmem:s25], [sflag:$0x9], $0x1000, $0x38;
	[tilespmem:$0x1F740] =	vst v63  }
0x4d: {  	_ =	swait.ge [sflag:s26], $0x1000  }
0x4e: {  	[sflag:s26] =	ssyncset.done $0x0  }
0x4f: {  	s17 =	rddreg [dreg:$0x11];
	[sflag:s26] =	ssyncadd.s32 $0xFFFFF000  }
0x50: {  	[spmem:s17] =	stream.linear.scatter [tilespmem:s25], [sflag:$0x9], $0x1000, $0x38;
	[tilespmem:$0x1F740] =	vst v63  }
0x51: {  	_ =	swait.ge [sflag:s26], $0x1000  }
0x52: {  	[sflag:s26] =	ssyncset.done $0x0  }
0x53: {  	s18 =	rddreg [dreg:$0x12];
	[sflag:s26] =	ssyncadd.s32 $0xFFFFF000  }
0x54: {  	[spmem:s18] =	stream.linear.scatter [tilespmem:s25], [sflag:$0x9], $0x1000, $0x38;
	[tilespmem:$0x1F740] =	vst v63  }
0x55: {  	_ =	swait.ge [sflag:s26], $0x1000  }
0x56: {  	[sflag:s26] =	ssyncset.done $0x0  }
0x57: {  	s30 =	rddreg [dreg:$0x13];
	[sflag:s26] =	ssyncadd.s32 $0xFFFFF000  }
0x58: {  	[spmem:s30] =	stream.linear.scatter [tilespmem:s25], [sflag:$0x9], $0x1000, $0x38;
	[tilespmem:$0x1F740] =	vst v63  }
0x59: {  	_ =	swait.ge [sflag:s26], $0x1000  }
0x5a: {  	[sflag:s26] =	ssyncset.done $0x0  }
0x5b: {  	s31 =	rddreg [dreg:$0x14];
	[sflag:s26] =	ssyncadd.s32 $0xFFFFF000  }
0x5c: {  	[spmem:s31] =	stream.linear.scatter [tilespmem:s25], [sflag:$0x9], $0x1000, $0x38;
	[tilespmem:$0x1F740] =	vst v63  }
0x5d: {  	_ =	swait.ge [sflag:s26], $0x1000  }
0x5e: {  	[sflag:s26] =	ssyncset.done $0x0  }
0x5f: {  	s2 =	rddreg [dreg:$0x15];
	[sflag:s26] =	ssyncadd.s32 $0xFFFFF000  }
0x60: {  	[spmem:s2] =	stream.linear.scatter [tilespmem:s25], [sflag:$0x9], $0x1000, $0x38;
	[tilespmem:$0x1F740] =	vst v63  }
0x61: {  	_ =	swait.ge [sflag:s26], $0x1000  }
0x62: {  	[sflag:s26] =	ssyncset.done $0x0  }
0x63: {  	s9 =	rddreg [dreg:$0x16];
	[sflag:s26] =	ssyncadd.s32 $0xFFFFF000  }
0x64: {  	[spmem:s9] =	stream.linear.scatter [tilespmem:s25], [sflag:$0x9], $0x1000, $0x38;
	[tilespmem:$0x1F740] =	vst v63  }
0x65: {  	_ =	swait.ge [sflag:s26], $0x1000  }
0x66: {  	[sflag:s26] =	ssyncset.done $0x0  }
0x67: {  	s10 =	rddreg [dreg:$0x17];
	[sflag:s26] =	ssyncadd.s32 $0xFFFFF000  }
0x68: {  	[spmem:s10] =	stream.linear.scatter [tilespmem:s25], [sflag:$0x9], $0x1000, $0x38;
	[tilespmem:$0x1F740] =	vst v63  }
0x69: {  	_ =	swait.ge [sflag:s26], $0x1000  }
0x6a: {  	[sflag:s26] =	ssyncset.done $0x0  }
0x6b: {  	s11 =	rddreg [dreg:$0x18];
	[sflag:s26] =	ssyncadd.s32 $0xFFFFF000  }
0x6c: {  	[spmem:s11] =	stream.linear.scatter [tilespmem:s25], [sflag:$0x9], $0x1000, $0x38;
	[tilespmem:$0x1F740] =	vst v63  }
0x6d: {  	_ =	swait.ge [sflag:s26], $0x1000  }
0x6e: {  	[sflag:s26] =	ssyncset.done $0x0  }
0x6f: {  	s12 =	rddreg [dreg:$0x19];
	[sflag:s26] =	ssyncadd.s32 $0xFFFFF000  }
0x70: {  	[spmem:s12] =	stream.linear.scatter [tilespmem:s25], [sflag:$0x9], $0x1000, $0x38;
	[tilespmem:$0x1F740] =	vst v63  }
0x71: {  	_ =	swait.ge [sflag:s26], $0x1000  }
0x72: {  	[sflag:s26] =	ssyncset.done $0x0  }
0x73: {  	s13 =	rddreg [dreg:$0x1a];
	[sflag:s26] =	ssyncadd.s32 $0xFFFFF000  }
0x74: {  	[spmem:s13] =	stream.linear.scatter [tilespmem:s25], [sflag:$0x9], $0x1000, $0x38;
	[tilespmem:$0x1F740] =	vst v63  }
0x75: {  	_ =	swait.ge [sflag:s26], $0x1000  }
0x76: {  	[sflag:s26] =	ssyncset.done $0x0  }
0x77: {  	s17 =	rddreg [dreg:$0x1b];
	[sflag:s26] =	ssyncadd.s32 $0xFFFFF000  }
0x78: {  	[spmem:s17] =	stream.linear.scatter [tilespmem:s25], [sflag:$0x9], $0x1000, $0x38;
	[tilespmem:$0x1F740] =	vst v63  }
0x79: {  	_ =	swait.ge [sflag:s26], $0x1000  }
0x7a: {  	[sflag:s26] =	ssyncset.done $0x0  }
0x7b: {  	s18 =	rddreg [dreg:$0x1c];
	[sflag:s26] =	ssyncadd.s32 $0xFFFFF000  }
0x7c: {  	[spmem:s18] =	stream.linear.scatter [tilespmem:s25], [sflag:$0x9], $0x1000, $0x38;
	[tilespmem:$0x1F740] =	vst v63  }
0x7d: {  	_ =	swait.ge [sflag:s26], $0x1000  }
0x7e: {  	[sflag:s26] =	ssyncset.done $0x0  }
0x7f: {  	s30 =	rddreg [dreg:$0x1d];
	[sflag:s26] =	ssyncadd.s32 $0xFFFFF000  }
0x80: {  	[spmem:s30] =	stream.linear.scatter [tilespmem:s25], [sflag:$0x9], $0x1000, $0x38;
	[tilespmem:$0x1F740] =	vst v63  }
0x81: {  	_ =	swait.ge [sflag:s26], $0x1000  }
0x82: {  	[sflag:s26] =	ssyncset.done $0x0  }
0x83: {  	s31 =	rddreg [dreg:$0x1e];
	[sflag:s26] =	ssyncadd.s32 $0xFFFFF000  }
0x84: {  	[spmem:s31] =	stream.linear.scatter [tilespmem:s25], [sflag:$0x9], $0x1000, $0x38;
	[tilespmem:$0x1F740] =	vst v63  }
0x85: {  	_ =	swait.ge [sflag:s26], $0x1000  }
0x86: {  	[sflag:s26] =	ssyncset.done $0x0  }
0x87: {  	[sflag:s26] =	ssyncadd.s32 $0xFFFFF000  }
0x88: {  	[spmem:s21] =	stream.linear.scatter [tilespmem:s25], [sflag:$0x9], $0x1000, $0x38;
	[tilespmem:$0x1F740] =	vst v63  }
0x89: {  	_ =	swait.ge [sflag:s26], $0x1000  }
0x8a: {  	[sflag:s26] =	ssyncset.done $0x0  }
0x8b: {  	[sflag:s26] =	ssyncadd.s32 $0xFFFFF000  }
0x8c: {  	[spmem:s22] =	stream.linear.scatter [tilespmem:s25], [sflag:$0x9], $0x1000, $0x38;
	[tilespmem:$0x1F740] =	vst v63  }
0x8d: {  	_ =	swait.ge [sflag:s26], $0x1000  }
0x8e: {  	[sflag:s26] =	ssyncset.done $0x0  }
0x8f: {  	[sflag:s26] =	ssyncadd.s32 $0xFFFFF000  }
0x90: {  	[spmem:s23] =	stream.linear.scatter [tilespmem:s25], [sflag:$0x9], $0x1000, $0x38;
	[tilespmem:$0x1F740] =	vst v63  }
0x91: {  	_ =	swait.ge [sflag:s26], $0x1000  }
0x92: {  	[sflag:s26] =	ssyncset.done $0x0  }
0x93: {  	[sflag:s26] =	ssyncadd.s32 $0xFFFFF000  }
0x94: {  	[spmem:s24] =	stream.linear.scatter [tilespmem:s25], [sflag:$0x9], $0x800, $0x38;
	[tilespmem:$0x1F740] =	vst v63  }
0x95: {  	_ =	swait.ge [sflag:s26], $0x800  }
0x96: {  	[sflag:s26] =	ssyncset.done $0x0  }
0x97: {  	s0 =	simm.s32 $0x40;
	s2 =	simm.s32 $0x0;
	[sflag:s26] =	ssyncadd.s32 $0xFFFFF800  }
.LBB2_4:
0x98: {  	p0 =	sne.s32 s0, $0x1940;
	[tilespmem:s2+$0x1EA80] =	vst v2;
	s2 =	smov.u32 s0;
	s0 =	sadd.s32 $0x40, s0  }
.Ltmp1:
0x99: {  	(pc) =	sbr.rel @p0 .LBB2_4-.Ltmp1, $2  }
0x9a: {  	_ =	sdelay $0x2  }
0x9b: {  	s2 =	sshra.s32 s2, $0x2  }
0x9c: {  	[tilespmem:s2+$0x1EA80] =	vst v2  }
0x9d: {  	[tilespmem:$0x1EA00] =	vst v3  }
0x9e: {  	[tilespmem:$0x1EA10] =	vst v3  }
0x9f: {  	[tilespmem:$0x1EA20] =	vst v3  }
0xa0: {  	[tilespmem:$0x1EA30] =	vst v3  }
0xa1: {  	[tilespmem:$0x1EA40] =	vst v3  }
0xa2: {  	[tilespmem:$0x1EA50] =	vst v3  }
0xa3: {  	[tilespmem:$0x1EA60] =	vst v3  }
0xa4: {  	s0 =	simm.s32 $0x1EA80;
	[tilespmem:$0x1EA70] =	vst v3  }
0xa5: {  	[spmem:s14] =	stream.linear.scatter [tilespmem:s0], [sflag:$0x9], $0x660, $0x38;
	[tilespmem:$0x1F740] =	vst v63  }
0xa6: {  	_ =	swait.ge [sflag:s26], $0x660  }
0xa7: {  	[sflag:s26] =	ssyncset.done $0x0  }
0xa8: {  	[sflag:s26] =	ssyncadd.s32 $0xFFFFF9A0  }
0xa9: {  	[bflag:$0x0] =	sbarrier.arrive $0xFFFF  }
0xaa: {  	s30 =	simm.s32 $0x0;
	s17 =	rddreg [dreg:$0xa]  }
0xab: {  	[tilespmem:s30], [sflag:$0x1] =	stream.linear.gather [hbm4b:s17+s30], $0x80, $0x38;
	[tilespmem:$0x1F740] =	vst v63  }
0xac: {  	s31 =	simm.s32 $0x100;
	p0 =	por $0x0, $0x0;
	s18 =	rddreg [dreg:$0xb]  }
0xad: {  	[tilespmem:s31], [sflag:$0x1] =	stream.linear.gather [hbm4b:s18+s30], $0x80, $0x38;
	[tilespmem:$0x1F740] =	vst v63  }
.LBB2_6:
0xae: {  	s31 =	sand.u32 $0x1, s30  }
0xaf: {  	s0 =	sadd.s32 $0x1, s31  }
0xb0: {  	_ =	swait.ge [sflag:s0], $0x80  }
0xb1: {  	[sflag:s0] =	ssyncset.done $0x0  }
0xb2: {  	p2 =	seq.s32 s30, $0x0;
	[sflag:s0] =	ssyncadd.s32 $0xFFFFFF80  }
0xb3: {  	s9 =	sshll.u32 s31, $0x7;
	s2 =	sshll.u32 s31, $0xD;
	_ =	swait.ge [sflag:s0], $0x80  }
0xb4: {  	s10 =	sxor.u32 $0x1, s31;
	s2 =	sor.u32 $0x200, s2;
	[sflag:s0] =	ssyncset.done $0x0  }
0xb5: {  	s11 =	sadd.s32 @!p2 $0x5, s10;
	[sflag:s0] =	ssyncadd.s32 $0xFFFFFF80;
	s0 =	sadd.s32 $0x3, s31  }
0xb6: {  	[tilespmem:s2], [sflag:s0] =	stream.indirect.gather [hbm4b:s1+s28], $0x40, s9, s28, $0xb8;
	[tilespmem:$0x1F740] =	vst v63  }
0xb7: {  	_ =	swait.ge @!p2 [sflag:s11], $0x2000  }
0xb8: {  	s30 =	sadd.s32 $0x1, s30;
	[sflag:s11] =	ssyncset.done @!p2 $0x0  }
0xb9: {  	p1 =	sge.u32 s30, s16;
	[sflag:s11] =	ssyncadd.s32 @!p2 $0xFFFFE000;
	s11 =	sadd.s32 @!p2 $0x7, s10  }
0xba: {  	s12 =	sadd.s32 @!p1 s15, s30;
	s13 =	sadd.s32 @!p1 $0x1, s10;
	_ =	swait.ge @!p2 [sflag:s11], $0x80  }
0xbb: {  	s18 =	simm.s32 @!p1 $0x0;
	s12 =	sshll.u32 @!p1 s12, $0x4;
	[sflag:s11] =	ssyncset.done @!p2 $0x0  }
0xbc: {  	s12 =	sand.u32 @!p1 $0x1FFFFFF0, s12;
	[sflag:s11] =	ssyncadd.s32 @!p2 $0xFFFFFF80;
	s11 =	simm.s32 $0x1  }
0xbd: {  	s17 =	sadd.s32 @!p1 s6, s12;
	s10 =	sshll.u32 @!p1 s10, $0x7;
	s11 =	simm.s32 @!p0 $0x0  }
0xbe: {  	[tilespmem:s10], [sflag:s13] =	stream.linear.gather @!p1 [hbm4b:s17+s18], $0x80, $0x38;
	[tilespmem:$0x1F740] =	vst v63  }
0xbf: {  	s12 =	sadd.s32 @!p1 s7, s12;
	s10 =	sor.u32 @!p1 $0x100, s10;
	s11 =	sshll.u32 s11, $0x7  }
0xc0: {  	[tilespmem:s10], [sflag:s13] =	stream.linear.gather @!p1 [hbm4b:s12+s18], $0x80, $0x38;
	[tilespmem:$0x1F740] =	vst v63  }
0xc1: {  	s10 =	sor.u32 $0x100, s11  }
0xc2: {  	s9 =	sor.u32 $0x100, s9;
	s12 =	simm.s32 $0x10;
	s11 =	simm.s32 $0x0;
	v5 =	vld [tilespmem:s10+$0x0]  }
.LBB2_7:
0xc3: {  	p1 =	sne.s32 s12, $0x70;
	_ =	sdelay $0x3  }
.Ltmp2:
0xc4: {  	vm0 =	vge.s32 v5, v0;
	vm1 =	vlt.s32 v5, v1;
	(pc) =	sbr.rel @p1 .LBB2_7-.Ltmp2, $4  }
0xc5: {  	v6 =	vadd.s32 s11, v4;
	s11 =	smov.u32 s12;
	v5 =	vsub.s32 v5, v0;
	vm0 =	vmand vm0, vm1  }
0xc6: {  	v5 =	vsel vm0, v5, v6  }
0xc7: {  	[tilespmem:s10+$0x0] =	vst v5;
	s10 =	sadd.s32 $0x10, s10  }
0xc8: {  	s12 =	sadd.s32 $0x10, s12;
	v5 =	vld [tilespmem:s10+$0x0]  }
0xc9: {  	_ =	sdelay $0x3  }
0xca: {  	vm0 =	vge.s32 v5, v0;
	vm1 =	vlt.s32 v5, v1  }
0xcb: {  	v6 =	vadd.s32 s11, v4;
	v5 =	vsub.s32 v5, v0;
	vm0 =	vmand vm0, vm1  }
0xcc: {  	v5 =	vsel vm0, v5, v6  }
0xcd: {  	[tilespmem:s10+$0x0] =	vst v5  }
0xce: {  	p1 =	sne.s32 s30, s16;
	_ =	swait.ge [sflag:s0], $0x2000  }
.Ltmp3:
0xcf: {  	[sflag:s0] =	ssyncset.done $0x0;
	(pc) =	sbr.rel @p1 .LBB2_6-.Ltmp3, $4  }
0xd0: {  	s18 =	sadd.s32 $0x5, s31;
	[sflag:s0] =	ssyncadd.s32 $0xFFFFE000  }
0xd1: {  	[spmem:s3] =	stream.indirect.scatter.add.f32 [tilespmem:s2], [sflag:s18], $0x40, s9, s28, $0xb8;
	[tilespmem:$0x1F740] =	vst v63  }
0xd2: {  	s31 =	sadd.s32 $0x7, s31;
	p0 =	por !p0, !p0  }
0xd3: {  	[spmem:s4] =	stream.indirect.scatter.add.f32 [tilespmem:s29], [sflag:s31], $0x1, s9, s28, $0xb8;
	[tilespmem:$0x1F740] =	vst v63  }
0xd4: {  	_ =	swait.ge [sflag:s19], $0x2000  }
0xd5: {  	[sflag:s19] =	ssyncset.done $0x0  }
0xd6: {  	[sflag:s19] =	ssyncadd.s32 $0xFFFFE000  }
0xd7: {  	_ =	swait.ge [sflag:s20], $0x80  }
0xd8: {  	[sflag:s20] =	ssyncset.done $0x0  }
0xd9: {  	s0 =	stileid.u32;
	[sflag:s20] =	ssyncadd.s32 $0xFFFFFF80  }
0xda: {  	s0 =	sshll.u32 s0, $0x6;
	[bflag:$0x0] =	sbarrier.arrive $0xFFFF  }
0xdb: {  	s2 =	sshrl.u32 s8, $0x3;
	s0 =	sor.u32 $0x1C09, s0;
	s9 =	rddreg [dreg:$0xc]  }
0xdc: {  	[hbm:s9], [sflag:s0] =	dma.local [spmem:s2], $0x3300  }
0xdd: {  	_ =	swait.ge [sflag:s26], $0x3300  }
0xde: {  	[sflag:s26] =	ssyncset.done $0x0  }
0xdf: {  	s18 =	sshrl.u32 s14, $0x3;
	s30 =	rddreg [dreg:$0xd];
	[sflag:s26] =	ssyncadd.s32 $0xFFFFCD00  }
0xe0: {  	[hbm:s30], [sflag:s0] =	dma.local [spmem:s18], $0xCC  }
0xe1: {  	_ =	swait.ge [sflag:s26], $0xCC  }
0xe2: {  	s5 =	sadd.s32 $0x1, s5;
	s31 =	rddreg [dreg:$0xe]  }
0xe3: {  	p0 =	sne.s32 s5, s31  }
.Ltmp4:
0xe4: {  	_ = 	snop;
	(pc) =	sbr.rel @p0 .LBB2_1-.Ltmp4, $3  }
0xe5: {  	_ =	sdelay $0x1  }
0xe6: {  	[sflag:s26] =	ssyncset.done $0x0  }
0xe7: {  	[sflag:s26] =	ssyncadd.s32 $0xFFFFFF34  }
0xe8: {  	_ =	sfence.sel $0x180000  }
0xe9: {  	[bflag:$0x0] =	sbarrier.arrive $0xFFFF  }
0xea: {  	_ =	strace $0x90000047  }
0xeb: {  	s0 =	stileid.u32;
	[bflag:$0x2] =	sbarrier.arrive $0xFFFF  }
0xec: {  	p0 =	sne.s32 s0, $0x0;
	s0 =	rddreg [dreg:$0x4]  }
0xed: {  	s0 =	sadd.s32 @!p0 $0x100000, s0  }
0xee: {  	[sflag:s0] =	ssyncadd.tile.s32 @!p0 $0x1;
	_ =	shalt  }
.Lfunc_end2:
_tile_overlayer_lowered:
.L_overlay_start_2:
0xef: {  	(tag) =	ssettag $0x2  }
0xf0: {  	s0 =	rddreg [dreg:$0x0];
	s2 =	stileid.u32  }
0xf1: {  	s1 =	rddreg [dreg:$0x1];
	p0 =	sne.s32 s2, $0x0  }
0xf2: {  	s3 =	rddreg [dreg:$0x2];
	[bflag:$0x3] =	sbarrier.arrive $0xFFFF;
	s2 =	simm.s32 @!p0 $0x1C09  }
0xf3: {  	[timem:s3], [sflag:s2] =	dma.local @!p0 [hbm:s0], s1  }
0xf4: {  	s0 =	simm.s32 @!p0 $0x9  }
0xf5: {  	_ =	swait.ge @!p0 [sflag:s0], s1  }
0xf6: {  	s1 =	ssub.s32 @!p0 $0x0, s1;
	[sflag:s0] =	ssyncset.done @!p0 $0x0  }
0xf7: {  	[sflag:s0] =	ssyncadd.s32 @!p0 s1  }
0xf8: {  	[bflag:$0x3] =	sbarrier.arrive $0xFFFF  }
0xf9: {  	_ =	shalt  }

</sc_bundles>
